<compile_context>
chip_gen: v7x
topology: tpu7x:2x2x1
jax: 0.10.2.dev20260603
libtpu: 0.0.44.dev20260713+nightly
codegen_flags: <defaults>
</compile_context>

<pallas_src>
import functools

import jax
import jax.numpy as jnp
from jax import lax
from jax.experimental import pallas as pl
from jax.experimental.pallas import tpu as pltpu
from jax.experimental.pallas import tpu_sc as plsc

NC = 2
NS = 16
NW = NC * NS
C = 128

F32 = jnp.float32


def _relu(v):
    return jnp.maximum(v, 0.0)


def _dot(a, b):
    return jax.lax.dot_general(a, b, (((1,), (0,)), ((), ())),
                               preferred_element_type=F32)


def _k1_body(x_ref, pos_ref, winT, b_in, wdstT, wsrcT, wlinT, a1T, p1t,
             td_ref, ts_ref, xl_ref):
    h = _relu(_dot(x_ref[...], winT[...]) + b_in[...])
    q = _dot(pos_ref[...], p1t[...])
    td_ref[...] = jnp.concatenate(
        [_dot(_dot(h, wdstT[...]), a1T[...]), q], axis=1)
    ts_ref[...] = jnp.concatenate(
        [_dot(_dot(h, wsrcT[...]), a1T[...]), q], axis=1)
    xl_ref[...] = _dot(h, wlinT[...])


def _k1(x_pad, pos16, winT, b_in, wdstT, wsrcT, wlinT, a1T, p1t, npad):
    bn = 256
    grid = (npad // bn,)
    full = lambda shape: pl.BlockSpec(shape, lambda i: (0, 0))
    return pl.pallas_call(
        _k1_body,
        grid=grid,
        in_specs=[
            pl.BlockSpec((bn, 128), lambda i: (i, 0)),
            pl.BlockSpec((bn, 128), lambda i: (i, 0)),
            full((128, 128)), full((1, 128)),
            full((128, 128)), full((128, 128)), full((128, 128)),
            full((128, 64)), full((128, 64)),
        ],
        out_specs=[
            pl.BlockSpec((bn, 128), lambda i: (i, 0)),
            pl.BlockSpec((bn, 128), lambda i: (i, 0)),
            pl.BlockSpec((bn, 128), lambda i: (i, 0)),
        ],
        out_shape=[
            jax.ShapeDtypeStruct((npad, 128), F32),
            jax.ShapeDtypeStruct((npad, 128), F32),
            jax.ShapeDtypeStruct((npad, 128), F32),
        ],
    )(x_pad, pos16, winT, b_in, wdstT, wsrcT, wlinT, a1T, p1t)


def _k2_body(ep, src_hbm, dst_hbm, td_hbm, ts_hbm, xl_hbm,
             od, os_, ox,
             idxd0, idxs0, bd0, bs0, bx0,
             idxd1, idxs1, bd1, bs1, bx1,
             gsem0, gsem1, ssem0, ssem1):
    c = lax.axis_index("c")
    s = lax.axis_index("s")
    kt = ep // (NS * C)
    ka = ((kt * 61 + 99) // 100 // 2) * 2
    kb = kt - ka

    bufs = ((idxd0, idxs0, bd0, bs0, bx0, gsem0, ssem0),
            (idxd1, idxs1, bd1, bs1, bx1, gsem1, ssem1))

    def run(base0, nk):
        def fire_gather(k, p):
            idxd, idxs, bd, bs, bx, gsem, _ = bufs[p]
            pltpu.sync_copy(dst_hbm.at[pl.ds(base0 + k * C, C)], idxd)
            pltpu.sync_copy(src_hbm.at[pl.ds(base0 + k * C, C)], idxs)
            pltpu.async_copy(td_hbm.at[idxd], bd, gsem)
            pltpu.async_copy(ts_hbm.at[idxs], bs, gsem)
            pltpu.async_copy(xl_hbm.at[idxs], bx, gsem)

        def wait_gather(p):
            idxd, idxs, bd, bs, bx, gsem, _ = bufs[p]
            pltpu.make_async_copy(td_hbm.at[idxd], bd, gsem).wait()
            pltpu.make_async_copy(ts_hbm.at[idxs], bs, gsem).wait()
            pltpu.make_async_copy(xl_hbm.at[idxs], bx, gsem).wait()

        def fire_store(k, p):
            _, _, bd, bs, bx, _, ssem = bufs[p]
            sl = pl.ds(base0 + k * C, C)
            pltpu.async_copy(bd, od.at[sl], ssem)
            pltpu.async_copy(bs, os_.at[sl], ssem)
            pltpu.async_copy(bx, ox.at[sl], ssem)

        def wait_store(k, p):
            _, _, bd, bs, bx, _, ssem = bufs[p]
            sl = pl.ds(base0 + k * C, C)
            pltpu.make_async_copy(bd, od.at[sl], ssem).wait()
            pltpu.make_async_copy(bs, os_.at[sl], ssem).wait()
            pltpu.make_async_copy(bx, ox.at[sl], ssem).wait()

        fire_gather(0, 0)
        ng = nk // 2

        def body(g, _):
            k0 = 2 * g
            k1 = k0 + 1

            @pl.when(g > 0)
            def _():
                wait_store(k0 - 1, 1)

            fire_gather(k1, 1)
            wait_gather(0)
            fire_store(k0, 0)
            wait_store(k0, 0)

            @pl.when(g < ng - 1)
            def _():
                fire_gather(k0 + 2, 0)

            wait_gather(1)
            fire_store(k1, 1)
            return 0

        lax.fori_loop(0, ng, body, 0)
        wait_store(nk - 1, 1)

    @pl.when(c == 0)
    def _():
        run(s * ka * C, ka)

    @pl.when(c == 1)
    def _():
        run((NS * ka + s * kb) * C, kb)


def _k2(src, dst, td, ts, xl, ep):
    mesh = plsc.VectorSubcoreMesh(core_axis_name="c", subcore_axis_name="s")
    buf = lambda: [pltpu.VMEM((C,), jnp.int32), pltpu.VMEM((C,), jnp.int32),
                   pltpu.VMEM((C, 128), F32), pltpu.VMEM((C, 128), F32),
                   pltpu.VMEM((C, 128), F32)]
    kern = functools.partial(
        pl.kernel,
        compiler_params=pltpu.CompilerParams(use_tc_tiling_on_sc=False),
        out_type=[
            jax.ShapeDtypeStruct((ep, 128), F32),
            jax.ShapeDtypeStruct((ep, 128), F32),
            jax.ShapeDtypeStruct((ep, 128), F32),
        ],
        mesh=mesh,
        scratch_types=buf() + buf() + [pltpu.SemaphoreType.DMA] * 4,
    )(functools.partial(_k2_body, ep))
    return kern(src, dst, td, ts, xl)


def _k3_body(d_ref, s_ref, x_ref,
             e1sel, e2sel, pb1, p2t, pb2, a1t, ab1, a2t, ab2,
             ex_ref, pp_ref):
    diff = d_ref[...] - s_ref[...]
    d1 = _relu(_dot(diff, e2sel[...]) + pb1[...])
    delta = _relu(_dot(d1, p2t[...]) + pb2[...])
    z1 = _relu(_dot(delta, a1t[...]) + _dot(diff, e1sel[...])
               + ab1[...])
    alpha = _relu(_dot(z1, a2t[...]) + ab2[...])
    ex = jnp.exp(alpha)
    ex_ref[...] = ex
    pp_ref[...] = ex * (x_ref[...] + delta)


def _k3(dg, sg, xg, pb1, p2t, pb2, a1t, ab1, a2t, ab2, ep):
    be = 2048
    grid = (ep // be,)
    eye = jnp.eye(128, dtype=F32)
    e1sel = eye[:, :64]
    e2sel = eye[:, 64:]
    full = lambda shape: pl.BlockSpec(shape, lambda i: (0, 0))
    row = pl.BlockSpec((be, 128), lambda i: (i, 0))
    return pl.pallas_call(
        _k3_body,
        grid=grid,
        in_specs=[
            row, row, row,
            full((128, 64)), full((128, 64)),
            full((1, 64)), full((64, 128)), full((1, 128)),
            full((128, 64)), full((1, 64)), full((64, 128)), full((1, 128)),
        ],
        out_specs=[row, row],
        out_shape=[
            jax.ShapeDtypeStruct((ep, 128), F32),
            jax.ShapeDtypeStruct((ep, 128), F32),
        ],
    )(dg, sg, xg, e1sel, e2sel, pb1, p2t, pb2, a1t, ab1, a2t, ab2)


def _k4_body(ep, npad, dst_hbm, ex_hbm, pp_hbm, denom_hbm, num_hbm,
             acc, idxb0, rowb0, idxb1, rowb1, fsem0, fsem1):
    c = lax.axis_index("c")
    s = lax.axis_index("s")
    rows_per_tile = npad // NS
    r0 = s * rows_per_tile

    def zrow(j, _):
        for t in range(8):
            rowb0[j, pl.ds(t * 16, 16)] = jnp.zeros((16,), F32)
        return 0

    lax.fori_loop(0, C, zrow, 0)
    for t in range(rows_per_tile // C):
        pltpu.sync_copy(rowb0, acc.at[pl.ds(r0 + t * C, C)])
    plsc.subcore_barrier()

    et = ep // NS
    nk = et // C
    ng = nk // 2
    base0 = s * et
    bufs = ((idxb0, rowb0, fsem0), (idxb1, rowb1, fsem1))

    def chunk_from(src_arr):
        def fire(k, p):
            idxb, rowb, fsem = bufs[p]
            pltpu.sync_copy(dst_hbm.at[pl.ds(base0 + k * C, C)], idxb)
            pltpu.async_copy(src_arr.at[pl.ds(base0 + k * C, C)], rowb, fsem)

        def scat(k, p):
            idxb, rowb, fsem = bufs[p]
            pltpu.make_async_copy(
                src_arr.at[pl.ds(base0 + k * C, C)], rowb, fsem).wait()
            pltpu.sync_copy(rowb, acc.at[idxb], add=True)

        fire(0, 0)

        def body(g, _):
            k0 = 2 * g
            k1 = k0 + 1
            fire(k1, 1)
            scat(k0, 0)

            @pl.when(g < ng - 1)
            def _():
                fire(k0 + 2, 0)

            scat(k1, 1)
            return 0

        lax.fori_loop(0, ng, body, 0)

    @pl.when(c == 0)
    def _():
        chunk_from(ex_hbm)

    @pl.when(c == 1)
    def _():
        chunk_from(pp_hbm)

    plsc.subcore_barrier()
    for t in range(rows_per_tile // C):
        rows = pl.ds(r0 + t * C, C)

        @pl.when(c == 0)
        def _(rows=rows):
            pltpu.sync_copy(acc.at[rows], denom_hbm.at[rows])

        @pl.when(c == 1)
        def _(rows=rows):
            pltpu.sync_copy(acc.at[rows], num_hbm.at[rows])


def _k4(dst, ex, pp, ep, npad):
    mesh = plsc.VectorSubcoreMesh(core_axis_name="c", subcore_axis_name="s")
    kern = functools.partial(
        pl.kernel,
        out_type=[
            jax.ShapeDtypeStruct((npad, 128), F32),
            jax.ShapeDtypeStruct((npad, 128), F32),
        ],
        mesh=mesh,
        scratch_types=[
            pltpu.VMEM_SHARED((npad, 128), F32),
            pltpu.VMEM((C,), jnp.int32),
            pltpu.VMEM((C, 128), F32),
            pltpu.VMEM((C,), jnp.int32),
            pltpu.VMEM((C, 128), F32),
            pltpu.SemaphoreType.DMA,
            pltpu.SemaphoreType.DMA,
        ],
    )(functools.partial(_k4_body, ep, npad))
    return kern(dst, ex, pp)


def _k5_body(num_ref, den_ref, woutT, b_out, y_ref):
    out = num_ref[...] / (den_ref[...] + 1e-16)
    y_ref[...] = _relu(_dot(out, woutT[...]) + b_out[...])


def _k5(num, den, woutT, b_out, npad):
    bn = 256
    grid = (npad // bn,)
    full = lambda shape: pl.BlockSpec(shape, lambda i: (0, 0))
    return pl.pallas_call(
        _k5_body,
        grid=grid,
        in_specs=[
            pl.BlockSpec((bn, 128), lambda i: (i, 0)),
            pl.BlockSpec((bn, 128), lambda i: (i, 0)),
            full((128, 128)), full((1, 128)),
        ],
        out_specs=pl.BlockSpec((bn, 128), lambda i: (i, 0)),
        out_shape=jax.ShapeDtypeStruct((npad, 128), F32),
    )(num, den, woutT, b_out)


def kernel(x, pos, edge_index, Win, b_in, Wout, b_out, Wlin, Wsrc, Wdst,
           P1, pb1, P2, pb2, A1, ab1, A2, ab2):
    n, d = x.shape
    e = edge_index.shape[1]
    npad = ((n + 255) // 256) * 256
    ereal = e + n
    ep = ((ereal + 2 * NW * C - 1) // (2 * NW * C)) * (2 * NW * C)

    x_pad = jnp.pad(x, ((0, npad - n), (0, 0)))
    pos16 = jnp.pad(pos, ((0, npad - n), (0, 128 - pos.shape[1])))
    loop = jnp.arange(n, dtype=edge_index.dtype)
    pad_e = ep - ereal
    src = jnp.concatenate([edge_index[0], loop,
                           jnp.zeros((pad_e,), edge_index.dtype)])
    dst = jnp.concatenate([edge_index[1], loop,
                           jnp.full((pad_e,), n, edge_index.dtype)])

    winT = Win.T
    wdstT = Wdst.T
    wsrcT = Wsrc.T
    wlinT = Wlin.T
    woutT = Wout.T
    a1T = A1.T
    p1t = jnp.pad(P1.T, ((0, 128 - P1.shape[1]), (0, 0)))
    p2t = P2.T
    a2t = A2.T
    b_in2 = b_in.reshape(1, -1)
    b_out2 = b_out.reshape(1, -1)
    pb1_2 = pb1.reshape(1, -1)
    pb2_2 = pb2.reshape(1, -1)
    ab1_2 = ab1.reshape(1, -1)
    ab2_2 = ab2.reshape(1, -1)

    td, ts, xl = _k1(x_pad, pos16, winT, b_in2, wdstT, wsrcT, wlinT,
                     a1T, p1t, npad)
    dg, sg, xg = _k2(src, dst, td, ts, xl, ep)
    ex, pp = _k3(dg, sg, xg, pb1_2, p2t, pb2_2, a1T, ab1_2, a2t, ab2_2, ep)
    den, num = _k4(dst, ex, pp, ep, npad)
    y = _k5(num, den, woutT, b_out2, npad)
    return y[:n]

# --- scband reference (transcript-rebuilt; emitter-appended) ---
"""Pipeline reference for scband-transformer-block-24584392802334 (READ-ONLY COPY).

The authoritative reference and input builder live on the scoring server;
editing this copy changes nothing except your own understanding.
"""

import jax, jax.numpy as jnp
import numpy as np

N = 10000
E = 320000
D = 128


def _mlp(h, params):
    # MLP([...], batch_norm=False): Linear + ReLU after every layer
    for W, b in params:
        h = jax.nn.relu(h @ W.T + b)
    return h


def setup_inputs(seed: int = 0) -> dict:
    key = jax.random.key(seed)
    ks = jax.random.split(key, 20)
    s = 0.05
    inp = {}
    inp["x"] = jax.random.normal(ks[0], (N, D), jnp.float32)
    inp["pos"] = jax.random.normal(ks[1], (N, 3), jnp.float32)
    inp["edge_index"] = jax.random.randint(ks[2], (2, E), 0, N, jnp.int32)
    # lin_in / lin_out (with bias)
    inp["Win"] = jax.random.normal(ks[3], (D, D), jnp.float32) * s
    inp["b_in"] = jax.random.normal(ks[4], (D,), jnp.float32) * s
    inp["Wout"] = jax.random.normal(ks[5], (D, D), jnp.float32) * s
    inp["b_out"] = jax.random.normal(ks[6], (D,), jnp.float32) * s
    # PointTransformerConv internal linears (bias=False in PyG)
    inp["Wlin"] = jax.random.normal(ks[7], (D, D), jnp.float32) * s
    inp["Wsrc"] = jax.random.normal(ks[8], (D, D), jnp.float32) * s
    inp["Wdst"] = jax.random.normal(ks[9], (D, D), jnp.float32) * s
    # pos_nn: MLP([3, 64, 128])
    inp["P1"] = jax.random.normal(ks[10], (64, 3), jnp.float32) * s
    inp["pb1"] = jax.random.normal(ks[11], (64,), jnp.float32) * s
    inp["P2"] = jax.random.normal(ks[12], (D, 64), jnp.float32) * s
    inp["pb2"] = jax.random.normal(ks[13], (D,), jnp.float32) * s
    # attn_nn: MLP([128, 64, 128])
    inp["A1"] = jax.random.normal(ks[14], (64, D), jnp.float32) * s
    inp["ab1"] = jax.random.normal(ks[15], (64,), jnp.float32) * s
    inp["A2"] = jax.random.normal(ks[16], (D, 64), jnp.float32) * s
    inp["ab2"] = jax.random.normal(ks[17], (D,), jnp.float32) * s
    return inp


def reference(x, pos, edge_index, Win, b_in, Wout, b_out, Wlin, Wsrc, Wdst,
              P1, pb1, P2, pb2, A1, ab1, A2, ab2):
    n = x.shape[0]
    # lin_in + relu
    h = jax.nn.relu(x @ Win.T + b_in)
    # PointTransformerConv
    a_src = h @ Wsrc.T
    a_dst = h @ Wdst.T
    xl = h @ Wlin.T
    # add self loops (PyG default add_self_loops=True)
    loop = jnp.arange(n, dtype=edge_index.dtype)
    src = jnp.concatenate([edge_index[0], loop])  # j (source/neighbor)
    dst = jnp.concatenate([edge_index[1], loop])  # i (target)
    # positional encoding delta = pos_nn(pos_i - pos_j)
    delta = _mlp(pos[dst] - pos[src], [(P1, pb1), (P2, pb2)])
    # attention logits
    alpha = a_dst[dst] - a_src[src] + delta
    alpha = _mlp(alpha, [(A1, ab1), (A2, ab2)])
    # per-destination (per-channel) softmax over incoming edges
    amax = jax.ops.segment_max(alpha, dst, num_segments=n)
    ex = jnp.exp(alpha - amax[dst])
    denom = jax.ops.segment_sum(ex, dst, num_segments=n)
    attn = ex / (denom[dst] + 1e-16)
    # message = attn * (lin(x_j) + delta), aggregate by sum at dst
    out = jax.ops.segment_sum(attn * (xl[src] + delta), dst, num_segments=n)
    # lin_out + relu
    return jax.nn.relu(out @ Wout.T + b_out)

if __name__ == "__main__":
    import jax
    _d = setup_inputs()
    print(jax.jit(kernel)(*tuple(_d.values())))

</pallas_src>

<mosaic_0001>
#map = affine_map<(d0, d1) -> (0)>
#map1 = affine_map<(d0, d1) -> (0, 0)>
module attributes {stable_mosaic.version = 14 : i64} {
  func.func @_k4_body(%arg0: i32, %arg1: i32, %arg2: memref<335872xi32, #tpu.memory_space<hbm>>, %arg3: memref<335872x128xf32, #tpu.memory_space<hbm>>, %arg4: memref<335872x128xf32, #tpu.memory_space<hbm>>, %arg5: memref<10240x128xf32, #tpu.memory_space<hbm>>, %arg6: memref<10240x128xf32, #tpu.memory_space<hbm>>, %arg7: memref<10240x128xf32, #tpu.memory_space<vmem_shared>>, %arg8: memref<128xi32, #tpu.memory_space<vmem>>, %arg9: memref<128x128xf32, #tpu.memory_space<vmem>>, %arg10: memref<128xi32, #tpu.memory_space<vmem>>, %arg11: memref<128x128xf32, #tpu.memory_space<vmem>>, %arg12: memref<!tpu.dma_semaphore, #tpu.memory_space<semaphore_mem>>, %arg13: memref<!tpu.dma_semaphore, #tpu.memory_space<semaphore_mem>>) attributes {dimension_semantics = [#tpu.dimension_semantics<core_parallel>, #tpu.dimension_semantics<subcore_parallel>], iteration_bounds = array<i64: 2, 16>, scalar_prefetch = 0 : i64, scratch_operands = 7 : i64, tpu.core_type = #tpu.core_type<sc_vector_subcore>, window_params = [{transform_indices = #map}, {transform_indices = #map1}, {transform_indices = #map1}, {transform_indices = #map1}, {transform_indices = #map1}]} {
    %mul3A = arith.constant 640 : i32
    %mul3A_0 = arith.muli %arg1, %mul3A : i32
    %scan3A = arith.constant 0 : i32
    %scan3A_1 = arith.constant 0 : i32
    %scan3A_2 = arith.constant 128 : i32
    %scan3A_3 = arith.addi %scan3A_1, %scan3A_2 : i32
    %scan3A_4 = arith.constant 1 : i32
    %scan3A_5 = scf.for %scan3A_86 = %scan3A_1 to %scan3A_3 step %scan3A_4 iter_args(%scan3A_87 = %scan3A) -> (i32)  : i32 {
      %broadcast_in_dim3A = arith.constant 0.000000e+00 : f32
      %broadcast_in_dim3A_88 = vector.broadcast %broadcast_in_dim3A : f32 to vector<16xf32>
      %swap3A = arith.index_cast %scan3A_86 : i32 to index
      %swap3A_89 = arith.constant 0 : index
      %swap3A_90 = tpu.vector_load %arg9[%swap3A, %swap3A_89] {strides = array<i32>} : memref<128x128xf32, #tpu.memory_space<vmem>>, vector<1x16xf32>,
      %swap3A_91 = vector.shape_cast %swap3A_90 : vector<1x16xf32> to vector<16xf32>
      %swap3A_92 = vector.shape_cast %broadcast_in_dim3A_88 : vector<16xf32> to vector<1x16xf32>
      tpu.vector_store %arg9[%swap3A, %swap3A_89], %swap3A_92 {strides = array<i32>} : memref<128x128xf32, #tpu.memory_space<vmem>>, vector<1x16xf32>,
      %broadcast_in_dim3A_93 = arith.constant 0.000000e+00 : f32
      %broadcast_in_dim3A_94 = vector.broadcast %broadcast_in_dim3A_93 : f32 to vector<16xf32>
      %swap3A_95 = arith.index_cast %scan3A_86 : i32 to index
      %swap3A_96 = arith.constant 16 : index
      %swap3A_97 = tpu.vector_load %arg9[%swap3A_95, %swap3A_96] {strides = array<i32>} : memref<128x128xf32, #tpu.memory_space<vmem>>, vector<1x16xf32>,
      %swap3A_98 = vector.shape_cast %swap3A_97 : vector<1x16xf32> to vector<16xf32>
      %swap3A_99 = vector.shape_cast %broadcast_in_dim3A_94 : vector<16xf32> to vector<1x16xf32>
      tpu.vector_store %arg9[%swap3A_95, %swap3A_96], %swap3A_99 {strides = array<i32>} : memref<128x128xf32, #tpu.memory_space<vmem>>, vector<1x16xf32>,
      %broadcast_in_dim3A_100 = arith.constant 0.000000e+00 : f32
      %broadcast_in_dim3A_101 = vector.broadcast %broadcast_in_dim3A_100 : f32 to vector<16xf32>
      %swap3A_102 = arith.index_cast %scan3A_86 : i32 to index
      %swap3A_103 = arith.constant 32 : index
      %swap3A_104 = tpu.vector_load %arg9[%swap3A_102, %swap3A_103] {strides = array<i32>} : memref<128x128xf32, #tpu.memory_space<vmem>>, vector<1x16xf32>,
      %swap3A_105 = vector.shape_cast %swap3A_104 : vector<1x16xf32> to vector<16xf32>
      %swap3A_106 = vector.shape_cast %broadcast_in_dim3A_101 : vector<16xf32> to vector<1x16xf32>
      tpu.vector_store %arg9[%swap3A_102, %swap3A_103], %swap3A_106 {strides = array<i32>} : memref<128x128xf32, #tpu.memory_space<vmem>>, vector<1x16xf32>,
      %broadcast_in_dim3A_107 = arith.constant 0.000000e+00 : f32
      %broadcast_in_dim3A_108 = vector.broadcast %broadcast_in_dim3A_107 : f32 to vector<16xf32>
      %swap3A_109 = arith.index_cast %scan3A_86 : i32 to index
      %swap3A_110 = arith.constant 48 : index
      %swap3A_111 = tpu.vector_load %arg9[%swap3A_109, %swap3A_110] {strides = array<i32>} : memref<128x128xf32, #tpu.memory_space<vmem>>, vector<1x16xf32>,
      %swap3A_112 = vector.shape_cast %swap3A_111 : vector<1x16xf32> to vector<16xf32>
      %swap3A_113 = vector.shape_cast %broadcast_in_dim3A_108 : vector<16xf32> to vector<1x16xf32>
      tpu.vector_store %arg9[%swap3A_109, %swap3A_110], %swap3A_113 {strides = array<i32>} : memref<128x128xf32, #tpu.memory_space<vmem>>, vector<1x16xf32>,
      %broadcast_in_dim3A_114 = arith.constant 0.000000e+00 : f32
      %broadcast_in_dim3A_115 = vector.broadcast %broadcast_in_dim3A_114 : f32 to vector<16xf32>
      %swap3A_116 = arith.index_cast %scan3A_86 : i32 to index
      %swap3A_117 = arith.constant 64 : index
      %swap3A_118 = tpu.vector_load %arg9[%swap3A_116, %swap3A_117] {strides = array<i32>} : memref<128x128xf32, #tpu.memory_space<vmem>>, vector<1x16xf32>,
      %swap3A_119 = vector.shape_cast %swap3A_118 : vector<1x16xf32> to vector<16xf32>
      %swap3A_120 = vector.shape_cast %broadcast_in_dim3A_115 : vector<16xf32> to vector<1x16xf32>
      tpu.vector_store %arg9[%swap3A_116, %swap3A_117], %swap3A_120 {strides = array<i32>} : memref<128x128xf32, #tpu.memory_space<vmem>>, vector<1x16xf32>,
      %broadcast_in_dim3A_121 = arith.constant 0.000000e+00 : f32
      %broadcast_in_dim3A_122 = vector.broadcast %broadcast_in_dim3A_121 : f32 to vector<16xf32>
      %swap3A_123 = arith.index_cast %scan3A_86 : i32 to index
      %swap3A_124 = arith.constant 80 : index
      %swap3A_125 = tpu.vector_load %arg9[%swap3A_123, %swap3A_124] {strides = array<i32>} : memref<128x128xf32, #tpu.memory_space<vmem>>, vector<1x16xf32>,
      %swap3A_126 = vector.shape_cast %swap3A_125 : vector<1x16xf32> to vector<16xf32>
      %swap3A_127 = vector.shape_cast %broadcast_in_dim3A_122 : vector<16xf32> to vector<1x16xf32>
      tpu.vector_store %arg9[%swap3A_123, %swap3A_124], %swap3A_127 {strides = array<i32>} : memref<128x128xf32, #tpu.memory_space<vmem>>, vector<1x16xf32>,
      %broadcast_in_dim3A_128 = arith.constant 0.000000e+00 : f32
      %broadcast_in_dim3A_129 = vector.broadcast %broadcast_in_dim3A_128 : f32 to vector<16xf32>
      %swap3A_130 = arith.index_cast %scan3A_86 : i32 to index
      %swap3A_131 = arith.constant 96 : index
      %swap3A_132 = tpu.vector_load %arg9[%swap3A_130, %swap3A_131] {strides = array<i32>} : memref<128x128xf32, #tpu.memory_space<vmem>>, vector<1x16xf32>,
      %swap3A_133 = vector.shape_cast %swap3A_132 : vector<1x16xf32> to vector<16xf32>
      %swap3A_134 = vector.shape_cast %broadcast_in_dim3A_129 : vector<16xf32> to vector<1x16xf32>
      tpu.vector_store %arg9[%swap3A_130, %swap3A_131], %swap3A_134 {strides = array<i32>} : memref<128x128xf32, #tpu.memory_space<vmem>>, vector<1x16xf32>,
      %broadcast_in_dim3A_135 = arith.constant 0.000000e+00 : f32
      %broadcast_in_dim3A_136 = vector.broadcast %broadcast_in_dim3A_135 : f32 to vector<16xf32>
      %swap3A_137 = arith.index_cast %scan3A_86 : i32 to index
      %swap3A_138 = arith.constant 112 : index
      %swap3A_139 = tpu.vector_load %arg9[%swap3A_137, %swap3A_138] {strides = array<i32>} : memref<128x128xf32, #tpu.memory_space<vmem>>, vector<1x16xf32>,
      %swap3A_140 = vector.shape_cast %swap3A_139 : vector<1x16xf32> to vector<16xf32>
      %swap3A_141 = vector.shape_cast %broadcast_in_dim3A_136 : vector<16xf32> to vector<1x16xf32>
      tpu.vector_store %arg9[%swap3A_137, %swap3A_138], %swap3A_141 {strides = array<i32>} : memref<128x128xf32, #tpu.memory_space<vmem>>, vector<1x16xf32>,
      %scan3A_142 = arith.constant 0 : i32
      scf.yield %scan3A_142 : i32
    }
    %scan3A_6 = arith.constant 128 : i32
    %add3A = arith.constant 0 : i32
    %add3A_7 = arith.addi %mul3A_0, %add3A : i32
    "tpu.region"() ({
      %run_scoped3A = tpu.sem_alloc : memref<!tpu.dma_semaphore, #tpu.memory_space<semaphore_mem>>
      %dma_start3A = arith.constant 0 : i32
      %dma_start3A_86 = tpu.memref_slice %arg7[%add3A_7, %dma_start3A] : memref<10240x128xf32, #tpu.memory_space<vmem_shared>> -> memref<128x128xf32, #tpu.memory_space<vmem_shared>>
      %dma_start3A_87 = arith.constant 0 : i32
      %dma_start3A_88 = tpu.memref_slice %arg7[%add3A_7, %dma_start3A_87] : memref<10240x128xf32, #tpu.memory_space<vmem_shared>> -> memref<128x128xf32, #tpu.memory_space<vmem_shared>>
      tpu.enqueue_dma source(%arg9 : memref<128x128xf32, #tpu.memory_space<vmem>>) target(%dma_start3A_88 : memref<128x128xf32, #tpu.memory_space<vmem_shared>>) target_semaphore(%run_scoped3A : memref<!tpu.dma_semaphore, #tpu.memory_space<semaphore_mem>>)
      %dma_wait3A = arith.constant 0 : i32
      %dma_wait3A_89 = tpu.memref_slice %arg7[%add3A_7, %dma_wait3A] : memref<10240x128xf32, #tpu.memory_space<vmem_shared>> -> memref<128x128xf32, #tpu.memory_space<vmem_shared>>
      %dma_wait3A_90 = arith.constant 0 : i32
      %dma_wait3A_91 = tpu.memref_slice %arg7[%add3A_7, %dma_wait3A_90] : memref<10240x128xf32, #tpu.memory_space<vmem_shared>> -> memref<128x128xf32, #tpu.memory_space<vmem_shared>>
      tpu.wait_dma2 semaphore(%run_scoped3A : memref<!tpu.dma_semaphore, #tpu.memory_space<semaphore_mem>>) src(%arg9 : memref<128x128xf32, #tpu.memory_space<vmem>>) dst(%dma_wait3A_91 : memref<128x128xf32, #tpu.memory_space<vmem_shared>>)
      tpu.yield
    }) : () -> ()
    %add3A_8 = arith.constant 128 : i32
    %add3A_9 = arith.addi %mul3A_0, %add3A_8 : i32
    "tpu.region"() ({
      %run_scoped3A = tpu.sem_alloc : memref<!tpu.dma_semaphore, #tpu.memory_space<semaphore_mem>>
      %dma_start3A = arith.constant 0 : i32
      %dma_start3A_86 = tpu.memref_slice %arg7[%add3A_9, %dma_start3A] : memref<10240x128xf32, #tpu.memory_space<vmem_shared>> -> memref<128x128xf32, #tpu.memory_space<vmem_shared>>
      %dma_start3A_87 = arith.constant 0 : i32
      %dma_start3A_88 = tpu.memref_slice %arg7[%add3A_9, %dma_start3A_87] : memref<10240x128xf32, #tpu.memory_space<vmem_shared>> -> memref<128x128xf32, #tpu.memory_space<vmem_shared>>
      tpu.enqueue_dma source(%arg9 : memref<128x128xf32, #tpu.memory_space<vmem>>) target(%dma_start3A_88 : memref<128x128xf32, #tpu.memory_space<vmem_shared>>) target_semaphore(%run_scoped3A : memref<!tpu.dma_semaphore, #tpu.memory_space<semaphore_mem>>)
      %dma_wait3A = arith.constant 0 : i32
      %dma_wait3A_89 = tpu.memref_slice %arg7[%add3A_9, %dma_wait3A] : memref<10240x128xf32, #tpu.memory_space<vmem_shared>> -> memref<128x128xf32, #tpu.memory_space<vmem_shared>>
      %dma_wait3A_90 = arith.constant 0 : i32
      %dma_wait3A_91 = tpu.memref_slice %arg7[%add3A_9, %dma_wait3A_90] : memref<10240x128xf32, #tpu.memory_space<vmem_shared>> -> memref<128x128xf32, #tpu.memory_space<vmem_shared>>
      tpu.wait_dma2 semaphore(%run_scoped3A : memref<!tpu.dma_semaphore, #tpu.memory_space<semaphore_mem>>) src(%arg9 : memref<128x128xf32, #tpu.memory_space<vmem>>) dst(%dma_wait3A_91 : memref<128x128xf32, #tpu.memory_space<vmem_shared>>)
      tpu.yield
    }) : () -> ()
    %add3A_10 = arith.constant 256 : i32
    %add3A_11 = arith.addi %mul3A_0, %add3A_10 : i32
    "tpu.region"() ({
      %run_scoped3A = tpu.sem_alloc : memref<!tpu.dma_semaphore, #tpu.memory_space<semaphore_mem>>
      %dma_start3A = arith.constant 0 : i32
      %dma_start3A_86 = tpu.memref_slice %arg7[%add3A_11, %dma_start3A] : memref<10240x128xf32, #tpu.memory_space<vmem_shared>> -> memref<128x128xf32, #tpu.memory_space<vmem_shared>>
      %dma_start3A_87 = arith.constant 0 : i32
      %dma_start3A_88 = tpu.memref_slice %arg7[%add3A_11, %dma_start3A_87] : memref<10240x128xf32, #tpu.memory_space<vmem_shared>> -> memref<128x128xf32, #tpu.memory_space<vmem_shared>>
      tpu.enqueue_dma source(%arg9 : memref<128x128xf32, #tpu.memory_space<vmem>>) target(%dma_start3A_88 : memref<128x128xf32, #tpu.memory_space<vmem_shared>>) target_semaphore(%run_scoped3A : memref<!tpu.dma_semaphore, #tpu.memory_space<semaphore_mem>>)
      %dma_wait3A = arith.constant 0 : i32
      %dma_wait3A_89 = tpu.memref_slice %arg7[%add3A_11, %dma_wait3A] : memref<10240x128xf32, #tpu.memory_space<vmem_shared>> -> memref<128x128xf32, #tpu.memory_space<vmem_shared>>
      %dma_wait3A_90 = arith.constant 0 : i32
      %dma_wait3A_91 = tpu.memref_slice %arg7[%add3A_11, %dma_wait3A_90] : memref<10240x128xf32, #tpu.memory_space<vmem_shared>> -> memref<128x128xf32, #tpu.memory_space<vmem_shared>>
      tpu.wait_dma2 semaphore(%run_scoped3A : memref<!tpu.dma_semaphore, #tpu.memory_space<semaphore_mem>>) src(%arg9 : memref<128x128xf32, #tpu.memory_space<vmem>>) dst(%dma_wait3A_91 : memref<128x128xf32, #tpu.memory_space<vmem_shared>>)
      tpu.yield
    }) : () -> ()
    %add3A_12 = arith.constant 384 : i32
    %add3A_13 = arith.addi %mul3A_0, %add3A_12 : i32
    "tpu.region"() ({
      %run_scoped3A = tpu.sem_alloc : memref<!tpu.dma_semaphore, #tpu.memory_space<semaphore_mem>>
      %dma_start3A = arith.constant 0 : i32
      %dma_start3A_86 = tpu.memref_slice %arg7[%add3A_13, %dma_start3A] : memref<10240x128xf32, #tpu.memory_space<vmem_shared>> -> memref<128x128xf32, #tpu.memory_space<vmem_shared>>
      %dma_start3A_87 = arith.constant 0 : i32
      %dma_start3A_88 = tpu.memref_slice %arg7[%add3A_13, %dma_start3A_87] : memref<10240x128xf32, #tpu.memory_space<vmem_shared>> -> memref<128x128xf32, #tpu.memory_space<vmem_shared>>
      tpu.enqueue_dma source(%arg9 : memref<128x128xf32, #tpu.memory_space<vmem>>) target(%dma_start3A_88 : memref<128x128xf32, #tpu.memory_space<vmem_shared>>) target_semaphore(%run_scoped3A : memref<!tpu.dma_semaphore, #tpu.memory_space<semaphore_mem>>)
      %dma_wait3A = arith.constant 0 : i32
      %dma_wait3A_89 = tpu.memref_slice %arg7[%add3A_13, %dma_wait3A] : memref<10240x128xf32, #tpu.memory_space<vmem_shared>> -> memref<128x128xf32, #tpu.memory_space<vmem_shared>>
      %dma_wait3A_90 = arith.constant 0 : i32
      %dma_wait3A_91 = tpu.memref_slice %arg7[%add3A_13, %dma_wait3A_90] : memref<10240x128xf32, #tpu.memory_space<vmem_shared>> -> memref<128x128xf32, #tpu.memory_space<vmem_shared>>
      tpu.wait_dma2 semaphore(%run_scoped3A : memref<!tpu.dma_semaphore, #tpu.memory_space<semaphore_mem>>) src(%arg9 : memref<128x128xf32, #tpu.memory_space<vmem>>) dst(%dma_wait3A_91 : memref<128x128xf32, #tpu.memory_space<vmem_shared>>)
      tpu.yield
    }) : () -> ()
    %add3A_14 = arith.constant 512 : i32
    %add3A_15 = arith.addi %mul3A_0, %add3A_14 : i32
    "tpu.region"() ({
      %run_scoped3A = tpu.sem_alloc : memref<!tpu.dma_semaphore, #tpu.memory_space<semaphore_mem>>
      %dma_start3A = arith.constant 0 : i32
      %dma_start3A_86 = tpu.memref_slice %arg7[%add3A_15, %dma_start3A] : memref<10240x128xf32, #tpu.memory_space<vmem_shared>> -> memref<128x128xf32, #tpu.memory_space<vmem_shared>>
      %dma_start3A_87 = arith.constant 0 : i32
      %dma_start3A_88 = tpu.memref_slice %arg7[%add3A_15, %dma_start3A_87] : memref<10240x128xf32, #tpu.memory_space<vmem_shared>> -> memref<128x128xf32, #tpu.memory_space<vmem_shared>>
      tpu.enqueue_dma source(%arg9 : memref<128x128xf32, #tpu.memory_space<vmem>>) target(%dma_start3A_88 : memref<128x128xf32, #tpu.memory_space<vmem_shared>>) target_semaphore(%run_scoped3A : memref<!tpu.dma_semaphore, #tpu.memory_space<semaphore_mem>>)
      %dma_wait3A = arith.constant 0 : i32
      %dma_wait3A_89 = tpu.memref_slice %arg7[%add3A_15, %dma_wait3A] : memref<10240x128xf32, #tpu.memory_space<vmem_shared>> -> memref<128x128xf32, #tpu.memory_space<vmem_shared>>
      %dma_wait3A_90 = arith.constant 0 : i32
      %dma_wait3A_91 = tpu.memref_slice %arg7[%add3A_15, %dma_wait3A_90] : memref<10240x128xf32, #tpu.memory_space<vmem_shared>> -> memref<128x128xf32, #tpu.memory_space<vmem_shared>>
      tpu.wait_dma2 semaphore(%run_scoped3A : memref<!tpu.dma_semaphore, #tpu.memory_space<semaphore_mem>>) src(%arg9 : memref<128x128xf32, #tpu.memory_space<vmem>>) dst(%dma_wait3A_91 : memref<128x128xf32, #tpu.memory_space<vmem_shared>>)
      tpu.yield
    }) : () -> ()
    %barrier3A = arith.constant 0 : index
    tpu.barrier barrier_id(%barrier3A)
    %mul3A_16 = arith.constant 20992 : i32
    %mul3A_17 = arith.muli %arg1, %mul3A_16 : i32
    %eq3A = arith.constant 0 : i32
    %eq3A_18 = arith.cmpi eq, %arg0, %eq3A : i32
    %convert_element_type3A = arith.extui %eq3A_18 : i1 to i32
    %cond3A = arith.constant 0 : i32
    %cond3A_19 = arith.cmpi ne, %convert_element_type3A, %cond3A : i32
    scf.if %cond3A_19 {
      %add3A_86 = arith.constant 0 : i32
      %add3A_87 = arith.addi %mul3A_17, %add3A_86 : i32
      "tpu.region"() ({
        %run_scoped3A = tpu.sem_alloc : memref<!tpu.dma_semaphore, #tpu.memory_space<semaphore_mem>>
        %dma_start3A_100 = tpu.memref_slice %arg2[%add3A_87] : memref<335872xi32, #tpu.memory_space<hbm>> -> memref<128xi32, #tpu.memory_space<hbm>>
        %dma_start3A_101 = tpu.memref_slice %arg2[%add3A_87] : memref<335872xi32, #tpu.memory_space<hbm>> -> memref<128xi32, #tpu.memory_space<hbm>>
        tpu.enqueue_dma source(%dma_start3A_101 : memref<128xi32, #tpu.memory_space<hbm>>) target(%arg8 : memref<128xi32, #tpu.memory_space<vmem>>) target_semaphore(%run_scoped3A : memref<!tpu.dma_semaphore, #tpu.memory_space<semaphore_mem>>)
        %dma_wait3A = tpu.memref_slice %arg2[%add3A_87] : memref<335872xi32, #tpu.memory_space<hbm>> -> memref<128xi32, #tpu.memory_space<hbm>>
        %dma_wait3A_102 = tpu.memref_slice %arg2[%add3A_87] : memref<335872xi32, #tpu.memory_space<hbm>> -> memref<128xi32, #tpu.memory_space<hbm>>
        tpu.wait_dma2 semaphore(%run_scoped3A : memref<!tpu.dma_semaphore, #tpu.memory_space<semaphore_mem>>) src(%dma_wait3A_102 : memref<128xi32, #tpu.memory_space<hbm>>) dst(%arg8 : memref<128xi32, #tpu.memory_space<vmem>>)
        tpu.yield
      }) : () -> ()
      %add3A_88 = arith.constant 0 : i32
      %add3A_89 = arith.addi %mul3A_17, %add3A_88 : i32
      %dma_start3A = arith.constant 0 : i32
      %dma_start3A_90 = tpu.memref_slice %arg3[%add3A_89, %dma_start3A] : memref<335872x128xf32, #tpu.memory_space<hbm>> -> memref<128x128xf32, #tpu.memory_space<hbm>>
      %dma_start3A_91 = arith.constant 0 : i32
      %dma_start3A_92 = tpu.memref_slice %arg3[%add3A_89, %dma_start3A_91] : memref<335872x128xf32, #tpu.memory_space<hbm>> -> memref<128x128xf32, #tpu.memory_space<hbm>>
      tpu.enqueue_dma source(%dma_start3A_92 : memref<128x128xf32, #tpu.memory_space<hbm>>) target(%arg9 : memref<128x128xf32, #tpu.memory_space<vmem>>) target_semaphore(%arg12 : memref<!tpu.dma_semaphore, #tpu.memory_space<semaphore_mem>>)
      %scan3A_93 = arith.constant 0 : i32
      %scan3A_94 = arith.constant 0 : i32
      %scan3A_95 = arith.constant 82 : i32
      %scan3A_96 = arith.addi %scan3A_94, %scan3A_95 : i32
      %scan3A_97 = arith.constant 1 : i32
      %scan3A_98 = scf.for %scan3A_100 = %scan3A_94 to %scan3A_96 step %scan3A_97 iter_args(%scan3A_101 = %scan3A_93) -> (i32)  : i32 {
        %mul3A_102 = arith.constant 2 : i32
        %mul3A_103 = arith.muli %mul3A_102, %scan3A_100 : i32
        %add3A_104 = arith.constant 1 : i32
        %add3A_105 = arith.addi %mul3A_103, %add3A_104 : i32
        %mul3A_106 = arith.constant 128 : i32
        %mul3A_107 = arith.muli %add3A_105, %mul3A_106 : i32
        %add3A_108 = arith.addi %mul3A_17, %mul3A_107 : i32
        "tpu.region"() ({
          %run_scoped3A = tpu.sem_alloc : memref<!tpu.dma_semaphore, #tpu.memory_space<semaphore_mem>>
          %dma_start3A_134 = tpu.memref_slice %arg2[%add3A_108] : memref<335872xi32, #tpu.memory_space<hbm>> -> memref<128xi32, #tpu.memory_space<hbm>>
          %dma_start3A_135 = tpu.memref_slice %arg2[%add3A_108] : memref<335872xi32, #tpu.memory_space<hbm>> -> memref<128xi32, #tpu.memory_space<hbm>>
          tpu.enqueue_dma source(%dma_start3A_135 : memref<128xi32, #tpu.memory_space<hbm>>) target(%arg10 : memref<128xi32, #tpu.memory_space<vmem>>) target_semaphore(%run_scoped3A : memref<!tpu.dma_semaphore, #tpu.memory_space<semaphore_mem>>)
          %dma_wait3A_136 = tpu.memref_slice %arg2[%add3A_108] : memref<335872xi32, #tpu.memory_space<hbm>> -> memref<128xi32, #tpu.memory_space<hbm>>
          %dma_wait3A_137 = tpu.memref_slice %arg2[%add3A_108] : memref<335872xi32, #tpu.memory_space<hbm>> -> memref<128xi32, #tpu.memory_space<hbm>>
          tpu.wait_dma2 semaphore(%run_scoped3A : memref<!tpu.dma_semaphore, #tpu.memory_space<semaphore_mem>>) src(%dma_wait3A_137 : memref<128xi32, #tpu.memory_space<hbm>>) dst(%arg10 : memref<128xi32, #tpu.memory_space<vmem>>)
          tpu.yield
        }) : () -> ()
        %mul3A_109 = arith.constant 128 : i32
        %mul3A_110 = arith.muli %add3A_105, %mul3A_109 : i32
        %add3A_111 = arith.addi %mul3A_17, %mul3A_110 : i32
        %dma_start3A_112 = arith.constant 0 : i32
        %dma_start3A_113 = tpu.memref_slice %arg3[%add3A_111, %dma_start3A_112] : memref<335872x128xf32, #tpu.memory_space<hbm>> -> memref<128x128xf32, #tpu.memory_space<hbm>>
        %dma_start3A_114 = arith.constant 0 : i32
        %dma_start3A_115 = tpu.memref_slice %arg3[%add3A_111, %dma_start3A_114] : memref<335872x128xf32, #tpu.memory_space<hbm>> -> memref<128x128xf32, #tpu.memory_space<hbm>>
        tpu.enqueue_dma source(%dma_start3A_115 : memref<128x128xf32, #tpu.memory_space<hbm>>) target(%arg11 : memref<128x128xf32, #tpu.memory_space<vmem>>) target_semaphore(%arg13 : memref<!tpu.dma_semaphore, #tpu.memory_space<semaphore_mem>>)
        %mul3A_116 = arith.constant 128 : i32
        %mul3A_117 = arith.muli %mul3A_103, %mul3A_116 : i32
        %add3A_118 = arith.addi %mul3A_17, %mul3A_117 : i32
        %dma_wait3A = arith.constant 0 : i32
        %dma_wait3A_119 = tpu.memref_slice %arg3[%add3A_118, %dma_wait3A] : memref<335872x128xf32, #tpu.memory_space<hbm>> -> memref<128x128xf32, #tpu.memory_space<hbm>>
        %dma_wait3A_120 = arith.constant 0 : i32
        %dma_wait3A_121 = tpu.memref_slice %arg3[%add3A_118, %dma_wait3A_120] : memref<335872x128xf32, #tpu.memory_space<hbm>> -> memref<128x128xf32, #tpu.memory_space<hbm>>
        tpu.wait_dma2 semaphore(%arg12 : memref<!tpu.dma_semaphore, #tpu.memory_space<semaphore_mem>>) src(%dma_wait3A_121 : memref<128x128xf32, #tpu.memory_space<hbm>>) dst(%arg9 : memref<128x128xf32, #tpu.memory_space<vmem>>)
        "tpu.region"() ({
          %run_scoped3A = tpu.sem_alloc : memref<!tpu.dma_semaphore, #tpu.memory_space<semaphore_mem>>
          %dma_start3A_134 = arith.constant 0 : i32
          %dma_start3A_135 = arith.constant 0 : i32
          %dma_start3A_136 = tpu.memref_slice %arg7[%dma_start3A_134, %dma_start3A_135] : memref<10240x128xf32, #tpu.memory_space<vmem_shared>> -> memref<10240x128xf32, #tpu.memory_space<vmem_shared>>
          tpu.enqueue_indirect_dma source(%arg9 : memref<128x128xf32, #tpu.memory_space<vmem>>) target(%dma_start3A_136 : memref<10240x128xf32, #tpu.memory_space<vmem_shared>>) offsets(%arg8 : memref<128xi32, #tpu.memory_space<vmem>>) semaphore(%run_scoped3A : memref<!tpu.dma_semaphore, #tpu.memory_space<semaphore_mem>>) {add = true}
          %dma_wait3A_137 = arith.constant 0 : i32
          %dma_wait3A_138 = arith.constant 0 : i32
          %dma_wait3A_139 = tpu.memref_slice %arg7[%dma_wait3A_137, %dma_wait3A_138] : memref<10240x128xf32, #tpu.memory_space<vmem_shared>> -> memref<10240x128xf32, #tpu.memory_space<vmem_shared>>
          tpu.wait_indirect_dma semaphore(%run_scoped3A : memref<!tpu.dma_semaphore, #tpu.memory_space<semaphore_mem>>) src(%arg9 : memref<128x128xf32, #tpu.memory_space<vmem>>) dst(%dma_wait3A_139 : memref<10240x128xf32, #tpu.memory_space<vmem_shared>>)
          tpu.yield
        }) : () -> ()
        %lt3A = arith.constant 81 : i32
        %lt3A_122 = arith.cmpi slt, %scan3A_100, %lt3A : i32
        %convert_element_type3A_123 = arith.extui %lt3A_122 : i1 to i32
        %cond3A_124 = arith.constant 0 : i32
        %cond3A_125 = arith.cmpi ne, %convert_element_type3A_123, %cond3A_124 : i32
        scf.if %cond3A_125 {
          %add3A_134 = arith.constant 2 : i32
          %add3A_135 = arith.addi %mul3A_103, %add3A_134 : i32
          %mul3A_136 = arith.constant 128 : i32
          %mul3A_137 = arith.muli %add3A_135, %mul3A_136 : i32
          %add3A_138 = arith.addi %mul3A_17, %mul3A_137 : i32
          "tpu.region"() ({
            %run_scoped3A = tpu.sem_alloc : memref<!tpu.dma_semaphore, #tpu.memory_space<semaphore_mem>>
            %dma_start3A_146 = tpu.memref_slice %arg2[%add3A_138] : memref<335872xi32, #tpu.memory_space<hbm>> -> memref<128xi32, #tpu.memory_space<hbm>>
            %dma_start3A_147 = tpu.memref_slice %arg2[%add3A_138] : memref<335872xi32, #tpu.memory_space<hbm>> -> memref<128xi32, #tpu.memory_space<hbm>>
            tpu.enqueue_dma source(%dma_start3A_147 : memref<128xi32, #tpu.memory_space<hbm>>) target(%arg8 : memref<128xi32, #tpu.memory_space<vmem>>) target_semaphore(%run_scoped3A : memref<!tpu.dma_semaphore, #tpu.memory_space<semaphore_mem>>)
            %dma_wait3A_148 = tpu.memref_slice %arg2[%add3A_138] : memref<335872xi32, #tpu.memory_space<hbm>> -> memref<128xi32, #tpu.memory_space<hbm>>
            %dma_wait3A_149 = tpu.memref_slice %arg2[%add3A_138] : memref<335872xi32, #tpu.memory_space<hbm>> -> memref<128xi32, #tpu.memory_space<hbm>>
            tpu.wait_dma2 semaphore(%run_scoped3A : memref<!tpu.dma_semaphore, #tpu.memory_space<semaphore_mem>>) src(%dma_wait3A_149 : memref<128xi32, #tpu.memory_space<hbm>>) dst(%arg8 : memref<128xi32, #tpu.memory_space<vmem>>)
            tpu.yield
          }) : () -> ()
          %mul3A_139 = arith.constant 128 : i32
          %mul3A_140 = arith.muli %add3A_135, %mul3A_139 : i32
          %add3A_141 = arith.addi %mul3A_17, %mul3A_140 : i32
          %dma_start3A_142 = arith.constant 0 : i32
          %dma_start3A_143 = tpu.memref_slice %arg3[%add3A_141, %dma_start3A_142] : memref<335872x128xf32, #tpu.memory_space<hbm>> -> memref<128x128xf32, #tpu.memory_space<hbm>>
          %dma_start3A_144 = arith.constant 0 : i32
          %dma_start3A_145 = tpu.memref_slice %arg3[%add3A_141, %dma_start3A_144] : memref<335872x128xf32, #tpu.memory_space<hbm>> -> memref<128x128xf32, #tpu.memory_space<hbm>>
          tpu.enqueue_dma source(%dma_start3A_145 : memref<128x128xf32, #tpu.memory_space<hbm>>) target(%arg9 : memref<128x128xf32, #tpu.memory_space<vmem>>) target_semaphore(%arg12 : memref<!tpu.dma_semaphore, #tpu.memory_space<semaphore_mem>>)
        } else {
        }
        %mul3A_126 = arith.constant 128 : i32
        %mul3A_127 = arith.muli %add3A_105, %mul3A_126 : i32
        %add3A_128 = arith.addi %mul3A_17, %mul3A_127 : i32
        %dma_wait3A_129 = arith.constant 0 : i32
        %dma_wait3A_130 = tpu.memref_slice %arg3[%add3A_128, %dma_wait3A_129] : memref<335872x128xf32, #tpu.memory_space<hbm>> -> memref<128x128xf32, #tpu.memory_space<hbm>>
        %dma_wait3A_131 = arith.constant 0 : i32
        %dma_wait3A_132 = tpu.memref_slice %arg3[%add3A_128, %dma_wait3A_131] : memref<335872x128xf32, #tpu.memory_space<hbm>> -> memref<128x128xf32, #tpu.memory_space<hbm>>
        tpu.wait_dma2 semaphore(%arg13 : memref<!tpu.dma_semaphore, #tpu.memory_space<semaphore_mem>>) src(%dma_wait3A_132 : memref<128x128xf32, #tpu.memory_space<hbm>>) dst(%arg11 : memref<128x128xf32, #tpu.memory_space<vmem>>)
        "tpu.region"() ({
          %run_scoped3A = tpu.sem_alloc : memref<!tpu.dma_semaphore, #tpu.memory_space<semaphore_mem>>
          %dma_start3A_134 = arith.constant 0 : i32
          %dma_start3A_135 = arith.constant 0 : i32
          %dma_start3A_136 = tpu.memref_slice %arg7[%dma_start3A_134, %dma_start3A_135] : memref<10240x128xf32, #tpu.memory_space<vmem_shared>> -> memref<10240x128xf32, #tpu.memory_space<vmem_shared>>
          tpu.enqueue_indirect_dma source(%arg11 : memref<128x128xf32, #tpu.memory_space<vmem>>) target(%dma_start3A_136 : memref<10240x128xf32, #tpu.memory_space<vmem_shared>>) offsets(%arg10 : memref<128xi32, #tpu.memory_space<vmem>>) semaphore(%run_scoped3A : memref<!tpu.dma_semaphore, #tpu.memory_space<semaphore_mem>>) {add = true}
          %dma_wait3A_137 = arith.constant 0 : i32
          %dma_wait3A_138 = arith.constant 0 : i32
          %dma_wait3A_139 = tpu.memref_slice %arg7[%dma_wait3A_137, %dma_wait3A_138] : memref<10240x128xf32, #tpu.memory_space<vmem_shared>> -> memref<10240x128xf32, #tpu.memory_space<vmem_shared>>
          tpu.wait_indirect_dma semaphore(%run_scoped3A : memref<!tpu.dma_semaphore, #tpu.memory_space<semaphore_mem>>) src(%arg11 : memref<128x128xf32, #tpu.memory_space<vmem>>) dst(%dma_wait3A_139 : memref<10240x128xf32, #tpu.memory_space<vmem_shared>>)
          tpu.yield
        }) : () -> ()
        %scan3A_133 = arith.constant 0 : i32
        scf.yield %scan3A_133 : i32
      }
      %scan3A_99 = arith.constant 82 : i32
    } else {
    }
    %eq3A_20 = arith.constant 1 : i32
    %eq3A_21 = arith.cmpi eq, %arg0, %eq3A_20 : i32
    %convert_element_type3A_22 = arith.extui %eq3A_21 : i1 to i32
    %cond3A_23 = arith.constant 0 : i32
    %cond3A_24 = arith.cmpi ne, %convert_element_type3A_22, %cond3A_23 : i32
    scf.if %cond3A_24 {
      %add3A_86 = arith.constant 0 : i32
      %add3A_87 = arith.addi %mul3A_17, %add3A_86 : i32
      "tpu.region"() ({
        %run_scoped3A = tpu.sem_alloc : memref<!tpu.dma_semaphore, #tpu.memory_space<semaphore_mem>>
        %dma_start3A_100 = tpu.memref_slice %arg2[%add3A_87] : memref<335872xi32, #tpu.memory_space<hbm>> -> memref<128xi32, #tpu.memory_space<hbm>>
        %dma_start3A_101 = tpu.memref_slice %arg2[%add3A_87] : memref<335872xi32, #tpu.memory_space<hbm>> -> memref<128xi32, #tpu.memory_space<hbm>>
        tpu.enqueue_dma source(%dma_start3A_101 : memref<128xi32, #tpu.memory_space<hbm>>) target(%arg8 : memref<128xi32, #tpu.memory_space<vmem>>) target_semaphore(%run_scoped3A : memref<!tpu.dma_semaphore, #tpu.memory_space<semaphore_mem>>)
        %dma_wait3A = tpu.memref_slice %arg2[%add3A_87] : memref<335872xi32, #tpu.memory_space<hbm>> -> memref<128xi32, #tpu.memory_space<hbm>>
        %dma_wait3A_102 = tpu.memref_slice %arg2[%add3A_87] : memref<335872xi32, #tpu.memory_space<hbm>> -> memref<128xi32, #tpu.memory_space<hbm>>
        tpu.wait_dma2 semaphore(%run_scoped3A : memref<!tpu.dma_semaphore, #tpu.memory_space<semaphore_mem>>) src(%dma_wait3A_102 : memref<128xi32, #tpu.memory_space<hbm>>) dst(%arg8 : memref<128xi32, #tpu.memory_space<vmem>>)
        tpu.yield
      }) : () -> ()
      %add3A_88 = arith.constant 0 : i32
      %add3A_89 = arith.addi %mul3A_17, %add3A_88 : i32
      %dma_start3A = arith.constant 0 : i32
      %dma_start3A_90 = tpu.memref_slice %arg4[%add3A_89, %dma_start3A] : memref<335872x128xf32, #tpu.memory_space<hbm>> -> memref<128x128xf32, #tpu.memory_space<hbm>>
      %dma_start3A_91 = arith.constant 0 : i32
      %dma_start3A_92 = tpu.memref_slice %arg4[%add3A_89, %dma_start3A_91] : memref<335872x128xf32, #tpu.memory_space<hbm>> -> memref<128x128xf32, #tpu.memory_space<hbm>>
      tpu.enqueue_dma source(%dma_start3A_92 : memref<128x128xf32, #tpu.memory_space<hbm>>) target(%arg9 : memref<128x128xf32, #tpu.memory_space<vmem>>) target_semaphore(%arg12 : memref<!tpu.dma_semaphore, #tpu.memory_space<semaphore_mem>>)
      %scan3A_93 = arith.constant 0 : i32
      %scan3A_94 = arith.constant 0 : i32
      %scan3A_95 = arith.constant 82 : i32
      %scan3A_96 = arith.addi %scan3A_94, %scan3A_95 : i32
      %scan3A_97 = arith.constant 1 : i32
      %scan3A_98 = scf.for %scan3A_100 = %scan3A_94 to %scan3A_96 step %scan3A_97 iter_args(%scan3A_101 = %scan3A_93) -> (i32)  : i32 {
        %mul3A_102 = arith.constant 2 : i32
        %mul3A_103 = arith.muli %mul3A_102, %scan3A_100 : i32
        %add3A_104 = arith.constant 1 : i32
        %add3A_105 = arith.addi %mul3A_103, %add3A_104 : i32
        %mul3A_106 = arith.constant 128 : i32
        %mul3A_107 = arith.muli %add3A_105, %mul3A_106 : i32
        %add3A_108 = arith.addi %mul3A_17, %mul3A_107 : i32
        "tpu.region"() ({
          %run_scoped3A = tpu.sem_alloc : memref<!tpu.dma_semaphore, #tpu.memory_space<semaphore_mem>>
          %dma_start3A_134 = tpu.memref_slice %arg2[%add3A_108] : memref<335872xi32, #tpu.memory_space<hbm>> -> memref<128xi32, #tpu.memory_space<hbm>>
          %dma_start3A_135 = tpu.memref_slice %arg2[%add3A_108] : memref<335872xi32, #tpu.memory_space<hbm>> -> memref<128xi32, #tpu.memory_space<hbm>>
          tpu.enqueue_dma source(%dma_start3A_135 : memref<128xi32, #tpu.memory_space<hbm>>) target(%arg10 : memref<128xi32, #tpu.memory_space<vmem>>) target_semaphore(%run_scoped3A : memref<!tpu.dma_semaphore, #tpu.memory_space<semaphore_mem>>)
          %dma_wait3A_136 = tpu.memref_slice %arg2[%add3A_108] : memref<335872xi32, #tpu.memory_space<hbm>> -> memref<128xi32, #tpu.memory_space<hbm>>
          %dma_wait3A_137 = tpu.memref_slice %arg2[%add3A_108] : memref<335872xi32, #tpu.memory_space<hbm>> -> memref<128xi32, #tpu.memory_space<hbm>>
          tpu.wait_dma2 semaphore(%run_scoped3A : memref<!tpu.dma_semaphore, #tpu.memory_space<semaphore_mem>>) src(%dma_wait3A_137 : memref<128xi32, #tpu.memory_space<hbm>>) dst(%arg10 : memref<128xi32, #tpu.memory_space<vmem>>)
          tpu.yield
        }) : () -> ()
        %mul3A_109 = arith.constant 128 : i32
        %mul3A_110 = arith.muli %add3A_105, %mul3A_109 : i32
        %add3A_111 = arith.addi %mul3A_17, %mul3A_110 : i32
        %dma_start3A_112 = arith.constant 0 : i32
        %dma_start3A_113 = tpu.memref_slice %arg4[%add3A_111, %dma_start3A_112] : memref<335872x128xf32, #tpu.memory_space<hbm>> -> memref<128x128xf32, #tpu.memory_space<hbm>>
        %dma_start3A_114 = arith.constant 0 : i32
        %dma_start3A_115 = tpu.memref_slice %arg4[%add3A_111, %dma_start3A_114] : memref<335872x128xf32, #tpu.memory_space<hbm>> -> memref<128x128xf32, #tpu.memory_space<hbm>>
        tpu.enqueue_dma source(%dma_start3A_115 : memref<128x128xf32, #tpu.memory_space<hbm>>) target(%arg11 : memref<128x128xf32, #tpu.memory_space<vmem>>) target_semaphore(%arg13 : memref<!tpu.dma_semaphore, #tpu.memory_space<semaphore_mem>>)
        %mul3A_116 = arith.constant 128 : i32
        %mul3A_117 = arith.muli %mul3A_103, %mul3A_116 : i32
        %add3A_118 = arith.addi %mul3A_17, %mul3A_117 : i32
        %dma_wait3A = arith.constant 0 : i32
        %dma_wait3A_119 = tpu.memref_slice %arg4[%add3A_118, %dma_wait3A] : memref<335872x128xf32, #tpu.memory_space<hbm>> -> memref<128x128xf32, #tpu.memory_space<hbm>>
        %dma_wait3A_120 = arith.constant 0 : i32
        %dma_wait3A_121 = tpu.memref_slice %arg4[%add3A_118, %dma_wait3A_120] : memref<335872x128xf32, #tpu.memory_space<hbm>> -> memref<128x128xf32, #tpu.memory_space<hbm>>
        tpu.wait_dma2 semaphore(%arg12 : memref<!tpu.dma_semaphore, #tpu.memory_space<semaphore_mem>>) src(%dma_wait3A_121 : memref<128x128xf32, #tpu.memory_space<hbm>>) dst(%arg9 : memref<128x128xf32, #tpu.memory_space<vmem>>)
        "tpu.region"() ({
          %run_scoped3A = tpu.sem_alloc : memref<!tpu.dma_semaphore, #tpu.memory_space<semaphore_mem>>
          %dma_start3A_134 = arith.constant 0 : i32
          %dma_start3A_135 = arith.constant 0 : i32
          %dma_start3A_136 = tpu.memref_slice %arg7[%dma_start3A_134, %dma_start3A_135] : memref<10240x128xf32, #tpu.memory_space<vmem_shared>> -> memref<10240x128xf32, #tpu.memory_space<vmem_shared>>
          tpu.enqueue_indirect_dma source(%arg9 : memref<128x128xf32, #tpu.memory_space<vmem>>) target(%dma_start3A_136 : memref<10240x128xf32, #tpu.memory_space<vmem_shared>>) offsets(%arg8 : memref<128xi32, #tpu.memory_space<vmem>>) semaphore(%run_scoped3A : memref<!tpu.dma_semaphore, #tpu.memory_space<semaphore_mem>>) {add = true}
          %dma_wait3A_137 = arith.constant 0 : i32
          %dma_wait3A_138 = arith.constant 0 : i32
          %dma_wait3A_139 = tpu.memref_slice %arg7[%dma_wait3A_137, %dma_wait3A_138] : memref<10240x128xf32, #tpu.memory_space<vmem_shared>> -> memref<10240x128xf32, #tpu.memory_space<vmem_shared>>
          tpu.wait_indirect_dma semaphore(%run_scoped3A : memref<!tpu.dma_semaphore, #tpu.memory_space<semaphore_mem>>) src(%arg9 : memref<128x128xf32, #tpu.memory_space<vmem>>) dst(%dma_wait3A_139 : memref<10240x128xf32, #tpu.memory_space<vmem_shared>>)
          tpu.yield
        }) : () -> ()
        %lt3A = arith.constant 81 : i32
        %lt3A_122 = arith.cmpi slt, %scan3A_100, %lt3A : i32
        %convert_element_type3A_123 = arith.extui %lt3A_122 : i1 to i32
        %cond3A_124 = arith.constant 0 : i32
        %cond3A_125 = arith.cmpi ne, %convert_element_type3A_123, %cond3A_124 : i32
        scf.if %cond3A_125 {
          %add3A_134 = arith.constant 2 : i32
          %add3A_135 = arith.addi %mul3A_103, %add3A_134 : i32
          %mul3A_136 = arith.constant 128 : i32
          %mul3A_137 = arith.muli %add3A_135, %mul3A_136 : i32
          %add3A_138 = arith.addi %mul3A_17, %mul3A_137 : i32
          "tpu.region"() ({
            %run_scoped3A = tpu.sem_alloc : memref<!tpu.dma_semaphore, #tpu.memory_space<semaphore_mem>>
            %dma_start3A_146 = tpu.memref_slice %arg2[%add3A_138] : memref<335872xi32, #tpu.memory_space<hbm>> -> memref<128xi32, #tpu.memory_space<hbm>>
            %dma_start3A_147 = tpu.memref_slice %arg2[%add3A_138] : memref<335872xi32, #tpu.memory_space<hbm>> -> memref<128xi32, #tpu.memory_space<hbm>>
            tpu.enqueue_dma source(%dma_start3A_147 : memref<128xi32, #tpu.memory_space<hbm>>) target(%arg8 : memref<128xi32, #tpu.memory_space<vmem>>) target_semaphore(%run_scoped3A : memref<!tpu.dma_semaphore, #tpu.memory_space<semaphore_mem>>)
            %dma_wait3A_148 = tpu.memref_slice %arg2[%add3A_138] : memref<335872xi32, #tpu.memory_space<hbm>> -> memref<128xi32, #tpu.memory_space<hbm>>
            %dma_wait3A_149 = tpu.memref_slice %arg2[%add3A_138] : memref<335872xi32, #tpu.memory_space<hbm>> -> memref<128xi32, #tpu.memory_space<hbm>>
            tpu.wait_dma2 semaphore(%run_scoped3A : memref<!tpu.dma_semaphore, #tpu.memory_space<semaphore_mem>>) src(%dma_wait3A_149 : memref<128xi32, #tpu.memory_space<hbm>>) dst(%arg8 : memref<128xi32, #tpu.memory_space<vmem>>)
            tpu.yield
          }) : () -> ()
          %mul3A_139 = arith.constant 128 : i32
          %mul3A_140 = arith.muli %add3A_135, %mul3A_139 : i32
          %add3A_141 = arith.addi %mul3A_17, %mul3A_140 : i32
          %dma_start3A_142 = arith.constant 0 : i32
          %dma_start3A_143 = tpu.memref_slice %arg4[%add3A_141, %dma_start3A_142] : memref<335872x128xf32, #tpu.memory_space<hbm>> -> memref<128x128xf32, #tpu.memory_space<hbm>>
          %dma_start3A_144 = arith.constant 0 : i32
          %dma_start3A_145 = tpu.memref_slice %arg4[%add3A_141, %dma_start3A_144] : memref<335872x128xf32, #tpu.memory_space<hbm>> -> memref<128x128xf32, #tpu.memory_space<hbm>>
          tpu.enqueue_dma source(%dma_start3A_145 : memref<128x128xf32, #tpu.memory_space<hbm>>) target(%arg9 : memref<128x128xf32, #tpu.memory_space<vmem>>) target_semaphore(%arg12 : memref<!tpu.dma_semaphore, #tpu.memory_space<semaphore_mem>>)
        } else {
        }
        %mul3A_126 = arith.constant 128 : i32
        %mul3A_127 = arith.muli %add3A_105, %mul3A_126 : i32
        %add3A_128 = arith.addi %mul3A_17, %mul3A_127 : i32
        %dma_wait3A_129 = arith.constant 0 : i32
        %dma_wait3A_130 = tpu.memref_slice %arg4[%add3A_128, %dma_wait3A_129] : memref<335872x128xf32, #tpu.memory_space<hbm>> -> memref<128x128xf32, #tpu.memory_space<hbm>>
        %dma_wait3A_131 = arith.constant 0 : i32
        %dma_wait3A_132 = tpu.memref_slice %arg4[%add3A_128, %dma_wait3A_131] : memref<335872x128xf32, #tpu.memory_space<hbm>> -> memref<128x128xf32, #tpu.memory_space<hbm>>
        tpu.wait_dma2 semaphore(%arg13 : memref<!tpu.dma_semaphore, #tpu.memory_space<semaphore_mem>>) src(%dma_wait3A_132 : memref<128x128xf32, #tpu.memory_space<hbm>>) dst(%arg11 : memref<128x128xf32, #tpu.memory_space<vmem>>)
        "tpu.region"() ({
          %run_scoped3A = tpu.sem_alloc : memref<!tpu.dma_semaphore, #tpu.memory_space<semaphore_mem>>
          %dma_start3A_134 = arith.constant 0 : i32
          %dma_start3A_135 = arith.constant 0 : i32
          %dma_start3A_136 = tpu.memref_slice %arg7[%dma_start3A_134, %dma_start3A_135] : memref<10240x128xf32, #tpu.memory_space<vmem_shared>> -> memref<10240x128xf32, #tpu.memory_space<vmem_shared>>
          tpu.enqueue_indirect_dma source(%arg11 : memref<128x128xf32, #tpu.memory_space<vmem>>) target(%dma_start3A_136 : memref<10240x128xf32, #tpu.memory_space<vmem_shared>>) offsets(%arg10 : memref<128xi32, #tpu.memory_space<vmem>>) semaphore(%run_scoped3A : memref<!tpu.dma_semaphore, #tpu.memory_space<semaphore_mem>>) {add = true}
          %dma_wait3A_137 = arith.constant 0 : i32
          %dma_wait3A_138 = arith.constant 0 : i32
          %dma_wait3A_139 = tpu.memref_slice %arg7[%dma_wait3A_137, %dma_wait3A_138] : memref<10240x128xf32, #tpu.memory_space<vmem_shared>> -> memref<10240x128xf32, #tpu.memory_space<vmem_shared>>
          tpu.wait_indirect_dma semaphore(%run_scoped3A : memref<!tpu.dma_semaphore, #tpu.memory_space<semaphore_mem>>) src(%arg11 : memref<128x128xf32, #tpu.memory_space<vmem>>) dst(%dma_wait3A_139 : memref<10240x128xf32, #tpu.memory_space<vmem_shared>>)
          tpu.yield
        }) : () -> ()
        %scan3A_133 = arith.constant 0 : i32
        scf.yield %scan3A_133 : i32
      }
      %scan3A_99 = arith.constant 82 : i32
    } else {
    }
    %barrier3A_25 = arith.constant 0 : index
    tpu.barrier barrier_id(%barrier3A_25)
    %add3A_26 = arith.constant 0 : i32
    %add3A_27 = arith.addi %mul3A_0, %add3A_26 : i32
    %eq3A_28 = arith.constant 0 : i32
    %eq3A_29 = arith.cmpi eq, %arg0, %eq3A_28 : i32
    %convert_element_type3A_30 = arith.extui %eq3A_29 : i1 to i32
    %cond3A_31 = arith.constant 0 : i32
    %cond3A_32 = arith.cmpi ne, %convert_element_type3A_30, %cond3A_31 : i32
    scf.if %cond3A_32 {
      "tpu.region"() ({
        %run_scoped3A = tpu.sem_alloc : memref<!tpu.dma_semaphore, #tpu.memory_space<semaphore_mem>>
        %dma_start3A = arith.constant 0 : i32
        %dma_start3A_86 = tpu.memref_slice %arg5[%add3A_27, %dma_start3A] : memref<10240x128xf32, #tpu.memory_space<hbm>> -> memref<128x128xf32, #tpu.memory_space<hbm>>
        %dma_start3A_87 = arith.constant 0 : i32
        %dma_start3A_88 = tpu.memref_slice %arg7[%add3A_27, %dma_start3A_87] : memref<10240x128xf32, #tpu.memory_space<vmem_shared>> -> memref<128x128xf32, #tpu.memory_space<vmem_shared>>
        tpu.enqueue_dma source(%dma_start3A_88 : memref<128x128xf32, #tpu.memory_space<vmem_shared>>) target(%dma_start3A_86 : memref<128x128xf32, #tpu.memory_space<hbm>>) target_semaphore(%run_scoped3A : memref<!tpu.dma_semaphore, #tpu.memory_space<semaphore_mem>>)
        %dma_wait3A = arith.constant 0 : i32
        %dma_wait3A_89 = tpu.memref_slice %arg5[%add3A_27, %dma_wait3A] : memref<10240x128xf32, #tpu.memory_space<hbm>> -> memref<128x128xf32, #tpu.memory_space<hbm>>
        %dma_wait3A_90 = arith.constant 0 : i32
        %dma_wait3A_91 = tpu.memref_slice %arg7[%add3A_27, %dma_wait3A_90] : memref<10240x128xf32, #tpu.memory_space<vmem_shared>> -> memref<128x128xf32, #tpu.memory_space<vmem_shared>>
        tpu.wait_dma2 semaphore(%run_scoped3A : memref<!tpu.dma_semaphore, #tpu.memory_space<semaphore_mem>>) src(%dma_wait3A_91 : memref<128x128xf32, #tpu.memory_space<vmem_shared>>) dst(%dma_wait3A_89 : memref<128x128xf32, #tpu.memory_space<hbm>>)
        tpu.yield
      }) : () -> ()
    } else {
    }
    %eq3A_33 = arith.constant 1 : i32
    %eq3A_34 = arith.cmpi eq, %arg0, %eq3A_33 : i32
    %convert_element_type3A_35 = arith.extui %eq3A_34 : i1 to i32
    %cond3A_36 = arith.constant 0 : i32
    %cond3A_37 = arith.cmpi ne, %convert_element_type3A_35, %cond3A_36 : i32
    scf.if %cond3A_37 {
      "tpu.region"() ({
        %run_scoped3A = tpu.sem_alloc : memref<!tpu.dma_semaphore, #tpu.memory_space<semaphore_mem>>
        %dma_start3A = arith.constant 0 : i32
        %dma_start3A_86 = tpu.memref_slice %arg6[%add3A_27, %dma_start3A] : memref<10240x128xf32, #tpu.memory_space<hbm>> -> memref<128x128xf32, #tpu.memory_space<hbm>>
        %dma_start3A_87 = arith.constant 0 : i32
        %dma_start3A_88 = tpu.memref_slice %arg7[%add3A_27, %dma_start3A_87] : memref<10240x128xf32, #tpu.memory_space<vmem_shared>> -> memref<128x128xf32, #tpu.memory_space<vmem_shared>>
        tpu.enqueue_dma source(%dma_start3A_88 : memref<128x128xf32, #tpu.memory_space<vmem_shared>>) target(%dma_start3A_86 : memref<128x128xf32, #tpu.memory_space<hbm>>) target_semaphore(%run_scoped3A : memref<!tpu.dma_semaphore, #tpu.memory_space<semaphore_mem>>)
        %dma_wait3A = arith.constant 0 : i32
        %dma_wait3A_89 = tpu.memref_slice %arg6[%add3A_27, %dma_wait3A] : memref<10240x128xf32, #tpu.memory_space<hbm>> -> memref<128x128xf32, #tpu.memory_space<hbm>>
        %dma_wait3A_90 = arith.constant 0 : i32
        %dma_wait3A_91 = tpu.memref_slice %arg7[%add3A_27, %dma_wait3A_90] : memref<10240x128xf32, #tpu.memory_space<vmem_shared>> -> memref<128x128xf32, #tpu.memory_space<vmem_shared>>
        tpu.wait_dma2 semaphore(%run_scoped3A : memref<!tpu.dma_semaphore, #tpu.memory_space<semaphore_mem>>) src(%dma_wait3A_91 : memref<128x128xf32, #tpu.memory_space<vmem_shared>>) dst(%dma_wait3A_89 : memref<128x128xf32, #tpu.memory_space<hbm>>)
        tpu.yield
      }) : () -> ()
    } else {
    }
    %add3A_38 = arith.constant 128 : i32
    %add3A_39 = arith.addi %mul3A_0, %add3A_38 : i32
    %eq3A_40 = arith.constant 0 : i32
    %eq3A_41 = arith.cmpi eq, %arg0, %eq3A_40 : i32
    %convert_element_type3A_42 = arith.extui %eq3A_41 : i1 to i32
    %cond3A_43 = arith.constant 0 : i32
    %cond3A_44 = arith.cmpi ne, %convert_element_type3A_42, %cond3A_43 : i32
    scf.if %cond3A_44 {
      "tpu.region"() ({
        %run_scoped3A = tpu.sem_alloc : memref<!tpu.dma_semaphore, #tpu.memory_space<semaphore_mem>>
        %dma_start3A = arith.constant 0 : i32
        %dma_start3A_86 = tpu.memref_slice %arg5[%add3A_39, %dma_start3A] : memref<10240x128xf32, #tpu.memory_space<hbm>> -> memref<128x128xf32, #tpu.memory_space<hbm>>
        %dma_start3A_87 = arith.constant 0 : i32
        %dma_start3A_88 = tpu.memref_slice %arg7[%add3A_39, %dma_start3A_87] : memref<10240x128xf32, #tpu.memory_space<vmem_shared>> -> memref<128x128xf32, #tpu.memory_space<vmem_shared>>
        tpu.enqueue_dma source(%dma_start3A_88 : memref<128x128xf32, #tpu.memory_space<vmem_shared>>) target(%dma_start3A_86 : memref<128x128xf32, #tpu.memory_space<hbm>>) target_semaphore(%run_scoped3A : memref<!tpu.dma_semaphore, #tpu.memory_space<semaphore_mem>>)
        %dma_wait3A = arith.constant 0 : i32
        %dma_wait3A_89 = tpu.memref_slice %arg5[%add3A_39, %dma_wait3A] : memref<10240x128xf32, #tpu.memory_space<hbm>> -> memref<128x128xf32, #tpu.memory_space<hbm>>
        %dma_wait3A_90 = arith.constant 0 : i32
        %dma_wait3A_91 = tpu.memref_slice %arg7[%add3A_39, %dma_wait3A_90] : memref<10240x128xf32, #tpu.memory_space<vmem_shared>> -> memref<128x128xf32, #tpu.memory_space<vmem_shared>>
        tpu.wait_dma2 semaphore(%run_scoped3A : memref<!tpu.dma_semaphore, #tpu.memory_space<semaphore_mem>>) src(%dma_wait3A_91 : memref<128x128xf32, #tpu.memory_space<vmem_shared>>) dst(%dma_wait3A_89 : memref<128x128xf32, #tpu.memory_space<hbm>>)
        tpu.yield
      }) : () -> ()
    } else {
    }
    %eq3A_45 = arith.constant 1 : i32
    %eq3A_46 = arith.cmpi eq, %arg0, %eq3A_45 : i32
    %convert_element_type3A_47 = arith.extui %eq3A_46 : i1 to i32
    %cond3A_48 = arith.constant 0 : i32
    %cond3A_49 = arith.cmpi ne, %convert_element_type3A_47, %cond3A_48 : i32
    scf.if %cond3A_49 {
      "tpu.region"() ({
        %run_scoped3A = tpu.sem_alloc : memref<!tpu.dma_semaphore, #tpu.memory_space<semaphore_mem>>
        %dma_start3A = arith.constant 0 : i32
        %dma_start3A_86 = tpu.memref_slice %arg6[%add3A_39, %dma_start3A] : memref<10240x128xf32, #tpu.memory_space<hbm>> -> memref<128x128xf32, #tpu.memory_space<hbm>>
        %dma_start3A_87 = arith.constant 0 : i32
        %dma_start3A_88 = tpu.memref_slice %arg7[%add3A_39, %dma_start3A_87] : memref<10240x128xf32, #tpu.memory_space<vmem_shared>> -> memref<128x128xf32, #tpu.memory_space<vmem_shared>>
        tpu.enqueue_dma source(%dma_start3A_88 : memref<128x128xf32, #tpu.memory_space<vmem_shared>>) target(%dma_start3A_86 : memref<128x128xf32, #tpu.memory_space<hbm>>) target_semaphore(%run_scoped3A : memref<!tpu.dma_semaphore, #tpu.memory_space<semaphore_mem>>)
        %dma_wait3A = arith.constant 0 : i32
        %dma_wait3A_89 = tpu.memref_slice %arg6[%add3A_39, %dma_wait3A] : memref<10240x128xf32, #tpu.memory_space<hbm>> -> memref<128x128xf32, #tpu.memory_space<hbm>>
        %dma_wait3A_90 = arith.constant 0 : i32
        %dma_wait3A_91 = tpu.memref_slice %arg7[%add3A_39, %dma_wait3A_90] : memref<10240x128xf32, #tpu.memory_space<vmem_shared>> -> memref<128x128xf32, #tpu.memory_space<vmem_shared>>
        tpu.wait_dma2 semaphore(%run_scoped3A : memref<!tpu.dma_semaphore, #tpu.memory_space<semaphore_mem>>) src(%dma_wait3A_91 : memref<128x128xf32, #tpu.memory_space<vmem_shared>>) dst(%dma_wait3A_89 : memref<128x128xf32, #tpu.memory_space<hbm>>)
        tpu.yield
      }) : () -> ()
    } else {
    }
    %add3A_50 = arith.constant 256 : i32
    %add3A_51 = arith.addi %mul3A_0, %add3A_50 : i32
    %eq3A_52 = arith.constant 0 : i32
    %eq3A_53 = arith.cmpi eq, %arg0, %eq3A_52 : i32
    %convert_element_type3A_54 = arith.extui %eq3A_53 : i1 to i32
    %cond3A_55 = arith.constant 0 : i32
    %cond3A_56 = arith.cmpi ne, %convert_element_type3A_54, %cond3A_55 : i32
    scf.if %cond3A_56 {
      "tpu.region"() ({
        %run_scoped3A = tpu.sem_alloc : memref<!tpu.dma_semaphore, #tpu.memory_space<semaphore_mem>>
        %dma_start3A = arith.constant 0 : i32
        %dma_start3A_86 = tpu.memref_slice %arg5[%add3A_51, %dma_start3A] : memref<10240x128xf32, #tpu.memory_space<hbm>> -> memref<128x128xf32, #tpu.memory_space<hbm>>
        %dma_start3A_87 = arith.constant 0 : i32
        %dma_start3A_88 = tpu.memref_slice %arg7[%add3A_51, %dma_start3A_87] : memref<10240x128xf32, #tpu.memory_space<vmem_shared>> -> memref<128x128xf32, #tpu.memory_space<vmem_shared>>
        tpu.enqueue_dma source(%dma_start3A_88 : memref<128x128xf32, #tpu.memory_space<vmem_shared>>) target(%dma_start3A_86 : memref<128x128xf32, #tpu.memory_space<hbm>>) target_semaphore(%run_scoped3A : memref<!tpu.dma_semaphore, #tpu.memory_space<semaphore_mem>>)
        %dma_wait3A = arith.constant 0 : i32
        %dma_wait3A_89 = tpu.memref_slice %arg5[%add3A_51, %dma_wait3A] : memref<10240x128xf32, #tpu.memory_space<hbm>> -> memref<128x128xf32, #tpu.memory_space<hbm>>
        %dma_wait3A_90 = arith.constant 0 : i32
        %dma_wait3A_91 = tpu.memref_slice %arg7[%add3A_51, %dma_wait3A_90] : memref<10240x128xf32, #tpu.memory_space<vmem_shared>> -> memref<128x128xf32, #tpu.memory_space<vmem_shared>>
        tpu.wait_dma2 semaphore(%run_scoped3A : memref<!tpu.dma_semaphore, #tpu.memory_space<semaphore_mem>>) src(%dma_wait3A_91 : memref<128x128xf32, #tpu.memory_space<vmem_shared>>) dst(%dma_wait3A_89 : memref<128x128xf32, #tpu.memory_space<hbm>>)
        tpu.yield
      }) : () -> ()
    } else {
    }
    %eq3A_57 = arith.constant 1 : i32
    %eq3A_58 = arith.cmpi eq, %arg0, %eq3A_57 : i32
    %convert_element_type3A_59 = arith.extui %eq3A_58 : i1 to i32
    %cond3A_60 = arith.constant 0 : i32
    %cond3A_61 = arith.cmpi ne, %convert_element_type3A_59, %cond3A_60 : i32
    scf.if %cond3A_61 {
      "tpu.region"() ({
        %run_scoped3A = tpu.sem_alloc : memref<!tpu.dma_semaphore, #tpu.memory_space<semaphore_mem>>
        %dma_start3A = arith.constant 0 : i32
        %dma_start3A_86 = tpu.memref_slice %arg6[%add3A_51, %dma_start3A] : memref<10240x128xf32, #tpu.memory_space<hbm>> -> memref<128x128xf32, #tpu.memory_space<hbm>>
        %dma_start3A_87 = arith.constant 0 : i32
        %dma_start3A_88 = tpu.memref_slice %arg7[%add3A_51, %dma_start3A_87] : memref<10240x128xf32, #tpu.memory_space<vmem_shared>> -> memref<128x128xf32, #tpu.memory_space<vmem_shared>>
        tpu.enqueue_dma source(%dma_start3A_88 : memref<128x128xf32, #tpu.memory_space<vmem_shared>>) target(%dma_start3A_86 : memref<128x128xf32, #tpu.memory_space<hbm>>) target_semaphore(%run_scoped3A : memref<!tpu.dma_semaphore, #tpu.memory_space<semaphore_mem>>)
        %dma_wait3A = arith.constant 0 : i32
        %dma_wait3A_89 = tpu.memref_slice %arg6[%add3A_51, %dma_wait3A] : memref<10240x128xf32, #tpu.memory_space<hbm>> -> memref<128x128xf32, #tpu.memory_space<hbm>>
        %dma_wait3A_90 = arith.constant 0 : i32
        %dma_wait3A_91 = tpu.memref_slice %arg7[%add3A_51, %dma_wait3A_90] : memref<10240x128xf32, #tpu.memory_space<vmem_shared>> -> memref<128x128xf32, #tpu.memory_space<vmem_shared>>
        tpu.wait_dma2 semaphore(%run_scoped3A : memref<!tpu.dma_semaphore, #tpu.memory_space<semaphore_mem>>) src(%dma_wait3A_91 : memref<128x128xf32, #tpu.memory_space<vmem_shared>>) dst(%dma_wait3A_89 : memref<128x128xf32, #tpu.memory_space<hbm>>)
        tpu.yield
      }) : () -> ()
    } else {
    }
    %add3A_62 = arith.constant 384 : i32
    %add3A_63 = arith.addi %mul3A_0, %add3A_62 : i32
    %eq3A_64 = arith.constant 0 : i32
    %eq3A_65 = arith.cmpi eq, %arg0, %eq3A_64 : i32
    %convert_element_type3A_66 = arith.extui %eq3A_65 : i1 to i32
    %cond3A_67 = arith.constant 0 : i32
    %cond3A_68 = arith.cmpi ne, %convert_element_type3A_66, %cond3A_67 : i32
    scf.if %cond3A_68 {
      "tpu.region"() ({
        %run_scoped3A = tpu.sem_alloc : memref<!tpu.dma_semaphore, #tpu.memory_space<semaphore_mem>>
        %dma_start3A = arith.constant 0 : i32
        %dma_start3A_86 = tpu.memref_slice %arg5[%add3A_63, %dma_start3A] : memref<10240x128xf32, #tpu.memory_space<hbm>> -> memref<128x128xf32, #tpu.memory_space<hbm>>
        %dma_start3A_87 = arith.constant 0 : i32
        %dma_start3A_88 = tpu.memref_slice %arg7[%add3A_63, %dma_start3A_87] : memref<10240x128xf32, #tpu.memory_space<vmem_shared>> -> memref<128x128xf32, #tpu.memory_space<vmem_shared>>
        tpu.enqueue_dma source(%dma_start3A_88 : memref<128x128xf32, #tpu.memory_space<vmem_shared>>) target(%dma_start3A_86 : memref<128x128xf32, #tpu.memory_space<hbm>>) target_semaphore(%run_scoped3A : memref<!tpu.dma_semaphore, #tpu.memory_space<semaphore_mem>>)
        %dma_wait3A = arith.constant 0 : i32
        %dma_wait3A_89 = tpu.memref_slice %arg5[%add3A_63, %dma_wait3A] : memref<10240x128xf32, #tpu.memory_space<hbm>> -> memref<128x128xf32, #tpu.memory_space<hbm>>
        %dma_wait3A_90 = arith.constant 0 : i32
        %dma_wait3A_91 = tpu.memref_slice %arg7[%add3A_63, %dma_wait3A_90] : memref<10240x128xf32, #tpu.memory_space<vmem_shared>> -> memref<128x128xf32, #tpu.memory_space<vmem_shared>>
        tpu.wait_dma2 semaphore(%run_scoped3A : memref<!tpu.dma_semaphore, #tpu.memory_space<semaphore_mem>>) src(%dma_wait3A_91 : memref<128x128xf32, #tpu.memory_space<vmem_shared>>) dst(%dma_wait3A_89 : memref<128x128xf32, #tpu.memory_space<hbm>>)
        tpu.yield
      }) : () -> ()
    } else {
    }
    %eq3A_69 = arith.constant 1 : i32
    %eq3A_70 = arith.cmpi eq, %arg0, %eq3A_69 : i32
    %convert_element_type3A_71 = arith.extui %eq3A_70 : i1 to i32
    %cond3A_72 = arith.constant 0 : i32
    %cond3A_73 = arith.cmpi ne, %convert_element_type3A_71, %cond3A_72 : i32
    scf.if %cond3A_73 {
      "tpu.region"() ({
        %run_scoped3A = tpu.sem_alloc : memref<!tpu.dma_semaphore, #tpu.memory_space<semaphore_mem>>
        %dma_start3A = arith.constant 0 : i32
        %dma_start3A_86 = tpu.memref_slice %arg6[%add3A_63, %dma_start3A] : memref<10240x128xf32, #tpu.memory_space<hbm>> -> memref<128x128xf32, #tpu.memory_space<hbm>>
        %dma_start3A_87 = arith.constant 0 : i32
        %dma_start3A_88 = tpu.memref_slice %arg7[%add3A_63, %dma_start3A_87] : memref<10240x128xf32, #tpu.memory_space<vmem_shared>> -> memref<128x128xf32, #tpu.memory_space<vmem_shared>>
        tpu.enqueue_dma source(%dma_start3A_88 : memref<128x128xf32, #tpu.memory_space<vmem_shared>>) target(%dma_start3A_86 : memref<128x128xf32, #tpu.memory_space<hbm>>) target_semaphore(%run_scoped3A : memref<!tpu.dma_semaphore, #tpu.memory_space<semaphore_mem>>)
        %dma_wait3A = arith.constant 0 : i32
        %dma_wait3A_89 = tpu.memref_slice %arg6[%add3A_63, %dma_wait3A] : memref<10240x128xf32, #tpu.memory_space<hbm>> -> memref<128x128xf32, #tpu.memory_space<hbm>>
        %dma_wait3A_90 = arith.constant 0 : i32
        %dma_wait3A_91 = tpu.memref_slice %arg7[%add3A_63, %dma_wait3A_90] : memref<10240x128xf32, #tpu.memory_space<vmem_shared>> -> memref<128x128xf32, #tpu.memory_space<vmem_shared>>
        tpu.wait_dma2 semaphore(%run_scoped3A : memref<!tpu.dma_semaphore, #tpu.memory_space<semaphore_mem>>) src(%dma_wait3A_91 : memref<128x128xf32, #tpu.memory_space<vmem_shared>>) dst(%dma_wait3A_89 : memref<128x128xf32, #tpu.memory_space<hbm>>)
        tpu.yield
      }) : () -> ()
    } else {
    }
    %add3A_74 = arith.constant 512 : i32
    %add3A_75 = arith.addi %mul3A_0, %add3A_74 : i32
    %eq3A_76 = arith.constant 0 : i32
    %eq3A_77 = arith.cmpi eq, %arg0, %eq3A_76 : i32
    %convert_element_type3A_78 = arith.extui %eq3A_77 : i1 to i32
    %cond3A_79 = arith.constant 0 : i32
    %cond3A_80 = arith.cmpi ne, %convert_element_type3A_78, %cond3A_79 : i32
    scf.if %cond3A_80 {
      "tpu.region"() ({
        %run_scoped3A = tpu.sem_alloc : memref<!tpu.dma_semaphore, #tpu.memory_space<semaphore_mem>>
        %dma_start3A = arith.constant 0 : i32
        %dma_start3A_86 = tpu.memref_slice %arg5[%add3A_75, %dma_start3A] : memref<10240x128xf32, #tpu.memory_space<hbm>> -> memref<128x128xf32, #tpu.memory_space<hbm>>
        %dma_start3A_87 = arith.constant 0 : i32
        %dma_start3A_88 = tpu.memref_slice %arg7[%add3A_75, %dma_start3A_87] : memref<10240x128xf32, #tpu.memory_space<vmem_shared>> -> memref<128x128xf32, #tpu.memory_space<vmem_shared>>
        tpu.enqueue_dma source(%dma_start3A_88 : memref<128x128xf32, #tpu.memory_space<vmem_shared>>) target(%dma_start3A_86 : memref<128x128xf32, #tpu.memory_space<hbm>>) target_semaphore(%run_scoped3A : memref<!tpu.dma_semaphore, #tpu.memory_space<semaphore_mem>>)
        %dma_wait3A = arith.constant 0 : i32
        %dma_wait3A_89 = tpu.memref_slice %arg5[%add3A_75, %dma_wait3A] : memref<10240x128xf32, #tpu.memory_space<hbm>> -> memref<128x128xf32, #tpu.memory_space<hbm>>
        %dma_wait3A_90 = arith.constant 0 : i32
        %dma_wait3A_91 = tpu.memref_slice %arg7[%add3A_75, %dma_wait3A_90] : memref<10240x128xf32, #tpu.memory_space<vmem_shared>> -> memref<128x128xf32, #tpu.memory_space<vmem_shared>>
        tpu.wait_dma2 semaphore(%run_scoped3A : memref<!tpu.dma_semaphore, #tpu.memory_space<semaphore_mem>>) src(%dma_wait3A_91 : memref<128x128xf32, #tpu.memory_space<vmem_shared>>) dst(%dma_wait3A_89 : memref<128x128xf32, #tpu.memory_space<hbm>>)
        tpu.yield
      }) : () -> ()
    } else {
    }
    %eq3A_81 = arith.constant 1 : i32
    %eq3A_82 = arith.cmpi eq, %arg0, %eq3A_81 : i32
    %convert_element_type3A_83 = arith.extui %eq3A_82 : i1 to i32
    %cond3A_84 = arith.constant 0 : i32
    %cond3A_85 = arith.cmpi ne, %convert_element_type3A_83, %cond3A_84 : i32
    scf.if %cond3A_85 {
      "tpu.region"() ({
        %run_scoped3A = tpu.sem_alloc : memref<!tpu.dma_semaphore, #tpu.memory_space<semaphore_mem>>
        %dma_start3A = arith.constant 0 : i32
        %dma_start3A_86 = tpu.memref_slice %arg6[%add3A_75, %dma_start3A] : memref<10240x128xf32, #tpu.memory_space<hbm>> -> memref<128x128xf32, #tpu.memory_space<hbm>>
        %dma_start3A_87 = arith.constant 0 : i32
        %dma_start3A_88 = tpu.memref_slice %arg7[%add3A_75, %dma_start3A_87] : memref<10240x128xf32, #tpu.memory_space<vmem_shared>> -> memref<128x128xf32, #tpu.memory_space<vmem_shared>>
        tpu.enqueue_dma source(%dma_start3A_88 : memref<128x128xf32, #tpu.memory_space<vmem_shared>>) target(%dma_start3A_86 : memref<128x128xf32, #tpu.memory_space<hbm>>) target_semaphore(%run_scoped3A : memref<!tpu.dma_semaphore, #tpu.memory_space<semaphore_mem>>)
        %dma_wait3A = arith.constant 0 : i32
        %dma_wait3A_89 = tpu.memref_slice %arg6[%add3A_75, %dma_wait3A] : memref<10240x128xf32, #tpu.memory_space<hbm>> -> memref<128x128xf32, #tpu.memory_space<hbm>>
        %dma_wait3A_90 = arith.constant 0 : i32
        %dma_wait3A_91 = tpu.memref_slice %arg7[%add3A_75, %dma_wait3A_90] : memref<10240x128xf32, #tpu.memory_space<vmem_shared>> -> memref<128x128xf32, #tpu.memory_space<vmem_shared>>
        tpu.wait_dma2 semaphore(%run_scoped3A : memref<!tpu.dma_semaphore, #tpu.memory_space<semaphore_mem>>) src(%dma_wait3A_91 : memref<128x128xf32, #tpu.memory_space<vmem_shared>>) dst(%dma_wait3A_89 : memref<128x128xf32, #tpu.memory_space<hbm>>)
        tpu.yield
      }) : () -> ()
    } else {
    }
    return
  }
}

#map = affine_map<(d0, d1) -> (0)>
#map1 = affine_map<(d0, d1) -> (0, 0)>
module attributes {stable_mosaic.version = 14 : i64} {
  func.func @_k2_body(%arg0: i32, %arg1: i32, %arg2: memref<335872xi32, #tpu.memory_space<hbm>>, %arg3: memref<335872xi32, #tpu.memory_space<hbm>>, %arg4: memref<10240x128xf32, #tpu.memory_space<hbm>>, %arg5: memref<10240x128xf32, #tpu.memory_space<hbm>>, %arg6: memref<10240x128xf32, #tpu.memory_space<hbm>>, %arg7: memref<335872x128xf32, #tpu.memory_space<hbm>>, %arg8: memref<335872x128xf32, #tpu.memory_space<hbm>>, %arg9: memref<335872x128xf32, #tpu.memory_space<hbm>>, %arg10: memref<128xi32, #tpu.memory_space<vmem>>, %arg11: memref<128xi32, #tpu.memory_space<vmem>>, %arg12: memref<128x128xf32, #tpu.memory_space<vmem>>, %arg13: memref<128x128xf32, #tpu.memory_space<vmem>>, %arg14: memref<128x128xf32, #tpu.memory_space<vmem>>, %arg15: memref<128xi32, #tpu.memory_space<vmem>>, %arg16: memref<128xi32, #tpu.memory_space<vmem>>, %arg17: memref<128x128xf32, #tpu.memory_space<vmem>>, %arg18: memref<128x128xf32, #tpu.memory_space<vmem>>, %arg19: memref<128x128xf32, #tpu.memory_space<vmem>>, %arg20: memref<!tpu.dma_semaphore, #tpu.memory_space<semaphore_mem>>, %arg21: memref<!tpu.dma_semaphore, #tpu.memory_space<semaphore_mem>>, %arg22: memref<!tpu.dma_semaphore, #tpu.memory_space<semaphore_mem>>, %arg23: memref<!tpu.dma_semaphore, #tpu.memory_space<semaphore_mem>>) attributes {dimension_semantics = [#tpu.dimension_semantics<core_parallel>, #tpu.dimension_semantics<subcore_parallel>], iteration_bounds = array<i64: 2, 16>, scalar_prefetch = 0 : i64, scratch_operands = 14 : i64, tpu.core_type = #tpu.core_type<sc_vector_subcore>, window_params = [{transform_indices = #map}, {transform_indices = #map}, {transform_indices = #map1}, {transform_indices = #map1}, {transform_indices = #map1}, {transform_indices = #map1}, {transform_indices = #map1}, {transform_indices = #map1}]} {
    %eq3A = arith.constant 0 : i32
    %eq3A_0 = arith.cmpi eq, %arg0, %eq3A : i32
    %convert_element_type3A = arith.extui %eq3A_0 : i1 to i32
    %cond3A = arith.constant 0 : i32
    %cond3A_1 = arith.cmpi ne, %convert_element_type3A, %cond3A : i32
    scf.if %cond3A_1 {
      %mul3A = arith.constant 100 : i32
      %mul3A_7 = arith.muli %arg1, %mul3A : i32
      %mul3A_8 = arith.constant 128 : i32
      %mul3A_9 = arith.muli %mul3A_7, %mul3A_8 : i32
      %add3A = arith.constant 0 : i32
      %add3A_10 = arith.addi %mul3A_9, %add3A : i32
      "tpu.region"() ({
        %run_scoped3A = tpu.sem_alloc : memref<!tpu.dma_semaphore, #tpu.memory_space<semaphore_mem>>
        %dma_start3A_40 = tpu.memref_slice %arg3[%add3A_10] : memref<335872xi32, #tpu.memory_space<hbm>> -> memref<128xi32, #tpu.memory_space<hbm>>
        %dma_start3A_41 = tpu.memref_slice %arg3[%add3A_10] : memref<335872xi32, #tpu.memory_space<hbm>> -> memref<128xi32, #tpu.memory_space<hbm>>
        tpu.enqueue_dma source(%dma_start3A_41 : memref<128xi32, #tpu.memory_space<hbm>>) target(%arg10 : memref<128xi32, #tpu.memory_space<vmem>>) target_semaphore(%run_scoped3A : memref<!tpu.dma_semaphore, #tpu.memory_space<semaphore_mem>>)
        %dma_wait3A_42 = tpu.memref_slice %arg3[%add3A_10] : memref<335872xi32, #tpu.memory_space<hbm>> -> memref<128xi32, #tpu.memory_space<hbm>>
        %dma_wait3A_43 = tpu.memref_slice %arg3[%add3A_10] : memref<335872xi32, #tpu.memory_space<hbm>> -> memref<128xi32, #tpu.memory_space<hbm>>
        tpu.wait_dma2 semaphore(%run_scoped3A : memref<!tpu.dma_semaphore, #tpu.memory_space<semaphore_mem>>) src(%dma_wait3A_43 : memref<128xi32, #tpu.memory_space<hbm>>) dst(%arg10 : memref<128xi32, #tpu.memory_space<vmem>>)
        tpu.yield
      }) : () -> ()
      %add3A_11 = arith.constant 0 : i32
      %add3A_12 = arith.addi %mul3A_9, %add3A_11 : i32
      "tpu.region"() ({
        %run_scoped3A = tpu.sem_alloc : memref<!tpu.dma_semaphore, #tpu.memory_space<semaphore_mem>>
        %dma_start3A_40 = tpu.memref_slice %arg2[%add3A_12] : memref<335872xi32, #tpu.memory_space<hbm>> -> memref<128xi32, #tpu.memory_space<hbm>>
        %dma_start3A_41 = tpu.memref_slice %arg2[%add3A_12] : memref<335872xi32, #tpu.memory_space<hbm>> -> memref<128xi32, #tpu.memory_space<hbm>>
        tpu.enqueue_dma source(%dma_start3A_41 : memref<128xi32, #tpu.memory_space<hbm>>) target(%arg11 : memref<128xi32, #tpu.memory_space<vmem>>) target_semaphore(%run_scoped3A : memref<!tpu.dma_semaphore, #tpu.memory_space<semaphore_mem>>)
        %dma_wait3A_42 = tpu.memref_slice %arg2[%add3A_12] : memref<335872xi32, #tpu.memory_space<hbm>> -> memref<128xi32, #tpu.memory_space<hbm>>
        %dma_wait3A_43 = tpu.memref_slice %arg2[%add3A_12] : memref<335872xi32, #tpu.memory_space<hbm>> -> memref<128xi32, #tpu.memory_space<hbm>>
        tpu.wait_dma2 semaphore(%run_scoped3A : memref<!tpu.dma_semaphore, #tpu.memory_space<semaphore_mem>>) src(%dma_wait3A_43 : memref<128xi32, #tpu.memory_space<hbm>>) dst(%arg11 : memref<128xi32, #tpu.memory_space<vmem>>)
        tpu.yield
      }) : () -> ()
      %dma_start3A = arith.constant 0 : i32
      %dma_start3A_13 = arith.constant 0 : i32
      %dma_start3A_14 = tpu.memref_slice %arg4[%dma_start3A, %dma_start3A_13] : memref<10240x128xf32, #tpu.memory_space<hbm>> -> memref<10240x128xf32, #tpu.memory_space<hbm>>
      tpu.enqueue_indirect_dma source(%dma_start3A_14 : memref<10240x128xf32, #tpu.memory_space<hbm>>) target(%arg12 : memref<128x128xf32, #tpu.memory_space<vmem>>) offsets(%arg10 : memref<128xi32, #tpu.memory_space<vmem>>) semaphore(%arg20 : memref<!tpu.dma_semaphore, #tpu.memory_space<semaphore_mem>>)
      %dma_start3A_15 = arith.constant 0 : i32
      %dma_start3A_16 = arith.constant 0 : i32
      %dma_start3A_17 = tpu.memref_slice %arg5[%dma_start3A_15, %dma_start3A_16] : memref<10240x128xf32, #tpu.memory_space<hbm>> -> memref<10240x128xf32, #tpu.memory_space<hbm>>
      tpu.enqueue_indirect_dma source(%dma_start3A_17 : memref<10240x128xf32, #tpu.memory_space<hbm>>) target(%arg13 : memref<128x128xf32, #tpu.memory_space<vmem>>) offsets(%arg11 : memref<128xi32, #tpu.memory_space<vmem>>) semaphore(%arg20 : memref<!tpu.dma_semaphore, #tpu.memory_space<semaphore_mem>>)
      %dma_start3A_18 = arith.constant 0 : i32
      %dma_start3A_19 = arith.constant 0 : i32
      %dma_start3A_20 = tpu.memref_slice %arg6[%dma_start3A_18, %dma_start3A_19] : memref<10240x128xf32, #tpu.memory_space<hbm>> -> memref<10240x128xf32, #tpu.memory_space<hbm>>
      tpu.enqueue_indirect_dma source(%dma_start3A_20 : memref<10240x128xf32, #tpu.memory_space<hbm>>) target(%arg14 : memref<128x128xf32, #tpu.memory_space<vmem>>) offsets(%arg11 : memref<128xi32, #tpu.memory_space<vmem>>) semaphore(%arg20 : memref<!tpu.dma_semaphore, #tpu.memory_space<semaphore_mem>>)
      %scan3A = arith.constant 0 : i32
      %scan3A_21 = arith.constant 0 : i32
      %scan3A_22 = arith.constant 50 : i32
      %scan3A_23 = arith.addi %scan3A_21, %scan3A_22 : i32
      %scan3A_24 = arith.constant 1 : i32
      %scan3A_25 = scf.for %scan3A_40 = %scan3A_21 to %scan3A_23 step %scan3A_24 iter_args(%scan3A_41 = %scan3A) -> (i32)  : i32 {
        %mul3A_42 = arith.constant 2 : i32
        %mul3A_43 = arith.muli %mul3A_42, %scan3A_40 : i32
        %add3A_44 = arith.constant 1 : i32
        %add3A_45 = arith.addi %mul3A_43, %add3A_44 : i32
        %gt3A = arith.constant 0 : i32
        %gt3A_46 = arith.cmpi sgt, %scan3A_40, %gt3A : i32
        %convert_element_type3A_47 = arith.extui %gt3A_46 : i1 to i32
        %cond3A_48 = arith.constant 0 : i32
        %cond3A_49 = arith.cmpi ne, %convert_element_type3A_47, %cond3A_48 : i32
        scf.if %cond3A_49 {
          %sub3A = arith.constant 1 : i32
          %sub3A_133 = arith.subi %mul3A_43, %sub3A : i32
          %mul3A_134 = arith.constant 128 : i32
          %mul3A_135 = arith.muli %sub3A_133, %mul3A_134 : i32
          %add3A_136 = arith.addi %mul3A_9, %mul3A_135 : i32
          %dma_wait3A_137 = arith.constant 0 : i32
          %dma_wait3A_138 = tpu.memref_slice %arg7[%add3A_136, %dma_wait3A_137] : memref<335872x128xf32, #tpu.memory_space<hbm>> -> memref<128x128xf32, #tpu.memory_space<hbm>>
          %dma_wait3A_139 = arith.constant 0 : i32
          %dma_wait3A_140 = tpu.memref_slice %arg7[%add3A_136, %dma_wait3A_139] : memref<335872x128xf32, #tpu.memory_space<hbm>> -> memref<128x128xf32, #tpu.memory_space<hbm>>
          tpu.wait_dma2 semaphore(%arg23 : memref<!tpu.dma_semaphore, #tpu.memory_space<semaphore_mem>>) src(%arg17 : memref<128x128xf32, #tpu.memory_space<vmem>>) dst(%dma_wait3A_140 : memref<128x128xf32, #tpu.memory_space<hbm>>)
          %dma_wait3A_141 = arith.constant 0 : i32
          %dma_wait3A_142 = tpu.memref_slice %arg8[%add3A_136, %dma_wait3A_141] : memref<335872x128xf32, #tpu.memory_space<hbm>> -> memref<128x128xf32, #tpu.memory_space<hbm>>
          %dma_wait3A_143 = arith.constant 0 : i32
          %dma_wait3A_144 = tpu.memref_slice %arg8[%add3A_136, %dma_wait3A_143] : memref<335872x128xf32, #tpu.memory_space<hbm>> -> memref<128x128xf32, #tpu.memory_space<hbm>>
          tpu.wait_dma2 semaphore(%arg23 : memref<!tpu.dma_semaphore, #tpu.memory_space<semaphore_mem>>) src(%arg18 : memref<128x128xf32, #tpu.memory_space<vmem>>) dst(%dma_wait3A_144 : memref<128x128xf32, #tpu.memory_space<hbm>>)
          %dma_wait3A_145 = arith.constant 0 : i32
          %dma_wait3A_146 = tpu.memref_slice %arg9[%add3A_136, %dma_wait3A_145] : memref<335872x128xf32, #tpu.memory_space<hbm>> -> memref<128x128xf32, #tpu.memory_space<hbm>>
          %dma_wait3A_147 = arith.constant 0 : i32
          %dma_wait3A_148 = tpu.memref_slice %arg9[%add3A_136, %dma_wait3A_147] : memref<335872x128xf32, #tpu.memory_space<hbm>> -> memref<128x128xf32, #tpu.memory_space<hbm>>
          tpu.wait_dma2 semaphore(%arg23 : memref<!tpu.dma_semaphore, #tpu.memory_space<semaphore_mem>>) src(%arg19 : memref<128x128xf32, #tpu.memory_space<vmem>>) dst(%dma_wait3A_148 : memref<128x128xf32, #tpu.memory_space<hbm>>)
        } else {
        }
        %mul3A_50 = arith.constant 128 : i32
        %mul3A_51 = arith.muli %add3A_45, %mul3A_50 : i32
        %add3A_52 = arith.addi %mul3A_9, %mul3A_51 : i32
        "tpu.region"() ({
          %run_scoped3A = tpu.sem_alloc : memref<!tpu.dma_semaphore, #tpu.memory_space<semaphore_mem>>
          %dma_start3A_133 = tpu.memref_slice %arg3[%add3A_52] : memref<335872xi32, #tpu.memory_space<hbm>> -> memref<128xi32, #tpu.memory_space<hbm>>
          %dma_start3A_134 = tpu.memref_slice %arg3[%add3A_52] : memref<335872xi32, #tpu.memory_space<hbm>> -> memref<128xi32, #tpu.memory_space<hbm>>
          tpu.enqueue_dma source(%dma_start3A_134 : memref<128xi32, #tpu.memory_space<hbm>>) target(%arg15 : memref<128xi32, #tpu.memory_space<vmem>>) target_semaphore(%run_scoped3A : memref<!tpu.dma_semaphore, #tpu.memory_space<semaphore_mem>>)
          %dma_wait3A_135 = tpu.memref_slice %arg3[%add3A_52] : memref<335872xi32, #tpu.memory_space<hbm>> -> memref<128xi32, #tpu.memory_space<hbm>>
          %dma_wait3A_136 = tpu.memref_slice %arg3[%add3A_52] : memref<335872xi32, #tpu.memory_space<hbm>> -> memref<128xi32, #tpu.memory_space<hbm>>
          tpu.wait_dma2 semaphore(%run_scoped3A : memref<!tpu.dma_semaphore, #tpu.memory_space<semaphore_mem>>) src(%dma_wait3A_136 : memref<128xi32, #tpu.memory_space<hbm>>) dst(%arg15 : memref<128xi32, #tpu.memory_space<vmem>>)
          tpu.yield
        }) : () -> ()
        %mul3A_53 = arith.constant 128 : i32
        %mul3A_54 = arith.muli %add3A_45, %mul3A_53 : i32
        %add3A_55 = arith.addi %mul3A_9, %mul3A_54 : i32
        "tpu.region"() ({
          %run_scoped3A = tpu.sem_alloc : memref<!tpu.dma_semaphore, #tpu.memory_space<semaphore_mem>>
          %dma_start3A_133 = tpu.memref_slice %arg2[%add3A_55] : memref<335872xi32, #tpu.memory_space<hbm>> -> memref<128xi32, #tpu.memory_space<hbm>>
          %dma_start3A_134 = tpu.memref_slice %arg2[%add3A_55] : memref<335872xi32, #tpu.memory_space<hbm>> -> memref<128xi32, #tpu.memory_space<hbm>>
          tpu.enqueue_dma source(%dma_start3A_134 : memref<128xi32, #tpu.memory_space<hbm>>) target(%arg16 : memref<128xi32, #tpu.memory_space<vmem>>) target_semaphore(%run_scoped3A : memref<!tpu.dma_semaphore, #tpu.memory_space<semaphore_mem>>)
          %dma_wait3A_135 = tpu.memref_slice %arg2[%add3A_55] : memref<335872xi32, #tpu.memory_space<hbm>> -> memref<128xi32, #tpu.memory_space<hbm>>
          %dma_wait3A_136 = tpu.memref_slice %arg2[%add3A_55] : memref<335872xi32, #tpu.memory_space<hbm>> -> memref<128xi32, #tpu.memory_space<hbm>>
          tpu.wait_dma2 semaphore(%run_scoped3A : memref<!tpu.dma_semaphore, #tpu.memory_space<semaphore_mem>>) src(%dma_wait3A_136 : memref<128xi32, #tpu.memory_space<hbm>>) dst(%arg16 : memref<128xi32, #tpu.memory_space<vmem>>)
          tpu.yield
        }) : () -> ()
        %dma_start3A_56 = arith.constant 0 : i32
        %dma_start3A_57 = arith.constant 0 : i32
        %dma_start3A_58 = tpu.memref_slice %arg4[%dma_start3A_56, %dma_start3A_57] : memref<10240x128xf32, #tpu.memory_space<hbm>> -> memref<10240x128xf32, #tpu.memory_space<hbm>>
        tpu.enqueue_indirect_dma source(%dma_start3A_58 : memref<10240x128xf32, #tpu.memory_space<hbm>>) target(%arg17 : memref<128x128xf32, #tpu.memory_space<vmem>>) offsets(%arg15 : memref<128xi32, #tpu.memory_space<vmem>>) semaphore(%arg21 : memref<!tpu.dma_semaphore, #tpu.memory_space<semaphore_mem>>)
        %dma_start3A_59 = arith.constant 0 : i32
        %dma_start3A_60 = arith.constant 0 : i32
        %dma_start3A_61 = tpu.memref_slice %arg5[%dma_start3A_59, %dma_start3A_60] : memref<10240x128xf32, #tpu.memory_space<hbm>> -> memref<10240x128xf32, #tpu.memory_space<hbm>>
        tpu.enqueue_indirect_dma source(%dma_start3A_61 : memref<10240x128xf32, #tpu.memory_space<hbm>>) target(%arg18 : memref<128x128xf32, #tpu.memory_space<vmem>>) offsets(%arg16 : memref<128xi32, #tpu.memory_space<vmem>>) semaphore(%arg21 : memref<!tpu.dma_semaphore, #tpu.memory_space<semaphore_mem>>)
        %dma_start3A_62 = arith.constant 0 : i32
        %dma_start3A_63 = arith.constant 0 : i32
        %dma_start3A_64 = tpu.memref_slice %arg6[%dma_start3A_62, %dma_start3A_63] : memref<10240x128xf32, #tpu.memory_space<hbm>> -> memref<10240x128xf32, #tpu.memory_space<hbm>>
        tpu.enqueue_indirect_dma source(%dma_start3A_64 : memref<10240x128xf32, #tpu.memory_space<hbm>>) target(%arg19 : memref<128x128xf32, #tpu.memory_space<vmem>>) offsets(%arg16 : memref<128xi32, #tpu.memory_space<vmem>>) semaphore(%arg21 : memref<!tpu.dma_semaphore, #tpu.memory_space<semaphore_mem>>)
        %dma_wait3A_65 = arith.constant 0 : i32
        %dma_wait3A_66 = arith.constant 0 : i32
        %dma_wait3A_67 = tpu.memref_slice %arg4[%dma_wait3A_65, %dma_wait3A_66] : memref<10240x128xf32, #tpu.memory_space<hbm>> -> memref<10240x128xf32, #tpu.memory_space<hbm>>
        tpu.wait_indirect_dma semaphore(%arg20 : memref<!tpu.dma_semaphore, #tpu.memory_space<semaphore_mem>>) src(%dma_wait3A_67 : memref<10240x128xf32, #tpu.memory_space<hbm>>) dst(%arg12 : memref<128x128xf32, #tpu.memory_space<vmem>>)
        %dma_wait3A_68 = arith.constant 0 : i32
        %dma_wait3A_69 = arith.constant 0 : i32
        %dma_wait3A_70 = tpu.memref_slice %arg5[%dma_wait3A_68, %dma_wait3A_69] : memref<10240x128xf32, #tpu.memory_space<hbm>> -> memref<10240x128xf32, #tpu.memory_space<hbm>>
        tpu.wait_indirect_dma semaphore(%arg20 : memref<!tpu.dma_semaphore, #tpu.memory_space<semaphore_mem>>) src(%dma_wait3A_70 : memref<10240x128xf32, #tpu.memory_space<hbm>>) dst(%arg13 : memref<128x128xf32, #tpu.memory_space<vmem>>)
        %dma_wait3A_71 = arith.constant 0 : i32
        %dma_wait3A_72 = arith.constant 0 : i32
        %dma_wait3A_73 = tpu.memref_slice %arg6[%dma_wait3A_71, %dma_wait3A_72] : memref<10240x128xf32, #tpu.memory_space<hbm>> -> memref<10240x128xf32, #tpu.memory_space<hbm>>
        tpu.wait_indirect_dma semaphore(%arg20 : memref<!tpu.dma_semaphore, #tpu.memory_space<semaphore_mem>>) src(%dma_wait3A_73 : memref<10240x128xf32, #tpu.memory_space<hbm>>) dst(%arg14 : memref<128x128xf32, #tpu.memory_space<vmem>>)
        %mul3A_74 = arith.constant 128 : i32
        %mul3A_75 = arith.muli %mul3A_43, %mul3A_74 : i32
        %add3A_76 = arith.addi %mul3A_9, %mul3A_75 : i32
        %dma_start3A_77 = arith.constant 0 : i32
        %dma_start3A_78 = tpu.memref_slice %arg7[%add3A_76, %dma_start3A_77] : memref<335872x128xf32, #tpu.memory_space<hbm>> -> memref<128x128xf32, #tpu.memory_space<hbm>>
        %dma_start3A_79 = arith.constant 0 : i32
        %dma_start3A_80 = tpu.memref_slice %arg7[%add3A_76, %dma_start3A_79] : memref<335872x128xf32, #tpu.memory_space<hbm>> -> memref<128x128xf32, #tpu.memory_space<hbm>>
        tpu.enqueue_dma source(%arg12 : memref<128x128xf32, #tpu.memory_space<vmem>>) target(%dma_start3A_80 : memref<128x128xf32, #tpu.memory_space<hbm>>) target_semaphore(%arg22 : memref<!tpu.dma_semaphore, #tpu.memory_space<semaphore_mem>>)
        %dma_start3A_81 = arith.constant 0 : i32
        %dma_start3A_82 = tpu.memref_slice %arg8[%add3A_76, %dma_start3A_81] : memref<335872x128xf32, #tpu.memory_space<hbm>> -> memref<128x128xf32, #tpu.memory_space<hbm>>
        %dma_start3A_83 = arith.constant 0 : i32
        %dma_start3A_84 = tpu.memref_slice %arg8[%add3A_76, %dma_start3A_83] : memref<335872x128xf32, #tpu.memory_space<hbm>> -> memref<128x128xf32, #tpu.memory_space<hbm>>
        tpu.enqueue_dma source(%arg13 : memref<128x128xf32, #tpu.memory_space<vmem>>) target(%dma_start3A_84 : memref<128x128xf32, #tpu.memory_space<hbm>>) target_semaphore(%arg22 : memref<!tpu.dma_semaphore, #tpu.memory_space<semaphore_mem>>)
        %dma_start3A_85 = arith.constant 0 : i32
        %dma_start3A_86 = tpu.memref_slice %arg9[%add3A_76, %dma_start3A_85] : memref<335872x128xf32, #tpu.memory_space<hbm>> -> memref<128x128xf32, #tpu.memory_space<hbm>>
        %dma_start3A_87 = arith.constant 0 : i32
        %dma_start3A_88 = tpu.memref_slice %arg9[%add3A_76, %dma_start3A_87] : memref<335872x128xf32, #tpu.memory_space<hbm>> -> memref<128x128xf32, #tpu.memory_space<hbm>>
        tpu.enqueue_dma source(%arg14 : memref<128x128xf32, #tpu.memory_space<vmem>>) target(%dma_start3A_88 : memref<128x128xf32, #tpu.memory_space<hbm>>) target_semaphore(%arg22 : memref<!tpu.dma_semaphore, #tpu.memory_space<semaphore_mem>>)
        %mul3A_89 = arith.constant 128 : i32
        %mul3A_90 = arith.muli %mul3A_43, %mul3A_89 : i32
        %add3A_91 = arith.addi %mul3A_9, %mul3A_90 : i32
        %dma_wait3A_92 = arith.constant 0 : i32
        %dma_wait3A_93 = tpu.memref_slice %arg7[%add3A_91, %dma_wait3A_92] : memref<335872x128xf32, #tpu.memory_space<hbm>> -> memref<128x128xf32, #tpu.memory_space<hbm>>
        %dma_wait3A_94 = arith.constant 0 : i32
        %dma_wait3A_95 = tpu.memref_slice %arg7[%add3A_91, %dma_wait3A_94] : memref<335872x128xf32, #tpu.memory_space<hbm>> -> memref<128x128xf32, #tpu.memory_space<hbm>>
        tpu.wait_dma2 semaphore(%arg22 : memref<!tpu.dma_semaphore, #tpu.memory_space<semaphore_mem>>) src(%arg12 : memref<128x128xf32, #tpu.memory_space<vmem>>) dst(%dma_wait3A_95 : memref<128x128xf32, #tpu.memory_space<hbm>>)
        %dma_wait3A_96 = arith.constant 0 : i32
        %dma_wait3A_97 = tpu.memref_slice %arg8[%add3A_91, %dma_wait3A_96] : memref<335872x128xf32, #tpu.memory_space<hbm>> -> memref<128x128xf32, #tpu.memory_space<hbm>>
        %dma_wait3A_98 = arith.constant 0 : i32
        %dma_wait3A_99 = tpu.memref_slice %arg8[%add3A_91, %dma_wait3A_98] : memref<335872x128xf32, #tpu.memory_space<hbm>> -> memref<128x128xf32, #tpu.memory_space<hbm>>
        tpu.wait_dma2 semaphore(%arg22 : memref<!tpu.dma_semaphore, #tpu.memory_space<semaphore_mem>>) src(%arg13 : memref<128x128xf32, #tpu.memory_space<vmem>>) dst(%dma_wait3A_99 : memref<128x128xf32, #tpu.memory_space<hbm>>)
        %dma_wait3A_100 = arith.constant 0 : i32
        %dma_wait3A_101 = tpu.memref_slice %arg9[%add3A_91, %dma_wait3A_100] : memref<335872x128xf32, #tpu.memory_space<hbm>> -> memref<128x128xf32, #tpu.memory_space<hbm>>
        %dma_wait3A_102 = arith.constant 0 : i32
        %dma_wait3A_103 = tpu.memref_slice %arg9[%add3A_91, %dma_wait3A_102] : memref<335872x128xf32, #tpu.memory_space<hbm>> -> memref<128x128xf32, #tpu.memory_space<hbm>>
        tpu.wait_dma2 semaphore(%arg22 : memref<!tpu.dma_semaphore, #tpu.memory_space<semaphore_mem>>) src(%arg14 : memref<128x128xf32, #tpu.memory_space<vmem>>) dst(%dma_wait3A_103 : memref<128x128xf32, #tpu.memory_space<hbm>>)
        %lt3A = arith.constant 49 : i32
        %lt3A_104 = arith.cmpi slt, %scan3A_40, %lt3A : i32
        %convert_element_type3A_105 = arith.extui %lt3A_104 : i1 to i32
        %cond3A_106 = arith.constant 0 : i32
        %cond3A_107 = arith.cmpi ne, %convert_element_type3A_105, %cond3A_106 : i32
        scf.if %cond3A_107 {
          %add3A_133 = arith.constant 2 : i32
          %add3A_134 = arith.addi %mul3A_43, %add3A_133 : i32
          %mul3A_135 = arith.constant 128 : i32
          %mul3A_136 = arith.muli %add3A_134, %mul3A_135 : i32
          %add3A_137 = arith.addi %mul3A_9, %mul3A_136 : i32
          "tpu.region"() ({
            %run_scoped3A = tpu.sem_alloc : memref<!tpu.dma_semaphore, #tpu.memory_space<semaphore_mem>>
            %dma_start3A_150 = tpu.memref_slice %arg3[%add3A_137] : memref<335872xi32, #tpu.memory_space<hbm>> -> memref<128xi32, #tpu.memory_space<hbm>>
            %dma_start3A_151 = tpu.memref_slice %arg3[%add3A_137] : memref<335872xi32, #tpu.memory_space<hbm>> -> memref<128xi32, #tpu.memory_space<hbm>>
            tpu.enqueue_dma source(%dma_start3A_151 : memref<128xi32, #tpu.memory_space<hbm>>) target(%arg10 : memref<128xi32, #tpu.memory_space<vmem>>) target_semaphore(%run_scoped3A : memref<!tpu.dma_semaphore, #tpu.memory_space<semaphore_mem>>)
            %dma_wait3A_152 = tpu.memref_slice %arg3[%add3A_137] : memref<335872xi32, #tpu.memory_space<hbm>> -> memref<128xi32, #tpu.memory_space<hbm>>
            %dma_wait3A_153 = tpu.memref_slice %arg3[%add3A_137] : memref<335872xi32, #tpu.memory_space<hbm>> -> memref<128xi32, #tpu.memory_space<hbm>>
            tpu.wait_dma2 semaphore(%run_scoped3A : memref<!tpu.dma_semaphore, #tpu.memory_space<semaphore_mem>>) src(%dma_wait3A_153 : memref<128xi32, #tpu.memory_space<hbm>>) dst(%arg10 : memref<128xi32, #tpu.memory_space<vmem>>)
            tpu.yield
          }) : () -> ()
          %mul3A_138 = arith.constant 128 : i32
          %mul3A_139 = arith.muli %add3A_134, %mul3A_138 : i32
          %add3A_140 = arith.addi %mul3A_9, %mul3A_139 : i32
          "tpu.region"() ({
            %run_scoped3A = tpu.sem_alloc : memref<!tpu.dma_semaphore, #tpu.memory_space<semaphore_mem>>
            %dma_start3A_150 = tpu.memref_slice %arg2[%add3A_140] : memref<335872xi32, #tpu.memory_space<hbm>> -> memref<128xi32, #tpu.memory_space<hbm>>
            %dma_start3A_151 = tpu.memref_slice %arg2[%add3A_140] : memref<335872xi32, #tpu.memory_space<hbm>> -> memref<128xi32, #tpu.memory_space<hbm>>
            tpu.enqueue_dma source(%dma_start3A_151 : memref<128xi32, #tpu.memory_space<hbm>>) target(%arg11 : memref<128xi32, #tpu.memory_space<vmem>>) target_semaphore(%run_scoped3A : memref<!tpu.dma_semaphore, #tpu.memory_space<semaphore_mem>>)
            %dma_wait3A_152 = tpu.memref_slice %arg2[%add3A_140] : memref<335872xi32, #tpu.memory_space<hbm>> -> memref<128xi32, #tpu.memory_space<hbm>>
            %dma_wait3A_153 = tpu.memref_slice %arg2[%add3A_140] : memref<335872xi32, #tpu.memory_space<hbm>> -> memref<128xi32, #tpu.memory_space<hbm>>
            tpu.wait_dma2 semaphore(%run_scoped3A : memref<!tpu.dma_semaphore, #tpu.memory_space<semaphore_mem>>) src(%dma_wait3A_153 : memref<128xi32, #tpu.memory_space<hbm>>) dst(%arg11 : memref<128xi32, #tpu.memory_space<vmem>>)
            tpu.yield
          }) : () -> ()
          %dma_start3A_141 = arith.constant 0 : i32
          %dma_start3A_142 = arith.constant 0 : i32
          %dma_start3A_143 = tpu.memref_slice %arg4[%dma_start3A_141, %dma_start3A_142] : memref<10240x128xf32, #tpu.memory_space<hbm>> -> memref<10240x128xf32, #tpu.memory_space<hbm>>
          tpu.enqueue_indirect_dma source(%dma_start3A_143 : memref<10240x128xf32, #tpu.memory_space<hbm>>) target(%arg12 : memref<128x128xf32, #tpu.memory_space<vmem>>) offsets(%arg10 : memref<128xi32, #tpu.memory_space<vmem>>) semaphore(%arg20 : memref<!tpu.dma_semaphore, #tpu.memory_space<semaphore_mem>>)
          %dma_start3A_144 = arith.constant 0 : i32
          %dma_start3A_145 = arith.constant 0 : i32
          %dma_start3A_146 = tpu.memref_slice %arg5[%dma_start3A_144, %dma_start3A_145] : memref<10240x128xf32, #tpu.memory_space<hbm>> -> memref<10240x128xf32, #tpu.memory_space<hbm>>
          tpu.enqueue_indirect_dma source(%dma_start3A_146 : memref<10240x128xf32, #tpu.memory_space<hbm>>) target(%arg13 : memref<128x128xf32, #tpu.memory_space<vmem>>) offsets(%arg11 : memref<128xi32, #tpu.memory_space<vmem>>) semaphore(%arg20 : memref<!tpu.dma_semaphore, #tpu.memory_space<semaphore_mem>>)
          %dma_start3A_147 = arith.constant 0 : i32
          %dma_start3A_148 = arith.constant 0 : i32
          %dma_start3A_149 = tpu.memref_slice %arg6[%dma_start3A_147, %dma_start3A_148] : memref<10240x128xf32, #tpu.memory_space<hbm>> -> memref<10240x128xf32, #tpu.memory_space<hbm>>
          tpu.enqueue_indirect_dma source(%dma_start3A_149 : memref<10240x128xf32, #tpu.memory_space<hbm>>) target(%arg14 : memref<128x128xf32, #tpu.memory_space<vmem>>) offsets(%arg11 : memref<128xi32, #tpu.memory_space<vmem>>) semaphore(%arg20 : memref<!tpu.dma_semaphore, #tpu.memory_space<semaphore_mem>>)
        } else {
        }
        %dma_wait3A_108 = arith.constant 0 : i32
        %dma_wait3A_109 = arith.constant 0 : i32
        %dma_wait3A_110 = tpu.memref_slice %arg4[%dma_wait3A_108, %dma_wait3A_109] : memref<10240x128xf32, #tpu.memory_space<hbm>> -> memref<10240x128xf32, #tpu.memory_space<hbm>>
        tpu.wait_indirect_dma semaphore(%arg21 : memref<!tpu.dma_semaphore, #tpu.memory_space<semaphore_mem>>) src(%dma_wait3A_110 : memref<10240x128xf32, #tpu.memory_space<hbm>>) dst(%arg17 : memref<128x128xf32, #tpu.memory_space<vmem>>)
        %dma_wait3A_111 = arith.constant 0 : i32
        %dma_wait3A_112 = arith.constant 0 : i32
        %dma_wait3A_113 = tpu.memref_slice %arg5[%dma_wait3A_111, %dma_wait3A_112] : memref<10240x128xf32, #tpu.memory_space<hbm>> -> memref<10240x128xf32, #tpu.memory_space<hbm>>
        tpu.wait_indirect_dma semaphore(%arg21 : memref<!tpu.dma_semaphore, #tpu.memory_space<semaphore_mem>>) src(%dma_wait3A_113 : memref<10240x128xf32, #tpu.memory_space<hbm>>) dst(%arg18 : memref<128x128xf32, #tpu.memory_space<vmem>>)
        %dma_wait3A_114 = arith.constant 0 : i32
        %dma_wait3A_115 = arith.constant 0 : i32
        %dma_wait3A_116 = tpu.memref_slice %arg6[%dma_wait3A_114, %dma_wait3A_115] : memref<10240x128xf32, #tpu.memory_space<hbm>> -> memref<10240x128xf32, #tpu.memory_space<hbm>>
        tpu.wait_indirect_dma semaphore(%arg21 : memref<!tpu.dma_semaphore, #tpu.memory_space<semaphore_mem>>) src(%dma_wait3A_116 : memref<10240x128xf32, #tpu.memory_space<hbm>>) dst(%arg19 : memref<128x128xf32, #tpu.memory_space<vmem>>)
        %mul3A_117 = arith.constant 128 : i32
        %mul3A_118 = arith.muli %add3A_45, %mul3A_117 : i32
        %add3A_119 = arith.addi %mul3A_9, %mul3A_118 : i32
        %dma_start3A_120 = arith.constant 0 : i32
        %dma_start3A_121 = tpu.memref_slice %arg7[%add3A_119, %dma_start3A_120] : memref<335872x128xf32, #tpu.memory_space<hbm>> -> memref<128x128xf32, #tpu.memory_space<hbm>>
        %dma_start3A_122 = arith.constant 0 : i32
        %dma_start3A_123 = tpu.memref_slice %arg7[%add3A_119, %dma_start3A_122] : memref<335872x128xf32, #tpu.memory_space<hbm>> -> memref<128x128xf32, #tpu.memory_space<hbm>>
        tpu.enqueue_dma source(%arg17 : memref<128x128xf32, #tpu.memory_space<vmem>>) target(%dma_start3A_123 : memref<128x128xf32, #tpu.memory_space<hbm>>) target_semaphore(%arg23 : memref<!tpu.dma_semaphore, #tpu.memory_space<semaphore_mem>>)
        %dma_start3A_124 = arith.constant 0 : i32
        %dma_start3A_125 = tpu.memref_slice %arg8[%add3A_119, %dma_start3A_124] : memref<335872x128xf32, #tpu.memory_space<hbm>> -> memref<128x128xf32, #tpu.memory_space<hbm>>
        %dma_start3A_126 = arith.constant 0 : i32
        %dma_start3A_127 = tpu.memref_slice %arg8[%add3A_119, %dma_start3A_126] : memref<335872x128xf32, #tpu.memory_space<hbm>> -> memref<128x128xf32, #tpu.memory_space<hbm>>
        tpu.enqueue_dma source(%arg18 : memref<128x128xf32, #tpu.memory_space<vmem>>) target(%dma_start3A_127 : memref<128x128xf32, #tpu.memory_space<hbm>>) target_semaphore(%arg23 : memref<!tpu.dma_semaphore, #tpu.memory_space<semaphore_mem>>)
        %dma_start3A_128 = arith.constant 0 : i32
        %dma_start3A_129 = tpu.memref_slice %arg9[%add3A_119, %dma_start3A_128] : memref<335872x128xf32, #tpu.memory_space<hbm>> -> memref<128x128xf32, #tpu.memory_space<hbm>>
        %dma_start3A_130 = arith.constant 0 : i32
        %dma_start3A_131 = tpu.memref_slice %arg9[%add3A_119, %dma_start3A_130] : memref<335872x128xf32, #tpu.memory_space<hbm>> -> memref<128x128xf32, #tpu.memory_space<hbm>>
        tpu.enqueue_dma source(%arg19 : memref<128x128xf32, #tpu.memory_space<vmem>>) target(%dma_start3A_131 : memref<128x128xf32, #tpu.memory_space<hbm>>) target_semaphore(%arg23 : memref<!tpu.dma_semaphore, #tpu.memory_space<semaphore_mem>>)
        %scan3A_132 = arith.constant 0 : i32
        scf.yield %scan3A_132 : i32
      }
      %scan3A_26 = arith.constant 50 : i32
      %add3A_27 = arith.constant 12672 : i32
      %add3A_28 = arith.addi %mul3A_9, %add3A_27 : i32
      %dma_wait3A = arith.constant 0 : i32
      %dma_wait3A_29 = tpu.memref_slice %arg7[%add3A_28, %dma_wait3A] : memref<335872x128xf32, #tpu.memory_space<hbm>> -> memref<128x128xf32, #tpu.memory_space<hbm>>
      %dma_wait3A_30 = arith.constant 0 : i32
      %dma_wait3A_31 = tpu.memref_slice %arg7[%add3A_28, %dma_wait3A_30] : memref<335872x128xf32, #tpu.memory_space<hbm>> -> memref<128x128xf32, #tpu.memory_space<hbm>>
      tpu.wait_dma2 semaphore(%arg23 : memref<!tpu.dma_semaphore, #tpu.memory_space<semaphore_mem>>) src(%arg17 : memref<128x128xf32, #tpu.memory_space<vmem>>) dst(%dma_wait3A_31 : memref<128x128xf32, #tpu.memory_space<hbm>>)
      %dma_wait3A_32 = arith.constant 0 : i32
      %dma_wait3A_33 = tpu.memref_slice %arg8[%add3A_28, %dma_wait3A_32] : memref<335872x128xf32, #tpu.memory_space<hbm>> -> memref<128x128xf32, #tpu.memory_space<hbm>>
      %dma_wait3A_34 = arith.constant 0 : i32
      %dma_wait3A_35 = tpu.memref_slice %arg8[%add3A_28, %dma_wait3A_34] : memref<335872x128xf32, #tpu.memory_space<hbm>> -> memref<128x128xf32, #tpu.memory_space<hbm>>
      tpu.wait_dma2 semaphore(%arg23 : memref<!tpu.dma_semaphore, #tpu.memory_space<semaphore_mem>>) src(%arg18 : memref<128x128xf32, #tpu.memory_space<vmem>>) dst(%dma_wait3A_35 : memref<128x128xf32, #tpu.memory_space<hbm>>)
      %dma_wait3A_36 = arith.constant 0 : i32
      %dma_wait3A_37 = tpu.memref_slice %arg9[%add3A_28, %dma_wait3A_36] : memref<335872x128xf32, #tpu.memory_space<hbm>> -> memref<128x128xf32, #tpu.memory_space<hbm>>
      %dma_wait3A_38 = arith.constant 0 : i32
      %dma_wait3A_39 = tpu.memref_slice %arg9[%add3A_28, %dma_wait3A_38] : memref<335872x128xf32, #tpu.memory_space<hbm>> -> memref<128x128xf32, #tpu.memory_space<hbm>>
      tpu.wait_dma2 semaphore(%arg23 : memref<!tpu.dma_semaphore, #tpu.memory_space<semaphore_mem>>) src(%arg19 : memref<128x128xf32, #tpu.memory_space<vmem>>) dst(%dma_wait3A_39 : memref<128x128xf32, #tpu.memory_space<hbm>>)
    } else {
    }
    %eq3A_2 = arith.constant 1 : i32
    %eq3A_3 = arith.cmpi eq, %arg0, %eq3A_2 : i32
    %convert_element_type3A_4 = arith.extui %eq3A_3 : i1 to i32
    %cond3A_5 = arith.constant 0 : i32
    %cond3A_6 = arith.cmpi ne, %convert_element_type3A_4, %cond3A_5 : i32
    scf.if %cond3A_6 {
      %mul3A = arith.constant 64 : i32
      %mul3A_7 = arith.muli %arg1, %mul3A : i32
      %add3A = arith.constant 1600 : i32
      %add3A_8 = arith.addi %add3A, %mul3A_7 : i32
      %mul3A_9 = arith.constant 128 : i32
      %mul3A_10 = arith.muli %add3A_8, %mul3A_9 : i32
      %add3A_11 = arith.constant 0 : i32
      %add3A_12 = arith.addi %mul3A_10, %add3A_11 : i32
      "tpu.region"() ({
        %run_scoped3A = tpu.sem_alloc : memref<!tpu.dma_semaphore, #tpu.memory_space<semaphore_mem>>
        %dma_start3A_42 = tpu.memref_slice %arg3[%add3A_12] : memref<335872xi32, #tpu.memory_space<hbm>> -> memref<128xi32, #tpu.memory_space<hbm>>
        %dma_start3A_43 = tpu.memref_slice %arg3[%add3A_12] : memref<335872xi32, #tpu.memory_space<hbm>> -> memref<128xi32, #tpu.memory_space<hbm>>
        tpu.enqueue_dma source(%dma_start3A_43 : memref<128xi32, #tpu.memory_space<hbm>>) target(%arg10 : memref<128xi32, #tpu.memory_space<vmem>>) target_semaphore(%run_scoped3A : memref<!tpu.dma_semaphore, #tpu.memory_space<semaphore_mem>>)
        %dma_wait3A_44 = tpu.memref_slice %arg3[%add3A_12] : memref<335872xi32, #tpu.memory_space<hbm>> -> memref<128xi32, #tpu.memory_space<hbm>>
        %dma_wait3A_45 = tpu.memref_slice %arg3[%add3A_12] : memref<335872xi32, #tpu.memory_space<hbm>> -> memref<128xi32, #tpu.memory_space<hbm>>
        tpu.wait_dma2 semaphore(%run_scoped3A : memref<!tpu.dma_semaphore, #tpu.memory_space<semaphore_mem>>) src(%dma_wait3A_45 : memref<128xi32, #tpu.memory_space<hbm>>) dst(%arg10 : memref<128xi32, #tpu.memory_space<vmem>>)
        tpu.yield
      }) : () -> ()
      %add3A_13 = arith.constant 0 : i32
      %add3A_14 = arith.addi %mul3A_10, %add3A_13 : i32
      "tpu.region"() ({
        %run_scoped3A = tpu.sem_alloc : memref<!tpu.dma_semaphore, #tpu.memory_space<semaphore_mem>>
        %dma_start3A_42 = tpu.memref_slice %arg2[%add3A_14] : memref<335872xi32, #tpu.memory_space<hbm>> -> memref<128xi32, #tpu.memory_space<hbm>>
        %dma_start3A_43 = tpu.memref_slice %arg2[%add3A_14] : memref<335872xi32, #tpu.memory_space<hbm>> -> memref<128xi32, #tpu.memory_space<hbm>>
        tpu.enqueue_dma source(%dma_start3A_43 : memref<128xi32, #tpu.memory_space<hbm>>) target(%arg11 : memref<128xi32, #tpu.memory_space<vmem>>) target_semaphore(%run_scoped3A : memref<!tpu.dma_semaphore, #tpu.memory_space<semaphore_mem>>)
        %dma_wait3A_44 = tpu.memref_slice %arg2[%add3A_14] : memref<335872xi32, #tpu.memory_space<hbm>> -> memref<128xi32, #tpu.memory_space<hbm>>
        %dma_wait3A_45 = tpu.memref_slice %arg2[%add3A_14] : memref<335872xi32, #tpu.memory_space<hbm>> -> memref<128xi32, #tpu.memory_space<hbm>>
        tpu.wait_dma2 semaphore(%run_scoped3A : memref<!tpu.dma_semaphore, #tpu.memory_space<semaphore_mem>>) src(%dma_wait3A_45 : memref<128xi32, #tpu.memory_space<hbm>>) dst(%arg11 : memref<128xi32, #tpu.memory_space<vmem>>)
        tpu.yield
      }) : () -> ()
      %dma_start3A = arith.constant 0 : i32
      %dma_start3A_15 = arith.constant 0 : i32
      %dma_start3A_16 = tpu.memref_slice %arg4[%dma_start3A, %dma_start3A_15] : memref<10240x128xf32, #tpu.memory_space<hbm>> -> memref<10240x128xf32, #tpu.memory_space<hbm>>
      tpu.enqueue_indirect_dma source(%dma_start3A_16 : memref<10240x128xf32, #tpu.memory_space<hbm>>) target(%arg12 : memref<128x128xf32, #tpu.memory_space<vmem>>) offsets(%arg10 : memref<128xi32, #tpu.memory_space<vmem>>) semaphore(%arg20 : memref<!tpu.dma_semaphore, #tpu.memory_space<semaphore_mem>>)
      %dma_start3A_17 = arith.constant 0 : i32
      %dma_start3A_18 = arith.constant 0 : i32
      %dma_start3A_19 = tpu.memref_slice %arg5[%dma_start3A_17, %dma_start3A_18] : memref<10240x128xf32, #tpu.memory_space<hbm>> -> memref<10240x128xf32, #tpu.memory_space<hbm>>
      tpu.enqueue_indirect_dma source(%dma_start3A_19 : memref<10240x128xf32, #tpu.memory_space<hbm>>) target(%arg13 : memref<128x128xf32, #tpu.memory_space<vmem>>) offsets(%arg11 : memref<128xi32, #tpu.memory_space<vmem>>) semaphore(%arg20 : memref<!tpu.dma_semaphore, #tpu.memory_space<semaphore_mem>>)
      %dma_start3A_20 = arith.constant 0 : i32
      %dma_start3A_21 = arith.constant 0 : i32
      %dma_start3A_22 = tpu.memref_slice %arg6[%dma_start3A_20, %dma_start3A_21] : memref<10240x128xf32, #tpu.memory_space<hbm>> -> memref<10240x128xf32, #tpu.memory_space<hbm>>
      tpu.enqueue_indirect_dma source(%dma_start3A_22 : memref<10240x128xf32, #tpu.memory_space<hbm>>) target(%arg14 : memref<128x128xf32, #tpu.memory_space<vmem>>) offsets(%arg11 : memref<128xi32, #tpu.memory_space<vmem>>) semaphore(%arg20 : memref<!tpu.dma_semaphore, #tpu.memory_space<semaphore_mem>>)
      %scan3A = arith.constant 0 : i32
      %scan3A_23 = arith.constant 0 : i32
      %scan3A_24 = arith.constant 32 : i32
      %scan3A_25 = arith.addi %scan3A_23, %scan3A_24 : i32
      %scan3A_26 = arith.constant 1 : i32
      %scan3A_27 = scf.for %scan3A_42 = %scan3A_23 to %scan3A_25 step %scan3A_26 iter_args(%scan3A_43 = %scan3A) -> (i32)  : i32 {
        %mul3A_44 = arith.constant 2 : i32
        %mul3A_45 = arith.muli %mul3A_44, %scan3A_42 : i32
        %add3A_46 = arith.constant 1 : i32
        %add3A_47 = arith.addi %mul3A_45, %add3A_46 : i32
        %gt3A = arith.constant 0 : i32
        %gt3A_48 = arith.cmpi sgt, %scan3A_42, %gt3A : i32
        %convert_element_type3A_49 = arith.extui %gt3A_48 : i1 to i32
        %cond3A_50 = arith.constant 0 : i32
        %cond3A_51 = arith.cmpi ne, %convert_element_type3A_49, %cond3A_50 : i32
        scf.if %cond3A_51 {
          %sub3A = arith.constant 1 : i32
          %sub3A_135 = arith.subi %mul3A_45, %sub3A : i32
          %mul3A_136 = arith.constant 128 : i32
          %mul3A_137 = arith.muli %sub3A_135, %mul3A_136 : i32
          %add3A_138 = arith.addi %mul3A_10, %mul3A_137 : i32
          %dma_wait3A_139 = arith.constant 0 : i32
          %dma_wait3A_140 = tpu.memref_slice %arg7[%add3A_138, %dma_wait3A_139] : memref<335872x128xf32, #tpu.memory_space<hbm>> -> memref<128x128xf32, #tpu.memory_space<hbm>>
          %dma_wait3A_141 = arith.constant 0 : i32
          %dma_wait3A_142 = tpu.memref_slice %arg7[%add3A_138, %dma_wait3A_141] : memref<335872x128xf32, #tpu.memory_space<hbm>> -> memref<128x128xf32, #tpu.memory_space<hbm>>
          tpu.wait_dma2 semaphore(%arg23 : memref<!tpu.dma_semaphore, #tpu.memory_space<semaphore_mem>>) src(%arg17 : memref<128x128xf32, #tpu.memory_space<vmem>>) dst(%dma_wait3A_142 : memref<128x128xf32, #tpu.memory_space<hbm>>)
          %dma_wait3A_143 = arith.constant 0 : i32
          %dma_wait3A_144 = tpu.memref_slice %arg8[%add3A_138, %dma_wait3A_143] : memref<335872x128xf32, #tpu.memory_space<hbm>> -> memref<128x128xf32, #tpu.memory_space<hbm>>
          %dma_wait3A_145 = arith.constant 0 : i32
          %dma_wait3A_146 = tpu.memref_slice %arg8[%add3A_138, %dma_wait3A_145] : memref<335872x128xf32, #tpu.memory_space<hbm>> -> memref<128x128xf32, #tpu.memory_space<hbm>>
          tpu.wait_dma2 semaphore(%arg23 : memref<!tpu.dma_semaphore, #tpu.memory_space<semaphore_mem>>) src(%arg18 : memref<128x128xf32, #tpu.memory_space<vmem>>) dst(%dma_wait3A_146 : memref<128x128xf32, #tpu.memory_space<hbm>>)
          %dma_wait3A_147 = arith.constant 0 : i32
          %dma_wait3A_148 = tpu.memref_slice %arg9[%add3A_138, %dma_wait3A_147] : memref<335872x128xf32, #tpu.memory_space<hbm>> -> memref<128x128xf32, #tpu.memory_space<hbm>>
          %dma_wait3A_149 = arith.constant 0 : i32
          %dma_wait3A_150 = tpu.memref_slice %arg9[%add3A_138, %dma_wait3A_149] : memref<335872x128xf32, #tpu.memory_space<hbm>> -> memref<128x128xf32, #tpu.memory_space<hbm>>
          tpu.wait_dma2 semaphore(%arg23 : memref<!tpu.dma_semaphore, #tpu.memory_space<semaphore_mem>>) src(%arg19 : memref<128x128xf32, #tpu.memory_space<vmem>>) dst(%dma_wait3A_150 : memref<128x128xf32, #tpu.memory_space<hbm>>)
        } else {
        }
        %mul3A_52 = arith.constant 128 : i32
        %mul3A_53 = arith.muli %add3A_47, %mul3A_52 : i32
        %add3A_54 = arith.addi %mul3A_10, %mul3A_53 : i32
        "tpu.region"() ({
          %run_scoped3A = tpu.sem_alloc : memref<!tpu.dma_semaphore, #tpu.memory_space<semaphore_mem>>
          %dma_start3A_135 = tpu.memref_slice %arg3[%add3A_54] : memref<335872xi32, #tpu.memory_space<hbm>> -> memref<128xi32, #tpu.memory_space<hbm>>
          %dma_start3A_136 = tpu.memref_slice %arg3[%add3A_54] : memref<335872xi32, #tpu.memory_space<hbm>> -> memref<128xi32, #tpu.memory_space<hbm>>
          tpu.enqueue_dma source(%dma_start3A_136 : memref<128xi32, #tpu.memory_space<hbm>>) target(%arg15 : memref<128xi32, #tpu.memory_space<vmem>>) target_semaphore(%run_scoped3A : memref<!tpu.dma_semaphore, #tpu.memory_space<semaphore_mem>>)
          %dma_wait3A_137 = tpu.memref_slice %arg3[%add3A_54] : memref<335872xi32, #tpu.memory_space<hbm>> -> memref<128xi32, #tpu.memory_space<hbm>>
          %dma_wait3A_138 = tpu.memref_slice %arg3[%add3A_54] : memref<335872xi32, #tpu.memory_space<hbm>> -> memref<128xi32, #tpu.memory_space<hbm>>
          tpu.wait_dma2 semaphore(%run_scoped3A : memref<!tpu.dma_semaphore, #tpu.memory_space<semaphore_mem>>) src(%dma_wait3A_138 : memref<128xi32, #tpu.memory_space<hbm>>) dst(%arg15 : memref<128xi32, #tpu.memory_space<vmem>>)
          tpu.yield
        }) : () -> ()
        %mul3A_55 = arith.constant 128 : i32
        %mul3A_56 = arith.muli %add3A_47, %mul3A_55 : i32
        %add3A_57 = arith.addi %mul3A_10, %mul3A_56 : i32
        "tpu.region"() ({
          %run_scoped3A = tpu.sem_alloc : memref<!tpu.dma_semaphore, #tpu.memory_space<semaphore_mem>>
          %dma_start3A_135 = tpu.memref_slice %arg2[%add3A_57] : memref<335872xi32, #tpu.memory_space<hbm>> -> memref<128xi32, #tpu.memory_space<hbm>>
          %dma_start3A_136 = tpu.memref_slice %arg2[%add3A_57] : memref<335872xi32, #tpu.memory_space<hbm>> -> memref<128xi32, #tpu.memory_space<hbm>>
          tpu.enqueue_dma source(%dma_start3A_136 : memref<128xi32, #tpu.memory_space<hbm>>) target(%arg16 : memref<128xi32, #tpu.memory_space<vmem>>) target_semaphore(%run_scoped3A : memref<!tpu.dma_semaphore, #tpu.memory_space<semaphore_mem>>)
          %dma_wait3A_137 = tpu.memref_slice %arg2[%add3A_57] : memref<335872xi32, #tpu.memory_space<hbm>> -> memref<128xi32, #tpu.memory_space<hbm>>
          %dma_wait3A_138 = tpu.memref_slice %arg2[%add3A_57] : memref<335872xi32, #tpu.memory_space<hbm>> -> memref<128xi32, #tpu.memory_space<hbm>>
          tpu.wait_dma2 semaphore(%run_scoped3A : memref<!tpu.dma_semaphore, #tpu.memory_space<semaphore_mem>>) src(%dma_wait3A_138 : memref<128xi32, #tpu.memory_space<hbm>>) dst(%arg16 : memref<128xi32, #tpu.memory_space<vmem>>)
          tpu.yield
        }) : () -> ()
        %dma_start3A_58 = arith.constant 0 : i32
        %dma_start3A_59 = arith.constant 0 : i32
        %dma_start3A_60 = tpu.memref_slice %arg4[%dma_start3A_58, %dma_start3A_59] : memref<10240x128xf32, #tpu.memory_space<hbm>> -> memref<10240x128xf32, #tpu.memory_space<hbm>>
        tpu.enqueue_indirect_dma source(%dma_start3A_60 : memref<10240x128xf32, #tpu.memory_space<hbm>>) target(%arg17 : memref<128x128xf32, #tpu.memory_space<vmem>>) offsets(%arg15 : memref<128xi32, #tpu.memory_space<vmem>>) semaphore(%arg21 : memref<!tpu.dma_semaphore, #tpu.memory_space<semaphore_mem>>)
        %dma_start3A_61 = arith.constant 0 : i32
        %dma_start3A_62 = arith.constant 0 : i32
        %dma_start3A_63 = tpu.memref_slice %arg5[%dma_start3A_61, %dma_start3A_62] : memref<10240x128xf32, #tpu.memory_space<hbm>> -> memref<10240x128xf32, #tpu.memory_space<hbm>>
        tpu.enqueue_indirect_dma source(%dma_start3A_63 : memref<10240x128xf32, #tpu.memory_space<hbm>>) target(%arg18 : memref<128x128xf32, #tpu.memory_space<vmem>>) offsets(%arg16 : memref<128xi32, #tpu.memory_space<vmem>>) semaphore(%arg21 : memref<!tpu.dma_semaphore, #tpu.memory_space<semaphore_mem>>)
        %dma_start3A_64 = arith.constant 0 : i32
        %dma_start3A_65 = arith.constant 0 : i32
        %dma_start3A_66 = tpu.memref_slice %arg6[%dma_start3A_64, %dma_start3A_65] : memref<10240x128xf32, #tpu.memory_space<hbm>> -> memref<10240x128xf32, #tpu.memory_space<hbm>>
        tpu.enqueue_indirect_dma source(%dma_start3A_66 : memref<10240x128xf32, #tpu.memory_space<hbm>>) target(%arg19 : memref<128x128xf32, #tpu.memory_space<vmem>>) offsets(%arg16 : memref<128xi32, #tpu.memory_space<vmem>>) semaphore(%arg21 : memref<!tpu.dma_semaphore, #tpu.memory_space<semaphore_mem>>)
        %dma_wait3A_67 = arith.constant 0 : i32
        %dma_wait3A_68 = arith.constant 0 : i32
        %dma_wait3A_69 = tpu.memref_slice %arg4[%dma_wait3A_67, %dma_wait3A_68] : memref<10240x128xf32, #tpu.memory_space<hbm>> -> memref<10240x128xf32, #tpu.memory_space<hbm>>
        tpu.wait_indirect_dma semaphore(%arg20 : memref<!tpu.dma_semaphore, #tpu.memory_space<semaphore_mem>>) src(%dma_wait3A_69 : memref<10240x128xf32, #tpu.memory_space<hbm>>) dst(%arg12 : memref<128x128xf32, #tpu.memory_space<vmem>>)
        %dma_wait3A_70 = arith.constant 0 : i32
        %dma_wait3A_71 = arith.constant 0 : i32
        %dma_wait3A_72 = tpu.memref_slice %arg5[%dma_wait3A_70, %dma_wait3A_71] : memref<10240x128xf32, #tpu.memory_space<hbm>> -> memref<10240x128xf32, #tpu.memory_space<hbm>>
        tpu.wait_indirect_dma semaphore(%arg20 : memref<!tpu.dma_semaphore, #tpu.memory_space<semaphore_mem>>) src(%dma_wait3A_72 : memref<10240x128xf32, #tpu.memory_space<hbm>>) dst(%arg13 : memref<128x128xf32, #tpu.memory_space<vmem>>)
        %dma_wait3A_73 = arith.constant 0 : i32
        %dma_wait3A_74 = arith.constant 0 : i32
        %dma_wait3A_75 = tpu.memref_slice %arg6[%dma_wait3A_73, %dma_wait3A_74] : memref<10240x128xf32, #tpu.memory_space<hbm>> -> memref<10240x128xf32, #tpu.memory_space<hbm>>
        tpu.wait_indirect_dma semaphore(%arg20 : memref<!tpu.dma_semaphore, #tpu.memory_space<semaphore_mem>>) src(%dma_wait3A_75 : memref<10240x128xf32, #tpu.memory_space<hbm>>) dst(%arg14 : memref<128x128xf32, #tpu.memory_space<vmem>>)
        %mul3A_76 = arith.constant 128 : i32
        %mul3A_77 = arith.muli %mul3A_45, %mul3A_76 : i32
        %add3A_78 = arith.addi %mul3A_10, %mul3A_77 : i32
        %dma_start3A_79 = arith.constant 0 : i32
        %dma_start3A_80 = tpu.memref_slice %arg7[%add3A_78, %dma_start3A_79] : memref<335872x128xf32, #tpu.memory_space<hbm>> -> memref<128x128xf32, #tpu.memory_space<hbm>>
        %dma_start3A_81 = arith.constant 0 : i32
        %dma_start3A_82 = tpu.memref_slice %arg7[%add3A_78, %dma_start3A_81] : memref<335872x128xf32, #tpu.memory_space<hbm>> -> memref<128x128xf32, #tpu.memory_space<hbm>>
        tpu.enqueue_dma source(%arg12 : memref<128x128xf32, #tpu.memory_space<vmem>>) target(%dma_start3A_82 : memref<128x128xf32, #tpu.memory_space<hbm>>) target_semaphore(%arg22 : memref<!tpu.dma_semaphore, #tpu.memory_space<semaphore_mem>>)
        %dma_start3A_83 = arith.constant 0 : i32
        %dma_start3A_84 = tpu.memref_slice %arg8[%add3A_78, %dma_start3A_83] : memref<335872x128xf32, #tpu.memory_space<hbm>> -> memref<128x128xf32, #tpu.memory_space<hbm>>
        %dma_start3A_85 = arith.constant 0 : i32
        %dma_start3A_86 = tpu.memref_slice %arg8[%add3A_78, %dma_start3A_85] : memref<335872x128xf32, #tpu.memory_space<hbm>> -> memref<128x128xf32, #tpu.memory_space<hbm>>
        tpu.enqueue_dma source(%arg13 : memref<128x128xf32, #tpu.memory_space<vmem>>) target(%dma_start3A_86 : memref<128x128xf32, #tpu.memory_space<hbm>>) target_semaphore(%arg22 : memref<!tpu.dma_semaphore, #tpu.memory_space<semaphore_mem>>)
        %dma_start3A_87 = arith.constant 0 : i32
        %dma_start3A_88 = tpu.memref_slice %arg9[%add3A_78, %dma_start3A_87] : memref<335872x128xf32, #tpu.memory_space<hbm>> -> memref<128x128xf32, #tpu.memory_space<hbm>>
        %dma_start3A_89 = arith.constant 0 : i32
        %dma_start3A_90 = tpu.memref_slice %arg9[%add3A_78, %dma_start3A_89] : memref<335872x128xf32, #tpu.memory_space<hbm>> -> memref<128x128xf32, #tpu.memory_space<hbm>>
        tpu.enqueue_dma source(%arg14 : memref<128x128xf32, #tpu.memory_space<vmem>>) target(%dma_start3A_90 : memref<128x128xf32, #tpu.memory_space<hbm>>) target_semaphore(%arg22 : memref<!tpu.dma_semaphore, #tpu.memory_space<semaphore_mem>>)
        %mul3A_91 = arith.constant 128 : i32
        %mul3A_92 = arith.muli %mul3A_45, %mul3A_91 : i32
        %add3A_93 = arith.addi %mul3A_10, %mul3A_92 : i32
        %dma_wait3A_94 = arith.constant 0 : i32
        %dma_wait3A_95 = tpu.memref_slice %arg7[%add3A_93, %dma_wait3A_94] : memref<335872x128xf32, #tpu.memory_space<hbm>> -> memref<128x128xf32, #tpu.memory_space<hbm>>
        %dma_wait3A_96 = arith.constant 0 : i32
        %dma_wait3A_97 = tpu.memref_slice %arg7[%add3A_93, %dma_wait3A_96] : memref<335872x128xf32, #tpu.memory_space<hbm>> -> memref<128x128xf32, #tpu.memory_space<hbm>>
        tpu.wait_dma2 semaphore(%arg22 : memref<!tpu.dma_semaphore, #tpu.memory_space<semaphore_mem>>) src(%arg12 : memref<128x128xf32, #tpu.memory_space<vmem>>) dst(%dma_wait3A_97 : memref<128x128xf32, #tpu.memory_space<hbm>>)
        %dma_wait3A_98 = arith.constant 0 : i32
        %dma_wait3A_99 = tpu.memref_slice %arg8[%add3A_93, %dma_wait3A_98] : memref<335872x128xf32, #tpu.memory_space<hbm>> -> memref<128x128xf32, #tpu.memory_space<hbm>>
        %dma_wait3A_100 = arith.constant 0 : i32
        %dma_wait3A_101 = tpu.memref_slice %arg8[%add3A_93, %dma_wait3A_100] : memref<335872x128xf32, #tpu.memory_space<hbm>> -> memref<128x128xf32, #tpu.memory_space<hbm>>
        tpu.wait_dma2 semaphore(%arg22 : memref<!tpu.dma_semaphore, #tpu.memory_space<semaphore_mem>>) src(%arg13 : memref<128x128xf32, #tpu.memory_space<vmem>>) dst(%dma_wait3A_101 : memref<128x128xf32, #tpu.memory_space<hbm>>)
        %dma_wait3A_102 = arith.constant 0 : i32
        %dma_wait3A_103 = tpu.memref_slice %arg9[%add3A_93, %dma_wait3A_102] : memref<335872x128xf32, #tpu.memory_space<hbm>> -> memref<128x128xf32, #tpu.memory_space<hbm>>
        %dma_wait3A_104 = arith.constant 0 : i32
        %dma_wait3A_105 = tpu.memref_slice %arg9[%add3A_93, %dma_wait3A_104] : memref<335872x128xf32, #tpu.memory_space<hbm>> -> memref<128x128xf32, #tpu.memory_space<hbm>>
        tpu.wait_dma2 semaphore(%arg22 : memref<!tpu.dma_semaphore, #tpu.memory_space<semaphore_mem>>) src(%arg14 : memref<128x128xf32, #tpu.memory_space<vmem>>) dst(%dma_wait3A_105 : memref<128x128xf32, #tpu.memory_space<hbm>>)
        %lt3A = arith.constant 31 : i32
        %lt3A_106 = arith.cmpi slt, %scan3A_42, %lt3A : i32
        %convert_element_type3A_107 = arith.extui %lt3A_106 : i1 to i32
        %cond3A_108 = arith.constant 0 : i32
        %cond3A_109 = arith.cmpi ne, %convert_element_type3A_107, %cond3A_108 : i32
        scf.if %cond3A_109 {
          %add3A_135 = arith.constant 2 : i32
          %add3A_136 = arith.addi %mul3A_45, %add3A_135 : i32
          %mul3A_137 = arith.constant 128 : i32
          %mul3A_138 = arith.muli %add3A_136, %mul3A_137 : i32
          %add3A_139 = arith.addi %mul3A_10, %mul3A_138 : i32
          "tpu.region"() ({
            %run_scoped3A = tpu.sem_alloc : memref<!tpu.dma_semaphore, #tpu.memory_space<semaphore_mem>>
            %dma_start3A_152 = tpu.memref_slice %arg3[%add3A_139] : memref<335872xi32, #tpu.memory_space<hbm>> -> memref<128xi32, #tpu.memory_space<hbm>>
            %dma_start3A_153 = tpu.memref_slice %arg3[%add3A_139] : memref<335872xi32, #tpu.memory_space<hbm>> -> memref<128xi32, #tpu.memory_space<hbm>>
            tpu.enqueue_dma source(%dma_start3A_153 : memref<128xi32, #tpu.memory_space<hbm>>) target(%arg10 : memref<128xi32, #tpu.memory_space<vmem>>) target_semaphore(%run_scoped3A : memref<!tpu.dma_semaphore, #tpu.memory_space<semaphore_mem>>)
            %dma_wait3A_154 = tpu.memref_slice %arg3[%add3A_139] : memref<335872xi32, #tpu.memory_space<hbm>> -> memref<128xi32, #tpu.memory_space<hbm>>
            %dma_wait3A_155 = tpu.memref_slice %arg3[%add3A_139] : memref<335872xi32, #tpu.memory_space<hbm>> -> memref<128xi32, #tpu.memory_space<hbm>>
            tpu.wait_dma2 semaphore(%run_scoped3A : memref<!tpu.dma_semaphore, #tpu.memory_space<semaphore_mem>>) src(%dma_wait3A_155 : memref<128xi32, #tpu.memory_space<hbm>>) dst(%arg10 : memref<128xi32, #tpu.memory_space<vmem>>)
            tpu.yield
          }) : () -> ()
          %mul3A_140 = arith.constant 128 : i32
          %mul3A_141 = arith.muli %add3A_136, %mul3A_140 : i32
          %add3A_142 = arith.addi %mul3A_10, %mul3A_141 : i32
          "tpu.region"() ({
            %run_scoped3A = tpu.sem_alloc : memref<!tpu.dma_semaphore, #tpu.memory_space<semaphore_mem>>
            %dma_start3A_152 = tpu.memref_slice %arg2[%add3A_142] : memref<335872xi32, #tpu.memory_space<hbm>> -> memref<128xi32, #tpu.memory_space<hbm>>
            %dma_start3A_153 = tpu.memref_slice %arg2[%add3A_142] : memref<335872xi32, #tpu.memory_space<hbm>> -> memref<128xi32, #tpu.memory_space<hbm>>
            tpu.enqueue_dma source(%dma_start3A_153 : memref<128xi32, #tpu.memory_space<hbm>>) target(%arg11 : memref<128xi32, #tpu.memory_space<vmem>>) target_semaphore(%run_scoped3A : memref<!tpu.dma_semaphore, #tpu.memory_space<semaphore_mem>>)
            %dma_wait3A_154 = tpu.memref_slice %arg2[%add3A_142] : memref<335872xi32, #tpu.memory_space<hbm>> -> memref<128xi32, #tpu.memory_space<hbm>>
            %dma_wait3A_155 = tpu.memref_slice %arg2[%add3A_142] : memref<335872xi32, #tpu.memory_space<hbm>> -> memref<128xi32, #tpu.memory_space<hbm>>
            tpu.wait_dma2 semaphore(%run_scoped3A : memref<!tpu.dma_semaphore, #tpu.memory_space<semaphore_mem>>) src(%dma_wait3A_155 : memref<128xi32, #tpu.memory_space<hbm>>) dst(%arg11 : memref<128xi32, #tpu.memory_space<vmem>>)
            tpu.yield
          }) : () -> ()
          %dma_start3A_143 = arith.constant 0 : i32
          %dma_start3A_144 = arith.constant 0 : i32
          %dma_start3A_145 = tpu.memref_slice %arg4[%dma_start3A_143, %dma_start3A_144] : memref<10240x128xf32, #tpu.memory_space<hbm>> -> memref<10240x128xf32, #tpu.memory_space<hbm>>
          tpu.enqueue_indirect_dma source(%dma_start3A_145 : memref<10240x128xf32, #tpu.memory_space<hbm>>) target(%arg12 : memref<128x128xf32, #tpu.memory_space<vmem>>) offsets(%arg10 : memref<128xi32, #tpu.memory_space<vmem>>) semaphore(%arg20 : memref<!tpu.dma_semaphore, #tpu.memory_space<semaphore_mem>>)
          %dma_start3A_146 = arith.constant 0 : i32
          %dma_start3A_147 = arith.constant 0 : i32
          %dma_start3A_148 = tpu.memref_slice %arg5[%dma_start3A_146, %dma_start3A_147] : memref<10240x128xf32, #tpu.memory_space<hbm>> -> memref<10240x128xf32, #tpu.memory_space<hbm>>
          tpu.enqueue_indirect_dma source(%dma_start3A_148 : memref<10240x128xf32, #tpu.memory_space<hbm>>) target(%arg13 : memref<128x128xf32, #tpu.memory_space<vmem>>) offsets(%arg11 : memref<128xi32, #tpu.memory_space<vmem>>) semaphore(%arg20 : memref<!tpu.dma_semaphore, #tpu.memory_space<semaphore_mem>>)
          %dma_start3A_149 = arith.constant 0 : i32
          %dma_start3A_150 = arith.constant 0 : i32
          %dma_start3A_151 = tpu.memref_slice %arg6[%dma_start3A_149, %dma_start3A_150] : memref<10240x128xf32, #tpu.memory_space<hbm>> -> memref<10240x128xf32, #tpu.memory_space<hbm>>
          tpu.enqueue_indirect_dma source(%dma_start3A_151 : memref<10240x128xf32, #tpu.memory_space<hbm>>) target(%arg14 : memref<128x128xf32, #tpu.memory_space<vmem>>) offsets(%arg11 : memref<128xi32, #tpu.memory_space<vmem>>) semaphore(%arg20 : memref<!tpu.dma_semaphore, #tpu.memory_space<semaphore_mem>>)
        } else {
        }
        %dma_wait3A_110 = arith.constant 0 : i32
        %dma_wait3A_111 = arith.constant 0 : i32
        %dma_wait3A_112 = tpu.memref_slice %arg4[%dma_wait3A_110, %dma_wait3A_111] : memref<10240x128xf32, #tpu.memory_space<hbm>> -> memref<10240x128xf32, #tpu.memory_space<hbm>>
        tpu.wait_indirect_dma semaphore(%arg21 : memref<!tpu.dma_semaphore, #tpu.memory_space<semaphore_mem>>) src(%dma_wait3A_112 : memref<10240x128xf32, #tpu.memory_space<hbm>>) dst(%arg17 : memref<128x128xf32, #tpu.memory_space<vmem>>)
        %dma_wait3A_113 = arith.constant 0 : i32
        %dma_wait3A_114 = arith.constant 0 : i32
        %dma_wait3A_115 = tpu.memref_slice %arg5[%dma_wait3A_113, %dma_wait3A_114] : memref<10240x128xf32, #tpu.memory_space<hbm>> -> memref<10240x128xf32, #tpu.memory_space<hbm>>
        tpu.wait_indirect_dma semaphore(%arg21 : memref<!tpu.dma_semaphore, #tpu.memory_space<semaphore_mem>>) src(%dma_wait3A_115 : memref<10240x128xf32, #tpu.memory_space<hbm>>) dst(%arg18 : memref<128x128xf32, #tpu.memory_space<vmem>>)
        %dma_wait3A_116 = arith.constant 0 : i32
        %dma_wait3A_117 = arith.constant 0 : i32
        %dma_wait3A_118 = tpu.memref_slice %arg6[%dma_wait3A_116, %dma_wait3A_117] : memref<10240x128xf32, #tpu.memory_space<hbm>> -> memref<10240x128xf32, #tpu.memory_space<hbm>>
        tpu.wait_indirect_dma semaphore(%arg21 : memref<!tpu.dma_semaphore, #tpu.memory_space<semaphore_mem>>) src(%dma_wait3A_118 : memref<10240x128xf32, #tpu.memory_space<hbm>>) dst(%arg19 : memref<128x128xf32, #tpu.memory_space<vmem>>)
        %mul3A_119 = arith.constant 128 : i32
        %mul3A_120 = arith.muli %add3A_47, %mul3A_119 : i32
        %add3A_121 = arith.addi %mul3A_10, %mul3A_120 : i32
        %dma_start3A_122 = arith.constant 0 : i32
        %dma_start3A_123 = tpu.memref_slice %arg7[%add3A_121, %dma_start3A_122] : memref<335872x128xf32, #tpu.memory_space<hbm>> -> memref<128x128xf32, #tpu.memory_space<hbm>>
        %dma_start3A_124 = arith.constant 0 : i32
        %dma_start3A_125 = tpu.memref_slice %arg7[%add3A_121, %dma_start3A_124] : memref<335872x128xf32, #tpu.memory_space<hbm>> -> memref<128x128xf32, #tpu.memory_space<hbm>>
        tpu.enqueue_dma source(%arg17 : memref<128x128xf32, #tpu.memory_space<vmem>>) target(%dma_start3A_125 : memref<128x128xf32, #tpu.memory_space<hbm>>) target_semaphore(%arg23 : memref<!tpu.dma_semaphore, #tpu.memory_space<semaphore_mem>>)
        %dma_start3A_126 = arith.constant 0 : i32
        %dma_start3A_127 = tpu.memref_slice %arg8[%add3A_121, %dma_start3A_126] : memref<335872x128xf32, #tpu.memory_space<hbm>> -> memref<128x128xf32, #tpu.memory_space<hbm>>
        %dma_start3A_128 = arith.constant 0 : i32
        %dma_start3A_129 = tpu.memref_slice %arg8[%add3A_121, %dma_start3A_128] : memref<335872x128xf32, #tpu.memory_space<hbm>> -> memref<128x128xf32, #tpu.memory_space<hbm>>
        tpu.enqueue_dma source(%arg18 : memref<128x128xf32, #tpu.memory_space<vmem>>) target(%dma_start3A_129 : memref<128x128xf32, #tpu.memory_space<hbm>>) target_semaphore(%arg23 : memref<!tpu.dma_semaphore, #tpu.memory_space<semaphore_mem>>)
        %dma_start3A_130 = arith.constant 0 : i32
        %dma_start3A_131 = tpu.memref_slice %arg9[%add3A_121, %dma_start3A_130] : memref<335872x128xf32, #tpu.memory_space<hbm>> -> memref<128x128xf32, #tpu.memory_space<hbm>>
        %dma_start3A_132 = arith.constant 0 : i32
        %dma_start3A_133 = tpu.memref_slice %arg9[%add3A_121, %dma_start3A_132] : memref<335872x128xf32, #tpu.memory_space<hbm>> -> memref<128x128xf32, #tpu.memory_space<hbm>>
        tpu.enqueue_dma source(%arg19 : memref<128x128xf32, #tpu.memory_space<vmem>>) target(%dma_start3A_133 : memref<128x128xf32, #tpu.memory_space<hbm>>) target_semaphore(%arg23 : memref<!tpu.dma_semaphore, #tpu.memory_space<semaphore_mem>>)
        %scan3A_134 = arith.constant 0 : i32
        scf.yield %scan3A_134 : i32
      }
      %scan3A_28 = arith.constant 32 : i32
      %add3A_29 = arith.constant 8064 : i32
      %add3A_30 = arith.addi %mul3A_10, %add3A_29 : i32
      %dma_wait3A = arith.constant 0 : i32
      %dma_wait3A_31 = tpu.memref_slice %arg7[%add3A_30, %dma_wait3A] : memref<335872x128xf32, #tpu.memory_space<hbm>> -> memref<128x128xf32, #tpu.memory_space<hbm>>
      %dma_wait3A_32 = arith.constant 0 : i32
      %dma_wait3A_33 = tpu.memref_slice %arg7[%add3A_30, %dma_wait3A_32] : memref<335872x128xf32, #tpu.memory_space<hbm>> -> memref<128x128xf32, #tpu.memory_space<hbm>>
      tpu.wait_dma2 semaphore(%arg23 : memref<!tpu.dma_semaphore, #tpu.memory_space<semaphore_mem>>) src(%arg17 : memref<128x128xf32, #tpu.memory_space<vmem>>) dst(%dma_wait3A_33 : memref<128x128xf32, #tpu.memory_space<hbm>>)
      %dma_wait3A_34 = arith.constant 0 : i32
      %dma_wait3A_35 = tpu.memref_slice %arg8[%add3A_30, %dma_wait3A_34] : memref<335872x128xf32, #tpu.memory_space<hbm>> -> memref<128x128xf32, #tpu.memory_space<hbm>>
      %dma_wait3A_36 = arith.constant 0 : i32
      %dma_wait3A_37 = tpu.memref_slice %arg8[%add3A_30, %dma_wait3A_36] : memref<335872x128xf32, #tpu.memory_space<hbm>> -> memref<128x128xf32, #tpu.memory_space<hbm>>
      tpu.wait_dma2 semaphore(%arg23 : memref<!tpu.dma_semaphore, #tpu.memory_space<semaphore_mem>>) src(%arg18 : memref<128x128xf32, #tpu.memory_space<vmem>>) dst(%dma_wait3A_37 : memref<128x128xf32, #tpu.memory_space<hbm>>)
      %dma_wait3A_38 = arith.constant 0 : i32
      %dma_wait3A_39 = tpu.memref_slice %arg9[%add3A_30, %dma_wait3A_38] : memref<335872x128xf32, #tpu.memory_space<hbm>> -> memref<128x128xf32, #tpu.memory_space<hbm>>
      %dma_wait3A_40 = arith.constant 0 : i32
      %dma_wait3A_41 = tpu.memref_slice %arg9[%add3A_30, %dma_wait3A_40] : memref<335872x128xf32, #tpu.memory_space<hbm>> -> memref<128x128xf32, #tpu.memory_space<hbm>>
      tpu.wait_dma2 semaphore(%arg23 : memref<!tpu.dma_semaphore, #tpu.memory_space<semaphore_mem>>) src(%arg19 : memref<128x128xf32, #tpu.memory_space<vmem>>) dst(%dma_wait3A_41 : memref<128x128xf32, #tpu.memory_space<hbm>>)
    } else {
    }
    return
  }
}

module attributes {stable_mosaic.version = 14 : i64} {
  func.func @_k1_body(%arg0: i32, %arg1: memref<256x128xf32, #tpu.memory_space<vmem>>, %arg2: memref<256x128xf32, #tpu.memory_space<vmem>>, %arg3: memref<128x128xf32, #tpu.memory_space<vmem>>, %arg4: memref<1x128xf32, #tpu.memory_space<vmem>>, %arg5: memref<128x128xf32, #tpu.memory_space<vmem>>, %arg6: memref<128x128xf32, #tpu.memory_space<vmem>>, %arg7: memref<128x128xf32, #tpu.memory_space<vmem>>, %arg8: memref<128x64xf32, #tpu.memory_space<vmem>>, %arg9: memref<128x64xf32, #tpu.memory_space<vmem>>, %arg10: memref<256x128xf32, #tpu.memory_space<vmem>>, %arg11: memref<256x128xf32, #tpu.memory_space<vmem>>, %arg12: memref<256x128xf32, #tpu.memory_space<vmem>>) attributes {dimension_semantics = [#tpu.dimension_semantics<arbitrary>], iteration_bounds = array<i64: 40>, scalar_prefetch = 0 : i64, scratch_operands = 0 : i64, tpu.core_type = #tpu.core_type<tc>, window_params = [{transform_indices = @transform_0, window_bounds = array<i64: 256, 128>}, {transform_indices = @transform_1, window_bounds = array<i64: 256, 128>}, {pipeline_mode = #tpu.pipeline_mode<synchronous>, transform_indices = @transform_2, window_bounds = array<i64: 128, 128>}, {pipeline_mode = #tpu.pipeline_mode<synchronous>, transform_indices = @transform_3, window_bounds = array<i64: 1, 128>}, {pipeline_mode = #tpu.pipeline_mode<synchronous>, transform_indices = @transform_4, window_bounds = array<i64: 128, 128>}, {pipeline_mode = #tpu.pipeline_mode<synchronous>, transform_indices = @transform_5, window_bounds = array<i64: 128, 128>}, {pipeline_mode = #tpu.pipeline_mode<synchronous>, transform_indices = @transform_6, window_bounds = array<i64: 128, 128>}, {pipeline_mode = #tpu.pipeline_mode<synchronous>, transform_indices = @transform_7, window_bounds = array<i64: 128, 64>}, {pipeline_mode = #tpu.pipeline_mode<synchronous>, transform_indices = @transform_8, window_bounds = array<i64: 128, 64>}, {transform_indices = @transform_9, window_bounds = array<i64: 256, 128>}, {transform_indices = @transform_10, window_bounds = array<i64: 256, 128>}, {transform_indices = @transform_11, window_bounds = array<i64: 256, 128>}]} {
    %get3A = arith.constant 0 : index
    %get3A_0 = arith.constant 0 : index
    %get3A_1 = vector.load %arg1[%get3A, %get3A_0] : memref<256x128xf32, #tpu.memory_space<vmem>>, vector<256x128xf32>
    %get3A_2 = arith.constant 0 : index
    %get3A_3 = arith.constant 0 : index
    %get3A_4 = vector.load %arg3[%get3A_2, %get3A_3] : memref<128x128xf32, #tpu.memory_space<vmem>>, vector<128x128xf32>
    %dot_general3A = arith.constant dense<0.000000e+00> : vector<256x128xf32>
    %dot_general3A_5 = tpu.matmul %get3A_1, %get3A_4, %dot_general3A {dimension_numbers = #tpu.dot_dimension_numbers<[1], [0], [0], [1], [0, 0, 1, 1], [], []>, transpose_lhs_hint = false} : vector<256x128xf32>, vector<128x128xf32>, vector<256x128xf32> -> vector<256x128xf32>
    %get3A_6 = arith.constant 0 : index
    %get3A_7 = arith.constant 0 : index
    %get3A_8 = vector.load %arg4[%get3A_6, %get3A_7] : memref<1x128xf32, #tpu.memory_space<vmem>>, vector<1x128xf32>
    %add3A = vector.broadcast %get3A_8 : vector<1x128xf32> to vector<256x128xf32>
    %add3A_9 = arith.addf %dot_general3A_5, %add3A : vector<256x128xf32>
    %max3A = arith.constant 0.000000e+00 : f32
    %max3A_10 = vector.broadcast %max3A : f32 to vector<256x128xf32>
    %max3A_11 = arith.maximumf %add3A_9, %max3A_10 : vector<256x128xf32>
    %get3A_12 = arith.constant 0 : index
    %get3A_13 = arith.constant 0 : index
    %get3A_14 = vector.load %arg2[%get3A_12, %get3A_13] : memref<256x128xf32, #tpu.memory_space<vmem>>, vector<256x128xf32>
    %get3A_15 = arith.constant 0 : index
    %get3A_16 = arith.constant 0 : index
    %get3A_17 = vector.load %arg9[%get3A_15, %get3A_16] : memref<128x64xf32, #tpu.memory_space<vmem>>, vector<128x64xf32>
    %dot_general3A_18 = arith.constant dense<0.000000e+00> : vector<256x64xf32>
    %dot_general3A_19 = tpu.matmul %get3A_14, %get3A_17, %dot_general3A_18 {dimension_numbers = #tpu.dot_dimension_numbers<[1], [0], [0], [1], [0, 0, 1, 1], [], []>, transpose_lhs_hint = false} : vector<256x128xf32>, vector<128x64xf32>, vector<256x64xf32> -> vector<256x64xf32>
    %get3A_20 = arith.constant 0 : index
    %get3A_21 = arith.constant 0 : index
    %get3A_22 = vector.load %arg5[%get3A_20, %get3A_21] : memref<128x128xf32, #tpu.memory_space<vmem>>, vector<128x128xf32>
    %dot_general3A_23 = arith.constant dense<0.000000e+00> : vector<256x128xf32>
    %dot_general3A_24 = tpu.matmul %max3A_11, %get3A_22, %dot_general3A_23 {dimension_numbers = #tpu.dot_dimension_numbers<[1], [0], [0], [1], [0, 0, 1, 1], [], []>, transpose_lhs_hint = false} : vector<256x128xf32>, vector<128x128xf32>, vector<256x128xf32> -> vector<256x128xf32>
    %get3A_25 = arith.constant 0 : index
    %get3A_26 = arith.constant 0 : index
    %get3A_27 = vector.load %arg8[%get3A_25, %get3A_26] : memref<128x64xf32, #tpu.memory_space<vmem>>, vector<128x64xf32>
    %dot_general3A_28 = arith.constant dense<0.000000e+00> : vector<256x64xf32>
    %dot_general3A_29 = tpu.matmul %dot_general3A_24, %get3A_27, %dot_general3A_28 {dimension_numbers = #tpu.dot_dimension_numbers<[1], [0], [0], [1], [0, 0, 1, 1], [], []>, transpose_lhs_hint = false} : vector<256x128xf32>, vector<128x64xf32>, vector<256x64xf32> -> vector<256x64xf32>
    %concatenate3A = tpu.concatenate %dot_general3A_29, %dot_general3A_19 in 1 : vector<256x64xf32>, vector<256x64xf32> -> vector<256x128xf32>
    %swap3A = arith.constant 0 : index
    %swap3A_30 = arith.constant 0 : index
    %swap3A_31 = vector.load %arg10[%swap3A, %swap3A_30] : memref<256x128xf32, #tpu.memory_space<vmem>>, vector<256x128xf32>
    tpu.vector_store %arg10[%swap3A, %swap3A_30], %concatenate3A {strides = array<i32>} : memref<256x128xf32, #tpu.memory_space<vmem>>, vector<256x128xf32>,
    %get3A_32 = arith.constant 0 : index
    %get3A_33 = arith.constant 0 : index
    %get3A_34 = vector.load %arg6[%get3A_32, %get3A_33] : memref<128x128xf32, #tpu.memory_space<vmem>>, vector<128x128xf32>
    %dot_general3A_35 = arith.constant dense<0.000000e+00> : vector<256x128xf32>
    %dot_general3A_36 = tpu.matmul %max3A_11, %get3A_34, %dot_general3A_35 {dimension_numbers = #tpu.dot_dimension_numbers<[1], [0], [0], [1], [0, 0, 1, 1], [], []>, transpose_lhs_hint = false} : vector<256x128xf32>, vector<128x128xf32>, vector<256x128xf32> -> vector<256x128xf32>
    %get3A_37 = arith.constant 0 : index
    %get3A_38 = arith.constant 0 : index
    %get3A_39 = vector.load %arg8[%get3A_37, %get3A_38] : memref<128x64xf32, #tpu.memory_space<vmem>>, vector<128x64xf32>
    %dot_general3A_40 = arith.constant dense<0.000000e+00> : vector<256x64xf32>
    %dot_general3A_41 = tpu.matmul %dot_general3A_36, %get3A_39, %dot_general3A_40 {dimension_numbers = #tpu.dot_dimension_numbers<[1], [0], [0], [1], [0, 0, 1, 1], [], []>, transpose_lhs_hint = false} : vector<256x128xf32>, vector<128x64xf32>, vector<256x64xf32> -> vector<256x64xf32>
    %concatenate3A_42 = tpu.concatenate %dot_general3A_41, %dot_general3A_19 in 1 : vector<256x64xf32>, vector<256x64xf32> -> vector<256x128xf32>
    %swap3A_43 = arith.constant 0 : index
    %swap3A_44 = arith.constant 0 : index
    %swap3A_45 = vector.load %arg11[%swap3A_43, %swap3A_44] : memref<256x128xf32, #tpu.memory_space<vmem>>, vector<256x128xf32>
    tpu.vector_store %arg11[%swap3A_43, %swap3A_44], %concatenate3A_42 {strides = array<i32>} : memref<256x128xf32, #tpu.memory_space<vmem>>, vector<256x128xf32>,
    %get3A_46 = arith.constant 0 : index
    %get3A_47 = arith.constant 0 : index
    %get3A_48 = vector.load %arg7[%get3A_46, %get3A_47] : memref<128x128xf32, #tpu.memory_space<vmem>>, vector<128x128xf32>
    %dot_general3A_49 = arith.constant dense<0.000000e+00> : vector<256x128xf32>
    %dot_general3A_50 = tpu.matmul %max3A_11, %get3A_48, %dot_general3A_49 {dimension_numbers = #tpu.dot_dimension_numbers<[1], [0], [0], [1], [0, 0, 1, 1], [], []>, transpose_lhs_hint = false} : vector<256x128xf32>, vector<128x128xf32>, vector<256x128xf32> -> vector<256x128xf32>
    %swap3A_51 = arith.constant 0 : index
    %swap3A_52 = arith.constant 0 : index
    %swap3A_53 = vector.load %arg12[%swap3A_51, %swap3A_52] : memref<256x128xf32, #tpu.memory_space<vmem>>, vector<256x128xf32>
    tpu.vector_store %arg12[%swap3A_51, %swap3A_52], %dot_general3A_50 {strides = array<i32>} : memref<256x128xf32, #tpu.memory_space<vmem>>, vector<256x128xf32>,
    return
  }
  func.func @transform_0(%arg0: i32) -> (i32, i32) {
    %c0_i32 = arith.constant 0 : i32
    %c0_i32_0 = arith.constant 0 : i32
    return %arg0, %c0_i32 : i32, i32
  }
  func.func @transform_1(%arg0: i32) -> (i32, i32) {
    %c0_i32 = arith.constant 0 : i32
    %c0_i32_0 = arith.constant 0 : i32
    return %arg0, %c0_i32 : i32, i32
  }
  func.func @transform_2(%arg0: i32) -> (i32, i32) {
    %c0_i32 = arith.constant 0 : i32
    %c0_i32_0 = arith.constant 0 : i32
    %c0_i32_1 = arith.constant 0 : i32
    return %c0_i32, %c0_i32_0 : i32, i32
  }
  func.func @transform_3(%arg0: i32) -> (i32, i32) {
    %c0_i32 = arith.constant 0 : i32
    %c0_i32_0 = arith.constant 0 : i32
    %c0_i32_1 = arith.constant 0 : i32
    return %c0_i32, %c0_i32_0 : i32, i32
  }
  func.func @transform_4(%arg0: i32) -> (i32, i32) {
    %c0_i32 = arith.constant 0 : i32
    %c0_i32_0 = arith.constant 0 : i32
    %c0_i32_1 = arith.constant 0 : i32
    return %c0_i32, %c0_i32_0 : i32, i32
  }
  func.func @transform_5(%arg0: i32) -> (i32, i32) {
    %c0_i32 = arith.constant 0 : i32
    %c0_i32_0 = arith.constant 0 : i32
    %c0_i32_1 = arith.constant 0 : i32
    return %c0_i32, %c0_i32_0 : i32, i32
  }
  func.func @transform_6(%arg0: i32) -> (i32, i32) {
    %c0_i32 = arith.constant 0 : i32
    %c0_i32_0 = arith.constant 0 : i32
    %c0_i32_1 = arith.constant 0 : i32
    return %c0_i32, %c0_i32_0 : i32, i32
  }
  func.func @transform_7(%arg0: i32) -> (i32, i32) {
    %c0_i32 = arith.constant 0 : i32
    %c0_i32_0 = arith.constant 0 : i32
    %c0_i32_1 = arith.constant 0 : i32
    return %c0_i32, %c0_i32_0 : i32, i32
  }
  func.func @transform_8(%arg0: i32) -> (i32, i32) {
    %c0_i32 = arith.constant 0 : i32
    %c0_i32_0 = arith.constant 0 : i32
    %c0_i32_1 = arith.constant 0 : i32
    return %c0_i32, %c0_i32_0 : i32, i32
  }
  func.func @transform_9(%arg0: i32) -> (i32, i32) {
    %c0_i32 = arith.constant 0 : i32
    %c0_i32_0 = arith.constant 0 : i32
    return %arg0, %c0_i32 : i32, i32
  }
  func.func @transform_10(%arg0: i32) -> (i32, i32) {
    %c0_i32 = arith.constant 0 : i32
    %c0_i32_0 = arith.constant 0 : i32
    return %arg0, %c0_i32 : i32, i32
  }
  func.func @transform_11(%arg0: i32) -> (i32, i32) {
    %c0_i32 = arith.constant 0 : i32
    %c0_i32_0 = arith.constant 0 : i32
    return %arg0, %c0_i32 : i32, i32
  }
}

module attributes {stable_mosaic.version = 14 : i64} {
  func.func @_k5_body(%arg0: i32, %arg1: memref<256x128xf32, #tpu.memory_space<vmem>>, %arg2: memref<256x128xf32, #tpu.memory_space<vmem>>, %arg3: memref<128x128xf32, #tpu.memory_space<vmem>>, %arg4: memref<1x128xf32, #tpu.memory_space<vmem>>, %arg5: memref<256x128xf32, #tpu.memory_space<vmem>>) attributes {dimension_semantics = [#tpu.dimension_semantics<arbitrary>], iteration_bounds = array<i64: 40>, scalar_prefetch = 0 : i64, scratch_operands = 0 : i64, tpu.core_type = #tpu.core_type<tc>, window_params = [{transform_indices = @transform_0, window_bounds = array<i64: 256, 128>}, {transform_indices = @transform_1, window_bounds = array<i64: 256, 128>}, {pipeline_mode = #tpu.pipeline_mode<synchronous>, transform_indices = @transform_2, window_bounds = array<i64: 128, 128>}, {pipeline_mode = #tpu.pipeline_mode<synchronous>, transform_indices = @transform_3, window_bounds = array<i64: 1, 128>}, {transform_indices = @transform_4, window_bounds = array<i64: 256, 128>}]} {
    %get3A = arith.constant 0 : index
    %get3A_0 = arith.constant 0 : index
    %get3A_1 = vector.load %arg1[%get3A, %get3A_0] : memref<256x128xf32, #tpu.memory_space<vmem>>, vector<256x128xf32>
    %get3A_2 = arith.constant 0 : index
    %get3A_3 = arith.constant 0 : index
    %get3A_4 = vector.load %arg2[%get3A_2, %get3A_3] : memref<256x128xf32, #tpu.memory_space<vmem>>, vector<256x128xf32>
    %add3A = arith.constant 1.000000e-16 : f32
    %add3A_5 = vector.broadcast %add3A : f32 to vector<256x128xf32>
    %add3A_6 = arith.addf %get3A_4, %add3A_5 : vector<256x128xf32>
    %div3A = arith.divf %get3A_1, %add3A_6 : vector<256x128xf32>
    %get3A_7 = arith.constant 0 : index
    %get3A_8 = arith.constant 0 : index
    %get3A_9 = vector.load %arg3[%get3A_7, %get3A_8] : memref<128x128xf32, #tpu.memory_space<vmem>>, vector<128x128xf32>
    %dot_general3A = arith.constant dense<0.000000e+00> : vector<256x128xf32>
    %dot_general3A_10 = tpu.matmul %div3A, %get3A_9, %dot_general3A {dimension_numbers = #tpu.dot_dimension_numbers<[1], [0], [0], [1], [0, 0, 1, 1], [], []>, transpose_lhs_hint = false} : vector<256x128xf32>, vector<128x128xf32>, vector<256x128xf32> -> vector<256x128xf32>
    %get3A_11 = arith.constant 0 : index
    %get3A_12 = arith.constant 0 : index
    %get3A_13 = vector.load %arg4[%get3A_11, %get3A_12] : memref<1x128xf32, #tpu.memory_space<vmem>>, vector<1x128xf32>
    %add3A_14 = vector.broadcast %get3A_13 : vector<1x128xf32> to vector<256x128xf32>
    %add3A_15 = arith.addf %dot_general3A_10, %add3A_14 : vector<256x128xf32>
    %max3A = arith.constant 0.000000e+00 : f32
    %max3A_16 = vector.broadcast %max3A : f32 to vector<256x128xf32>
    %max3A_17 = arith.maximumf %add3A_15, %max3A_16 : vector<256x128xf32>
    %swap3A = arith.constant 0 : index
    %swap3A_18 = arith.constant 0 : index
    %swap3A_19 = vector.load %arg5[%swap3A, %swap3A_18] : memref<256x128xf32, #tpu.memory_space<vmem>>, vector<256x128xf32>
    tpu.vector_store %arg5[%swap3A, %swap3A_18], %max3A_17 {strides = array<i32>} : memref<256x128xf32, #tpu.memory_space<vmem>>, vector<256x128xf32>,
    return
  }
  func.func @transform_0(%arg0: i32) -> (i32, i32) {
    %c0_i32 = arith.constant 0 : i32
    %c0_i32_0 = arith.constant 0 : i32
    return %arg0, %c0_i32 : i32, i32
  }
  func.func @transform_1(%arg0: i32) -> (i32, i32) {
    %c0_i32 = arith.constant 0 : i32
    %c0_i32_0 = arith.constant 0 : i32
    return %arg0, %c0_i32 : i32, i32
  }
  func.func @transform_2(%arg0: i32) -> (i32, i32) {
    %c0_i32 = arith.constant 0 : i32
    %c0_i32_0 = arith.constant 0 : i32
    %c0_i32_1 = arith.constant 0 : i32
    return %c0_i32, %c0_i32_0 : i32, i32
  }
  func.func @transform_3(%arg0: i32) -> (i32, i32) {
    %c0_i32 = arith.constant 0 : i32
    %c0_i32_0 = arith.constant 0 : i32
    %c0_i32_1 = arith.constant 0 : i32
    return %c0_i32, %c0_i32_0 : i32, i32
  }
  func.func @transform_4(%arg0: i32) -> (i32, i32) {
    %c0_i32 = arith.constant 0 : i32
    %c0_i32_0 = arith.constant 0 : i32
    return %arg0, %c0_i32 : i32, i32
  }
}

module attributes {stable_mosaic.version = 14 : i64} {
  func.func @_k3_body(%arg0: i32, %arg1: memref<2048x128xf32, #tpu.memory_space<vmem>>, %arg2: memref<2048x128xf32, #tpu.memory_space<vmem>>, %arg3: memref<2048x128xf32, #tpu.memory_space<vmem>>, %arg4: memref<128x64xf32, #tpu.memory_space<vmem>>, %arg5: memref<128x64xf32, #tpu.memory_space<vmem>>, %arg6: memref<1x64xf32, #tpu.memory_space<vmem>>, %arg7: memref<64x128xf32, #tpu.memory_space<vmem>>, %arg8: memref<1x128xf32, #tpu.memory_space<vmem>>, %arg9: memref<128x64xf32, #tpu.memory_space<vmem>>, %arg10: memref<1x64xf32, #tpu.memory_space<vmem>>, %arg11: memref<64x128xf32, #tpu.memory_space<vmem>>, %arg12: memref<1x128xf32, #tpu.memory_space<vmem>>, %arg13: memref<2048x128xf32, #tpu.memory_space<vmem>>, %arg14: memref<2048x128xf32, #tpu.memory_space<vmem>>) attributes {dimension_semantics = [#tpu.dimension_semantics<arbitrary>], iteration_bounds = array<i64: 164>, scalar_prefetch = 0 : i64, scratch_operands = 0 : i64, tpu.core_type = #tpu.core_type<tc>, window_params = [{transform_indices = @transform_0, window_bounds = array<i64: 2048, 128>}, {transform_indices = @transform_1, window_bounds = array<i64: 2048, 128>}, {transform_indices = @transform_2, window_bounds = array<i64: 2048, 128>}, {pipeline_mode = #tpu.pipeline_mode<synchronous>, transform_indices = @transform_3, window_bounds = array<i64: 128, 64>}, {pipeline_mode = #tpu.pipeline_mode<synchronous>, transform_indices = @transform_4, window_bounds = array<i64: 128, 64>}, {pipeline_mode = #tpu.pipeline_mode<synchronous>, transform_indices = @transform_5, window_bounds = array<i64: 1, 64>}, {pipeline_mode = #tpu.pipeline_mode<synchronous>, transform_indices = @transform_6, window_bounds = array<i64: 64, 128>}, {pipeline_mode = #tpu.pipeline_mode<synchronous>, transform_indices = @transform_7, window_bounds = array<i64: 1, 128>}, {pipeline_mode = #tpu.pipeline_mode<synchronous>, transform_indices = @transform_8, window_bounds = array<i64: 128, 64>}, {pipeline_mode = #tpu.pipeline_mode<synchronous>, transform_indices = @transform_9, window_bounds = array<i64: 1, 64>}, {pipeline_mode = #tpu.pipeline_mode<synchronous>, transform_indices = @transform_10, window_bounds = array<i64: 64, 128>}, {pipeline_mode = #tpu.pipeline_mode<synchronous>, transform_indices = @transform_11, window_bounds = array<i64: 1, 128>}, {transform_indices = @transform_12, window_bounds = array<i64: 2048, 128>}, {transform_indices = @transform_13, window_bounds = array<i64: 2048, 128>}]} {
    %get3A = arith.constant 0 : index
    %get3A_0 = arith.constant 0 : index
    %get3A_1 = vector.load %arg1[%get3A, %get3A_0] : memref<2048x128xf32, #tpu.memory_space<vmem>>, vector<2048x128xf32>
    %get3A_2 = arith.constant 0 : index
    %get3A_3 = arith.constant 0 : index
    %get3A_4 = vector.load %arg2[%get3A_2, %get3A_3] : memref<2048x128xf32, #tpu.memory_space<vmem>>, vector<2048x128xf32>
    %sub3A = arith.subf %get3A_1, %get3A_4 : vector<2048x128xf32>
    %get3A_5 = arith.constant 0 : index
    %get3A_6 = arith.constant 0 : index
    %get3A_7 = vector.load %arg5[%get3A_5, %get3A_6] : memref<128x64xf32, #tpu.memory_space<vmem>>, vector<128x64xf32>
    %dot_general3A = arith.constant dense<0.000000e+00> : vector<2048x64xf32>
    %dot_general3A_8 = tpu.matmul %sub3A, %get3A_7, %dot_general3A {dimension_numbers = #tpu.dot_dimension_numbers<[1], [0], [0], [1], [0, 0, 1, 1], [], []>, transpose_lhs_hint = false} : vector<2048x128xf32>, vector<128x64xf32>, vector<2048x64xf32> -> vector<2048x64xf32>
    %get3A_9 = arith.constant 0 : index
    %get3A_10 = arith.constant 0 : index
    %get3A_11 = vector.load %arg6[%get3A_9, %get3A_10] : memref<1x64xf32, #tpu.memory_space<vmem>>, vector<1x64xf32>
    %add3A = vector.broadcast %get3A_11 : vector<1x64xf32> to vector<2048x64xf32>
    %add3A_12 = arith.addf %dot_general3A_8, %add3A : vector<2048x64xf32>
    %max3A = arith.constant 0.000000e+00 : f32
    %max3A_13 = vector.broadcast %max3A : f32 to vector<2048x64xf32>
    %max3A_14 = arith.maximumf %add3A_12, %max3A_13 : vector<2048x64xf32>
    %get3A_15 = arith.constant 0 : index
    %get3A_16 = arith.constant 0 : index
    %get3A_17 = vector.load %arg7[%get3A_15, %get3A_16] : memref<64x128xf32, #tpu.memory_space<vmem>>, vector<64x128xf32>
    %dot_general3A_18 = arith.constant dense<0.000000e+00> : vector<2048x128xf32>
    %dot_general3A_19 = tpu.matmul %max3A_14, %get3A_17, %dot_general3A_18 {dimension_numbers = #tpu.dot_dimension_numbers<[1], [0], [0], [1], [0, 0, 1, 1], [], []>, transpose_lhs_hint = false} : vector<2048x64xf32>, vector<64x128xf32>, vector<2048x128xf32> -> vector<2048x128xf32>
    %get3A_20 = arith.constant 0 : index
    %get3A_21 = arith.constant 0 : index
    %get3A_22 = vector.load %arg8[%get3A_20, %get3A_21] : memref<1x128xf32, #tpu.memory_space<vmem>>, vector<1x128xf32>
    %add3A_23 = vector.broadcast %get3A_22 : vector<1x128xf32> to vector<2048x128xf32>
    %add3A_24 = arith.addf %dot_general3A_19, %add3A_23 : vector<2048x128xf32>
    %max3A_25 = arith.constant 0.000000e+00 : f32
    %max3A_26 = vector.broadcast %max3A_25 : f32 to vector<2048x128xf32>
    %max3A_27 = arith.maximumf %add3A_24, %max3A_26 : vector<2048x128xf32>
    %get3A_28 = arith.constant 0 : index
    %get3A_29 = arith.constant 0 : index
    %get3A_30 = vector.load %arg9[%get3A_28, %get3A_29] : memref<128x64xf32, #tpu.memory_space<vmem>>, vector<128x64xf32>
    %dot_general3A_31 = arith.constant dense<0.000000e+00> : vector<2048x64xf32>
    %dot_general3A_32 = tpu.matmul %max3A_27, %get3A_30, %dot_general3A_31 {dimension_numbers = #tpu.dot_dimension_numbers<[1], [0], [0], [1], [0, 0, 1, 1], [], []>, transpose_lhs_hint = false} : vector<2048x128xf32>, vector<128x64xf32>, vector<2048x64xf32> -> vector<2048x64xf32>
    %get3A_33 = arith.constant 0 : index
    %get3A_34 = arith.constant 0 : index
    %get3A_35 = vector.load %arg4[%get3A_33, %get3A_34] : memref<128x64xf32, #tpu.memory_space<vmem>>, vector<128x64xf32>
    %dot_general3A_36 = arith.constant dense<0.000000e+00> : vector<2048x64xf32>
    %dot_general3A_37 = tpu.matmul %sub3A, %get3A_35, %dot_general3A_36 {dimension_numbers = #tpu.dot_dimension_numbers<[1], [0], [0], [1], [0, 0, 1, 1], [], []>, transpose_lhs_hint = false} : vector<2048x128xf32>, vector<128x64xf32>, vector<2048x64xf32> -> vector<2048x64xf32>
    %add3A_38 = arith.addf %dot_general3A_32, %dot_general3A_37 : vector<2048x64xf32>
    %get3A_39 = arith.constant 0 : index
    %get3A_40 = arith.constant 0 : index
    %get3A_41 = vector.load %arg10[%get3A_39, %get3A_40] : memref<1x64xf32, #tpu.memory_space<vmem>>, vector<1x64xf32>
    %add3A_42 = vector.broadcast %get3A_41 : vector<1x64xf32> to vector<2048x64xf32>
    %add3A_43 = arith.addf %add3A_38, %add3A_42 : vector<2048x64xf32>
    %max3A_44 = arith.constant 0.000000e+00 : f32
    %max3A_45 = vector.broadcast %max3A_44 : f32 to vector<2048x64xf32>
    %max3A_46 = arith.maximumf %add3A_43, %max3A_45 : vector<2048x64xf32>
    %get3A_47 = arith.constant 0 : index
    %get3A_48 = arith.constant 0 : index
    %get3A_49 = vector.load %arg11[%get3A_47, %get3A_48] : memref<64x128xf32, #tpu.memory_space<vmem>>, vector<64x128xf32>
    %dot_general3A_50 = arith.constant dense<0.000000e+00> : vector<2048x128xf32>
    %dot_general3A_51 = tpu.matmul %max3A_46, %get3A_49, %dot_general3A_50 {dimension_numbers = #tpu.dot_dimension_numbers<[1], [0], [0], [1], [0, 0, 1, 1], [], []>, transpose_lhs_hint = false} : vector<2048x64xf32>, vector<64x128xf32>, vector<2048x128xf32> -> vector<2048x128xf32>
    %get3A_52 = arith.constant 0 : index
    %get3A_53 = arith.constant 0 : index
    %get3A_54 = vector.load %arg12[%get3A_52, %get3A_53] : memref<1x128xf32, #tpu.memory_space<vmem>>, vector<1x128xf32>
    %add3A_55 = vector.broadcast %get3A_54 : vector<1x128xf32> to vector<2048x128xf32>
    %add3A_56 = arith.addf %dot_general3A_51, %add3A_55 : vector<2048x128xf32>
    %max3A_57 = arith.constant 0.000000e+00 : f32
    %max3A_58 = vector.broadcast %max3A_57 : f32 to vector<2048x128xf32>
    %max3A_59 = arith.maximumf %add3A_56, %max3A_58 : vector<2048x128xf32>
    %exp3A = math.exp %max3A_59 : vector<2048x128xf32>
    %swap3A = arith.constant 0 : index
    %swap3A_60 = arith.constant 0 : index
    %swap3A_61 = vector.load %arg13[%swap3A, %swap3A_60] : memref<2048x128xf32, #tpu.memory_space<vmem>>, vector<2048x128xf32>
    tpu.vector_store %arg13[%swap3A, %swap3A_60], %exp3A {strides = array<i32>} : memref<2048x128xf32, #tpu.memory_space<vmem>>, vector<2048x128xf32>,
    %get3A_62 = arith.constant 0 : index
    %get3A_63 = arith.constant 0 : index
    %get3A_64 = vector.load %arg3[%get3A_62, %get3A_63] : memref<2048x128xf32, #tpu.memory_space<vmem>>, vector<2048x128xf32>
    %add3A_65 = arith.addf %get3A_64, %max3A_27 : vector<2048x128xf32>
    %mul3A = arith.mulf %exp3A, %add3A_65 : vector<2048x128xf32>
    %swap3A_66 = arith.constant 0 : index
    %swap3A_67 = arith.constant 0 : index
    %swap3A_68 = vector.load %arg14[%swap3A_66, %swap3A_67] : memref<2048x128xf32, #tpu.memory_space<vmem>>, vector<2048x128xf32>
    tpu.vector_store %arg14[%swap3A_66, %swap3A_67], %mul3A {strides = array<i32>} : memref<2048x128xf32, #tpu.memory_space<vmem>>, vector<2048x128xf32>,
    return
  }
  func.func @transform_0(%arg0: i32) -> (i32, i32) {
    %c0_i32 = arith.constant 0 : i32
    %c0_i32_0 = arith.constant 0 : i32
    return %arg0, %c0_i32 : i32, i32
  }
  func.func @transform_1(%arg0: i32) -> (i32, i32) {
    %c0_i32 = arith.constant 0 : i32
    %c0_i32_0 = arith.constant 0 : i32
    return %arg0, %c0_i32 : i32, i32
  }
  func.func @transform_2(%arg0: i32) -> (i32, i32) {
    %c0_i32 = arith.constant 0 : i32
    %c0_i32_0 = arith.constant 0 : i32
    return %arg0, %c0_i32 : i32, i32
  }
  func.func @transform_3(%arg0: i32) -> (i32, i32) {
    %c0_i32 = arith.constant 0 : i32
    %c0_i32_0 = arith.constant 0 : i32
    %c0_i32_1 = arith.constant 0 : i32
    return %c0_i32, %c0_i32_0 : i32, i32
  }
  func.func @transform_4(%arg0: i32) -> (i32, i32) {
    %c0_i32 = arith.constant 0 : i32
    %c0_i32_0 = arith.constant 0 : i32
    %c0_i32_1 = arith.constant 0 : i32
    return %c0_i32, %c0_i32_0 : i32, i32
  }
  func.func @transform_5(%arg0: i32) -> (i32, i32) {
    %c0_i32 = arith.constant 0 : i32
    %c0_i32_0 = arith.constant 0 : i32
    %c0_i32_1 = arith.constant 0 : i32
    return %c0_i32, %c0_i32_0 : i32, i32
  }
  func.func @transform_6(%arg0: i32) -> (i32, i32) {
    %c0_i32 = arith.constant 0 : i32
    %c0_i32_0 = arith.constant 0 : i32
    %c0_i32_1 = arith.constant 0 : i32
    return %c0_i32, %c0_i32_0 : i32, i32
  }
  func.func @transform_7(%arg0: i32) -> (i32, i32) {
    %c0_i32 = arith.constant 0 : i32
    %c0_i32_0 = arith.constant 0 : i32
    %c0_i32_1 = arith.constant 0 : i32
    return %c0_i32, %c0_i32_0 : i32, i32
  }
  func.func @transform_8(%arg0: i32) -> (i32, i32) {
    %c0_i32 = arith.constant 0 : i32
    %c0_i32_0 = arith.constant 0 : i32
    %c0_i32_1 = arith.constant 0 : i32
    return %c0_i32, %c0_i32_0 : i32, i32
  }
  func.func @transform_9(%arg0: i32) -> (i32, i32) {
    %c0_i32 = arith.constant 0 : i32
    %c0_i32_0 = arith.constant 0 : i32
    %c0_i32_1 = arith.constant 0 : i32
    return %c0_i32, %c0_i32_0 : i32, i32
  }
  func.func @transform_10(%arg0: i32) -> (i32, i32) {
    %c0_i32 = arith.constant 0 : i32
    %c0_i32_0 = arith.constant 0 : i32
    %c0_i32_1 = arith.constant 0 : i32
    return %c0_i32, %c0_i32_0 : i32, i32
  }
  func.func @transform_11(%arg0: i32) -> (i32, i32) {
    %c0_i32 = arith.constant 0 : i32
    %c0_i32_0 = arith.constant 0 : i32
    %c0_i32_1 = arith.constant 0 : i32
    return %c0_i32, %c0_i32_0 : i32, i32
  }
  func.func @transform_12(%arg0: i32) -> (i32, i32) {
    %c0_i32 = arith.constant 0 : i32
    %c0_i32_0 = arith.constant 0 : i32
    return %arg0, %c0_i32 : i32, i32
  }
  func.func @transform_13(%arg0: i32) -> (i32, i32) {
    %c0_i32 = arith.constant 0 : i32
    %c0_i32_0 = arith.constant 0 : i32
    return %arg0, %c0_i32 : i32, i32
  }
}

</mosaic_0001>

<sc_bundles>
// kernel: kernel.10.cloned.1.call-start
scs
__scs_entry_jumppad:
0x0: {  	(pc) =	sbr.rel $0x88, $3  }
0x1: {  	(tag) =	ssettag $0x0;
	lr =	simm.s32 $0x1  }
0x2: {  	[smem:$0x3F8F] =	sst lr;
	_ =	strace $0xD0000000  }
0x3: {  	_ = 	snop  }
0x4: {  	_ = 	snop  }
0x5: {  	_ = 	snop  }
0x6: {  	_ = 	snop  }
0x7: {  	_ = 	snop  }
__scs_overlays_trampoline_lowered:
0x8: {  	[smem:$0x3F9E] =	sst s0  }
0x9: {  	[smem:$0x3F9F] =	sst s1  }
0xa: {  	[smem:$0x3FA0] =	sst s2  }
0xb: {  	[smem:$0x3FA1] =	sst s3  }
0xc: {  	[smem:$0x3FA2] =	sst s4  }
0xd: {  	[smem:$0x3FA3] =	sst s5  }
0xe: {  	[smem:$0x3FA4] =	sst s6  }
0xf: {  	[smem:$0x3FA5] =	sst s7  }
0x10: {  	[smem:$0x3FA6] =	sst s8  }
0x11: {  	[smem:$0x3FA7] =	sst s9;
	s0 =	simm.s32 @!p0 $0x0  }
0x12: {  	s1 =	sld [smem:$0x3F8D];
	s0 =	simm.s32 @p0 $0x1  }
0x13: {  	[smem:$0x3FA8] =	sst s0;
	s0 =	simm.s32 @!p1 $0x0  }
0x14: {  	s2 =	sld [smem:$0x3F8C];
	s0 =	simm.s32 @p1 $0x1  }
0x15: {  	[smem:$0x3FA9] =	sst s0;
	s0 =	simm.s32 @!p2 $0x0  }
0x16: {  	s3 =	sld [smem:$0x3FDB];
	s0 =	simm.s32 @p2 $0x1  }
0x17: {  	s4 =	simm.s32 $0x1BF5;
	[smem:$0x3FAB] =	sst s0  }
0x18: {  	s0 =	sld [smem:$0x3F8E];
	_ =	swait.ge [sflag:s4], $0x0  }
0x19: {  	s7 =	sld [smem:$0x3F8F]  }
0x1a: {  	s8 =	sadd.s32 $0xFFFFE003, lr  }
0x1b: {  	s9 =	sadd.s32 $0xFFFFFEF7, lr;
	s5 =	simm.s32 $0xFFFFFFFF;
	p2 =	slt.u32 s8, $0xFFFFF086  }
0x1c: {  	p1 =	slt.u32 s9, $0xF7A;
	s5 =	simm.s32 @!p2 $0x0  }
0x1d: {  	s5 =	simm.s32 @p1 $0x1;
	p0 =	seq.s32 s7, s2  }
0x1e: {  	s7 =	smul.u32 @!p0 $0xF7A, s2;
	p2 =	seq.s32 @!p0 s5, $0x0  }
0x1f: {  	s9 =	smul.u32 $0xF7A, s1;
	s8 =	simm.s32 @!p0 $0x1BF5;
	p2 =	por !p2, p0  }
0x20: {  	[sflag:s8] =	ssyncset.s32 @!p0 $0xFFFFF086;
	s6 =	sadd.s32 @!p0 s3, s7;
	s7 =	simm.s32 @!p0 $0x108  }
0x21: {  	s3 =	sadd.s32 s3, s9;
	s6 =	sadd.s32 @!p0 $0x88, s6;
	s7 =	simm.s32 @p2 $0x1082  }
0x22: {  	[simem:s7], [sflag:s8] =	dma.local @!p0 [hbm:s6], $0xF7A  }
0x23: {  	s9 =	sor.u32 $0xD0000000, s2;
	s6 =	simm.s32 $0x108;
	_ =	swait.ge @!p0 [sflag:s8], $0x0  }
0x24: {  	s3 =	sadd.s32 $0x88, s3;
	s6 =	simm.s32 @!p1 $0x1082;
	[sflag:s4] =	ssyncset.s32 $0xFFFFF086  }
0x25: {  	[simem:s6], [sflag:s4] =	dma.local [hbm:s3], $0xF7A  }
0x26: {  	[smem:$0x3F8F] =	sst s1;
	(tag) =	ssettag s2;
	_ =	strace s9  }
0x27: {  	s1 =	sld [smem:$0x3F9F]  }
0x28: {  	s2 =	sld [smem:$0x3FA0]  }
0x29: {  	s4 =	sld [smem:$0x3FA2]  }
0x2a: {  	p0 =	seq.s32 s5, $0x0;
	s5 =	sld [smem:$0x3FA3]  }
0x2b: {  	s6 =	sld [smem:$0x3FA4]  }
0x2c: {  	s7 =	sld [smem:$0x3FA5]  }
0x2d: {  	s3 =	simm.s32 $0x108;
	s8 =	sld [smem:$0x3FA6]  }
0x2e: {  	s3 =	simm.s32 @!p0 $0x1082;
	s9 =	sld [smem:$0x3FA7]  }
0x2f: {  	lr =	sadd.s32 s0, s3;
	s0 =	sld [smem:$0x3F9E]  }
0x30: {  	s3 =	sld [smem:$0x3FA1]  }
0x31: {  	[smem:$0x3FAA] =	sst s10  }
0x32: {  	s10 =	sld [smem:$0x3FA8];
	_ =	sdelay $0x3  }
0x33: {  	p0 =	seq.s32 s10, $0x1;
	s10 =	sld [smem:$0x3FAA];
	_ =	sdelay $0x3  }
0x34: {  	[smem:$0x3FAA] =	sst s10  }
0x35: {  	s10 =	sld [smem:$0x3FA9];
	_ =	sdelay $0x3  }
0x36: {  	p1 =	seq.s32 s10, $0x1;
	s10 =	sld [smem:$0x3FAA];
	_ =	sdelay $0x3  }
0x37: {  	[smem:$0x3FAA] =	sst s10  }
0x38: {  	s10 =	sld [smem:$0x3FAB]  }
0x39: {  	_ = 	snop;
	(pc) =	sbr.ind lr, $3  }
0x3a: {  	_ = 	snop  }
0x3b: {  	_ = 	snop  }
0x3c: {  	p2 =	seq.s32 s10, $0x1;
	s10 =	sld [smem:$0x3FAA]  }
0x3d: {  	_ =	shalt  }
0x3e: {  	_ =	shalt  }
0x3f: {  	_ =	shalt  }
0x40: {  	_ =	shalt  }
0x41: {  	_ =	shalt  }
0x42: {  	_ =	shalt  }
0x43: {  	_ =	shalt  }
0x44: {  	_ =	shalt  }
0x45: {  	_ =	shalt  }
0x46: {  	_ =	shalt  }
0x47: {  	_ =	shalt  }
0x48: {  	_ =	shalt  }
0x49: {  	_ =	shalt  }
0x4a: {  	_ =	shalt  }
0x4b: {  	_ =	shalt  }
0x4c: {  	_ =	shalt  }
0x4d: {  	_ =	shalt  }
0x4e: {  	_ =	shalt  }
0x4f: {  	_ =	shalt  }
0x50: {  	_ =	shalt  }
0x51: {  	_ =	shalt  }
0x52: {  	_ =	shalt  }
0x53: {  	_ =	shalt  }
0x54: {  	_ =	shalt  }
0x55: {  	_ =	shalt  }
0x56: {  	_ =	shalt  }
0x57: {  	_ =	shalt  }
0x58: {  	_ =	shalt  }
0x59: {  	_ =	shalt  }
0x5a: {  	_ =	shalt  }
0x5b: {  	_ =	shalt  }
0x5c: {  	_ =	shalt  }
0x5d: {  	_ =	shalt  }
0x5e: {  	_ =	shalt  }
0x5f: {  	_ =	shalt  }
0x60: {  	_ =	shalt  }
0x61: {  	_ =	shalt  }
0x62: {  	_ =	shalt  }
0x63: {  	_ =	shalt  }
0x64: {  	_ =	shalt  }
0x65: {  	_ =	shalt  }
0x66: {  	_ =	shalt  }
0x67: {  	_ =	shalt  }
0x68: {  	_ =	shalt  }
0x69: {  	_ =	shalt  }
0x6a: {  	_ =	shalt  }
0x6b: {  	_ =	shalt  }
0x6c: {  	_ =	shalt  }
0x6d: {  	_ =	shalt  }
0x6e: {  	_ =	shalt  }
0x6f: {  	_ =	shalt  }
0x70: {  	_ =	shalt  }
0x71: {  	_ =	shalt  }
0x72: {  	_ =	shalt  }
0x73: {  	_ =	shalt  }
0x74: {  	_ =	shalt  }
0x75: {  	_ =	shalt  }
0x76: {  	_ =	shalt  }
0x77: {  	_ =	shalt  }
0x78: {  	_ =	shalt  }
0x79: {  	_ =	shalt  }
0x7a: {  	_ =	shalt  }
0x7b: {  	_ =	shalt  }
0x7c: {  	_ =	shalt  }
0x7d: {  	_ =	shalt  }
0x7e: {  	_ =	shalt  }
0x7f: {  	_ =	shalt  }
0x80: {  	_ =	shalt  }
0x81: {  	_ =	shalt  }
0x82: {  	_ =	shalt  }
0x83: {  	_ =	shalt  }
0x84: {  	_ =	shalt  }
0x85: {  	_ =	shalt  }
0x86: {  	_ =	shalt  }
0x87: {  	_ =	shalt  }
.Lfunc_end0:
.L_simem_size_0:
called_computation.1_lowered:
.L_overlay_start_0:
0x88: {  	s2 =	sld [smem:$0x3FD9]  }
0x89: {  	s3 =	sld [smem:$0x3FFE];
	_ =	sdelay $0x1  }
0x8a: {  	s1 =	srdreg.scid  }
0x8b: {  	s0 =	sand.u32 $0x1, s1  }
0x8c: {  	s17 =	sshll.u32 s0, $0xA;
	s2 =	sadd.s32 s3, s2  }
0x8d: {  	s2 =	sadd.s32 s2, s17  }
0x8e: {  	[smem:$0x3FB6] =	sst s2  }
0x8f: {  	_ = 	snop  }
0x90: {  	s2 =	sld [smem:$0x3FD0];
	(tm) =	ssettm $0x1  }
0x91: {  	s18 =	sld [smem:$0x3FFB];
	_ =	sdelay $0x3  }
0x92: {  	_ =	strace s18  }
0x93: {  	s3 =	sld [smem:$0x3FFC];
	_ =	sdelay $0x3  }
0x94: {  	_ =	strace s3  }
0x95: {  	s3 =	sld [smem:$0x3FFD];
	_ =	sdelay $0x3  }
0x96: {  	_ =	strace s3  }
0x97: {  	_ =	strace $0x8FFFFFFF  }
0x98: {  	s19 =	sld [smem:$0x3FDB];
	_ =	sdelay $0x1  }
0x99: {  	s4 =	simm.s32 $_scs_section_size  }
0x9a: {  	s5 =	simm.s32 $_size__tile_overlayer_lowered;
	s6 =	simm.s32 $_tile_overlayer_lowered  }
0x9b: {  	s22 =	simm.s32 $0x1BFF;
	s21 =	sshll.u32 s6, $0x1;
	s3 =	sadd.s32 s4, s19  }
0x9c: {  	s7 =	simm.s32 $0x0;
	s20 =	sshll.u32 s5, $0x1;
	s5 =	sadd.s32 s21, s3  }
0x9d: {  	[timem:s7], [sflag:s22] =	dma.local [hbm:s5], s20  }
0x9e: {  	_ =	swait.ge [sflag:s22], s20  }
0x9f: {  	s4 =	ssub.s32 $0x0, s20;
	[sflag:s22] =	ssyncset.done $0x0  }
0xa0: {  	[sflag:s22] =	ssyncadd.s32 s4;
	_ =	sdelay $0x1  }
0xa1: {  	s23 =	simm.s32 $0x1B8B  }
0xa2: {  	_ =	swait.ge [sflag:s23], $0x1  }
0xa3: {  	[sflag:s23] =	ssyncset.done $0x0  }
0xa4: {  	s25 =	simm.s32 $0x1B8E;
	s24 =	sld [smem:$0x3FFE];
	[sflag:s23] =	ssyncadd.s32 $0xFFFFFFFF  }
0xa5: {  	s26 =	simm.s32 $execute0_lowered;
	[smem:$0x3FD2] =	sst s25  }
0xa6: {  	s5 =	sshll.u32 s26, $0x1;
	_ =	strace $0x80000049;
	[dreg:$0x1] =	wrdreg $0xFFFFFFFF  }
0xa7: {  	s28 =	simm.s32 $_size_execute0_lowered;
	s3 =	sadd.s32 s3, s5;
	[dreg:$0x0] =	wrdreg $0x0  }
0xa8: {  	s5 =	sshll.u32 s28, $0x1;
	[dreg:$0x2] =	wrdreg s3  }
0xa9: {  	[dreg:$0x3] =	wrdreg s5  }
0xaa: {  	[dreg:$0x4] =	wrdreg $0xC0  }
0xab: {  	_ =	task [dreg:s7], $0x5FFFF  }
0xac: {  	[dreg:$0x1] =	wrdreg $0xFFFFFFFF  }
0xad: {  	[dreg:$0x0] =	wrdreg $0x60  }
0xae: {  	[dreg:$0x2] =	wrdreg s2  }
0xaf: {  	[dreg:$0x3] =	wrdreg s24  }
0xb0: {  	[dreg:$0x4] =	wrdreg $0x0  }
0xb1: {  	[dreg:$0x5] =	wrdreg $0x9  }
0xb2: {  	_ =	task.clear_ibuf [dreg:s7], $0x6FFFF;
	_ =	strace $0x90000049  }
0xb3: {  	s29 =	simm.s32 $0x9;
	_ =	strace $0x8000004B  }
0xb4: {  	_ =	swait.ge [sflag:s29], $0x1  }
0xb5: {  	[sflag:s29] =	ssyncadd.s32 $0xFFFFFFFF  }
0xb6: {  	_ =	strace $0x9000004B  }
0xb7: {  	_ =	sfence  }
0xb8: {  	s30 =	sld [smem:$0x0];
	_ =	sdelay $0x2  }
0xb9: {  	s31 =	sshll.u32 s1, $0xD;
	s1 =	sshrl.u32 s1, $0x2  }
0xba: {  	s3 =	sand.u32 $0x4000, s31;
	s1 =	sadd.s32 s1, s30  }
0xbb: {  	s0 =	sor.u32 s3, s0;
	s1 =	sshll.u32 s1, $0x11  }
0xbc: {  	s0 =	sor.u32 s1, s0  }
0xbd: {  	s0 =	sadd.s32 $0x8F2B, s0  }
0xbe: {  	[sflag:s0] =	ssyncadd.remote.s32 $0x1  }
0xbf: {  	_ =	sfence.sel $0xFFFF  }
0xc0: {  	[dreg:$0x0] =	wrdreg $0xFFFFFFFF;
	(pc) =	sbr.abs _section_cstart, $3  }
0xc1: {  	[dreg:$0x1] =	wrdreg $0xFFFFFFFF  }
0xc2: {  	_ =	task.clear_ibuf [dreg:s7], $0x2FFFF;
	_ =	strace $0x9FFFFFFF  }
0xc3: {  	(tm) =	ssettm $0x7FFFFFFF  }
tec
execute0_lowered:
.L_overlay_start_1:
0x0: {  	(tag) =	ssettag $0x1  }
0x1: {  	s16 =	rddreg [dreg:$0x0]  }
0x2: {  	s0 =	rddreg [dreg:$0x1]  }
0x3: {  	s2 =	rddreg [dreg:$0x2]  }
0x4: {  	s3 =	simm.s32 $0x0;
	s1 =	srdreg.scid;
	s19 =	stileid.u32  }
0x5: {  	s28 =	simm.s32 $0x3;
	s29 =	simm.s32 $0x14000;
	s30 =	simm.s32 $0x18080  }
0x6: {  	s31 =	simm.s32 $0x18100;
	s22 =	sadd.s32 $0xFE6200, s0;
	s5 =	smul.u32 $0x280, s19  }
0x7: {  	[smem:$0x7FF] =	sst s3;
	s15 =	sadd.s32 $0x1506200, s0;
	s6 =	smul.u32 $0x50000, s19  }
0x8: {  	s4 =	sadd.s32 $0x3E00, s0;
	s0 =	sadd.s32 $0x2BE00, s0;
	s23 =	smul.u32 $0x5200, s19  }
0x9: {  	s21 =	smul.u32 $0x52000, s19;
	_ =	strace $0x8000004A;
	[dreg:$0x6] =	wrdreg s4  }
0xa: {  	s1 =	sand.u32 $0x1, s1;
	s24 =	smul.u32 $0x2800, s19;
	[dreg:$0x7] =	wrdreg s0  }
0xb: {  	s25 =	smul.u32 $0xA40, s19;
	s14 =	ssub.s32 $0x2, s1;
	[dreg:$0x5] =	wrdreg s15  }
0xc: {  	[dreg:$0x4] =	wrdreg s22;
	p0 =	sne.s32 s1, $0x0;
	s1 =	simm.s32 $0x80  }
0xd: {  	s17 =	sshrl.u32 s14, $0x1;
	s18 =	sadd.s32 $0x80, s5;
	s7 =	sadd.s32 $0x100, s5  }
0xe: {  	s6 =	sshrl.u32 s6, $0x2;
	s20 =	sadd.s32 $0x180, s5;
	s5 =	sadd.s32 $0x200, s5  }
0xf: {  	s15 =	sadd.s32 s15, s21;
	[dreg:$0x9] =	wrdreg s24;
	s21 =	sadd.s32 s22, s21  }
0x10: {  	s26 =	sadd.s32 s25, s16;
	s0 =	ssub.s32 s14, s17;
	s8 =	sshll.u32 s18, $0x7  }
0x11: {  	s11 =	sshll.u32 s7, $0x7;
	s9 =	sadd.s32 s6, s2;
	s12 =	sshll.u32 s20, $0x7  }
0x12: {  	s13 =	sshll.u32 s5, $0x7;
	s14 =	sshrl.u32 s23, $0x3;
	s17 =	sshll.u32 s18, $0x4  }
0x13: {  	s18 =	sshll.u32 s7, $0x4;
	s19 =	sshll.u32 s20, $0x4;
	s20 =	sshll.u32 s5, $0x4  }
.Ltmp0:
0x14: {  	s23 =	sadd.s32 $0x5180, s23;
	s25 =	sadd.s32 $0x20, s26;
	(pc) =	sbr.rel .LBB2_1-.Ltmp0, $4  }
0x15: {  	s26 =	simm.s32 $0x14080;
	s7 =	simm.s32 $0x2;
	s10 =	sadd.s32 s8, s2  }
0x16: {  	s11 =	sadd.s32 s11, s2;
	s12 =	sadd.s32 s12, s2;
	s13 =	sadd.s32 s13, s2  }
0x17: {  	s14 =	sadd.s32 s16, s14;
	s22 =	smax.u32 s0, $0x1;
	s24 =	sshll.u32 s23, $0x4  }
0x18: {  	v0 =	vimm.f32 $0.0e+00;
	s0 =	simm.s32 $0x1;
	s8 =	simm.s32 $0x0;
	[dreg:$0x8] =	wrdreg s14  }
.LBB2_9:
0x19: {  	s4 =	sadd.s32 $0xFFFFFFF0, s5;
	[sflag:s28] =	ssyncadd.s32 $0xFFFFC000  }
0x1a: {  	[tilespmem:s30], [sflag:$0x3] =	stream.linear.gather [hbm4b:s4+s3], $0x80, $0x38;
	[tilespmem:$0x1C100] =	vst v63  }
0x1b: {  	_ =	swait.ge [sflag:s28], $0x80  }
0x1c: {  	s16 =	sadd.s32 s6, s15;
	[sflag:s28] =	ssyncset.done $0x0  }
0x1d: {  	s6 =	sadd.s32 $0x800, s16;
	[sflag:s28] =	ssyncadd.s32 $0xFFFFFF80  }
0x1e: {  	[tilespmem:s31], [sflag:$0x2] =	stream.linear.gather [hbm4b:s6+s3], $0x4000, $0x38;
	[tilespmem:$0x1C100] =	vst v63  }
0x1f: {  	_ =	swait.ge [sflag:s0], $0x4000  }
0x20: {  	[sflag:s0] =	ssyncset.done $0x0  }
0x21: {  	[sflag:s0] =	ssyncadd.s32 $0xFFFFC000  }
0x22: {  	[spmem:s2] =	stream.indirect.scatter.add.f32 [tilespmem:s26], [sflag:$0x3], $0x80, s29, s1, $0xb8;
	[tilespmem:$0x1C100] =	vst v63  }
0x23: {  	_ =	swait.ge [sflag:s28], $0x4000  }
0x24: {  	[sflag:s28] =	ssyncset.done $0x0  }
0x25: {  	[sflag:s28] =	ssyncadd.s32 $0xFFFFC000  }
0x26: {  	[tilespmem:s29], [sflag:$0x3] =	stream.linear.gather [hbm4b:s5+s3], $0x80, $0x38;
	[tilespmem:$0x1C100] =	vst v63  }
0x27: {  	_ =	swait.ge [sflag:s28], $0x80  }
0x28: {  	[sflag:s28] =	ssyncset.done $0x0  }
0x29: {  	s4 =	sadd.s32 $0x1000, s16;
	[sflag:s28] =	ssyncadd.s32 $0xFFFFFF80  }
0x2a: {  	[tilespmem:s26], [sflag:$0x1] =	stream.linear.gather [hbm4b:s4+s3], $0x4000, $0x38;
	[tilespmem:$0x1C100] =	vst v63  }
0x2b: {  	_ =	swait.ge [sflag:s7], $0x4000  }
0x2c: {  	[sflag:s7] =	ssyncset.done $0x0  }
0x2d: {  	[sflag:s7] =	ssyncadd.s32 $0xFFFFC000  }
0x2e: {  	[spmem:s2] =	stream.indirect.scatter.add.f32 [tilespmem:s31], [sflag:$0x3], $0x80, s30, s1, $0xb8;
	[tilespmem:$0x1C100] =	vst v63  }
0x2f: {  	_ =	swait.ge [sflag:s28], $0x4000  }
0x30: {  	[sflag:s28] =	ssyncset.done $0x0;
	s5 =	rddreg [dreg:$0x5]  }
0x31: {  	s4 =	rddreg [dreg:$0x7];
	[sflag:s28] =	ssyncadd.s32 $0xFFFFC000  }
.LBB2_10:
0x32: {  	s6 =	sshrl.u32 s23, $0x3;
	s14 =	rddreg [dreg:$0x0]  }
0x33: {  	s6 =	sadd.s32 s14, s6  }
0x34: {  	[tilespmem:s30], [sflag:$0x3] =	stream.linear.gather [hbm4b:s6+s3], $0x80, $0x38;
	[tilespmem:$0x1C100] =	vst v63  }
0x35: {  	_ =	swait.ge [sflag:s28], $0x80  }
0x36: {  	[sflag:s28] =	ssyncset.done $0x0  }
0x37: {  	s5 =	sadd.s32 s5, s24;
	[sflag:s28] =	ssyncadd.s32 $0xFFFFFF80  }
0x38: {  	[tilespmem:s31], [sflag:$0x2] =	stream.linear.gather [hbm4b:s5+s3], $0x4000, $0x38;
	[tilespmem:$0x1C100] =	vst v63  }
0x39: {  	_ =	swait.ge [sflag:s0], $0x4000  }
0x3a: {  	[sflag:s0] =	ssyncset.done $0x0  }
0x3b: {  	[sflag:s0] =	ssyncadd.s32 $0xFFFFC000  }
0x3c: {  	[spmem:s2] =	stream.indirect.scatter.add.f32 [tilespmem:s26], [sflag:$0x3], $0x80, s29, s1, $0xb8;
	[tilespmem:$0x1C100] =	vst v63  }
0x3d: {  	_ =	swait.ge [sflag:s28], $0x4000  }
0x3e: {  	[sflag:s28] =	ssyncset.done $0x0  }
0x3f: {  	[sflag:s28] =	ssyncadd.s32 $0xFFFFC000  }
0x40: {  	_ =	swait.ge [sflag:s7], $0x4000  }
0x41: {  	[sflag:s7] =	ssyncset.done $0x0  }
0x42: {  	[sflag:s7] =	ssyncadd.s32 $0xFFFFC000  }
0x43: {  	[spmem:s2] =	stream.indirect.scatter.add.f32 [tilespmem:s31], [sflag:$0x3], $0x80, s30, s1, $0xb8;
	[tilespmem:$0x1C100] =	vst v63  }
0x44: {  	_ =	swait.ge [sflag:s28], $0x4000  }
0x45: {  	s14 =	stileid.u32;
	[sflag:s28] =	ssyncset.done $0x0;
	s6 =	rddreg [dreg:$0x9]  }
0x46: {  	s5 =	sadd.s32 s4, s6;
	[sflag:s28] =	ssyncadd.s32 $0xFFFFC000;
	s6 =	sshll.u32 s14, $0x6  }
0x47: {  	s16 =	sshrl.u32 s9, $0x3;
	[bflag:$0x0] =	sbarrier.arrive $0xFFFF;
	s6 =	sor.u32 $0x1C03, s6  }
0x48: {  	[hbm:s5], [sflag:s6] =	dma.local [spmem:s16], $0x800  }
0x49: {  	_ =	swait.ge [sflag:s28], $0x800  }
0x4a: {  	[sflag:s28] =	ssyncset.done $0x0  }
0x4b: {  	s14 =	sadd.s32 s4, s17;
	s16 =	sshrl.u32 s10, $0x3;
	[sflag:s28] =	ssyncadd.s32 $0xFFFFF800  }
0x4c: {  	[hbm:s14], [sflag:s6] =	dma.local [spmem:s16], $0x800  }
0x4d: {  	_ =	swait.ge [sflag:s28], $0x800  }
0x4e: {  	[sflag:s28] =	ssyncset.done $0x0  }
0x4f: {  	s14 =	sadd.s32 s4, s18;
	s16 =	sshrl.u32 s11, $0x3;
	[sflag:s28] =	ssyncadd.s32 $0xFFFFF800  }
0x50: {  	[hbm:s14], [sflag:s6] =	dma.local [spmem:s16], $0x800  }
0x51: {  	_ =	swait.ge [sflag:s28], $0x800  }
0x52: {  	[sflag:s28] =	ssyncset.done $0x0  }
0x53: {  	s14 =	sadd.s32 s4, s19;
	s16 =	sshrl.u32 s12, $0x3;
	[sflag:s28] =	ssyncadd.s32 $0xFFFFF800  }
0x54: {  	[hbm:s14], [sflag:s6] =	dma.local [spmem:s16], $0x800  }
0x55: {  	s8 =	sadd.s32 $0x1, s8;
	_ =	swait.ge [sflag:s28], $0x800  }
0x56: {  	p1 =	sne.s32 s8, s22;
	s14 =	sadd.s32 s4, s20;
	[sflag:s28] =	ssyncset.done $0x0  }
.Ltmp1:
0x57: {  	s16 =	sshrl.u32 s13, $0x3;
	[sflag:s28] =	ssyncadd.s32 $0xFFFFF800;
	(pc) =	sbr.rel @!p1 .LBB2_11-.Ltmp1, $4  }
0x58: {  	[hbm:s14], [sflag:s6] =	dma.local [spmem:s16], $0x800  }
0x59: {  	_ =	swait.ge [sflag:s28], $0x800  }
0x5a: {  	[sflag:s28] =	ssyncset.done $0x0  }
0x5b: {  	[sflag:s28] =	ssyncadd.s32 $0xFFFFF800  }
.LBB2_1:
0x5c: {  	s4 =	simm.s32 $0x0;
	s5 =	simm.s32 $0x200  }
.LBB2_2:
0x5d: {  	p1 =	sne.s32 s5, $0xFE00;
	[tilespmem:s4+$0x140F0] =	vst v0  }
0x5e: {  	[tilespmem:s4+$0x14080] =	vst v0  }
0x5f: {  	[tilespmem:s4+$0x14090] =	vst v0  }
.Ltmp2:
0x60: {  	[tilespmem:s4+$0x140A0] =	vst v0;
	(pc) =	sbr.rel @p1 .LBB2_2-.Ltmp2, $4  }
0x61: {  	[tilespmem:s4+$0x140B0] =	vst v0  }
0x62: {  	[tilespmem:s4+$0x140C0] =	vst v0  }
0x63: {  	[tilespmem:s4+$0x140D0] =	vst v0  }
0x64: {  	[tilespmem:s4+$0x140E0] =	vst v0;
	s4 =	sshra.s32 s5, $0x2;
	s5 =	sadd.s32 $0x200, s5  }
0x65: {  	[tilespmem:s4+$0x140F0] =	vst v0  }
0x66: {  	[tilespmem:s4+$0x14080] =	vst v0  }
0x67: {  	[tilespmem:s4+$0x14090] =	vst v0  }
0x68: {  	[tilespmem:s4+$0x140A0] =	vst v0  }
0x69: {  	[tilespmem:s4+$0x140B0] =	vst v0  }
0x6a: {  	[tilespmem:s4+$0x140C0] =	vst v0  }
0x6b: {  	[tilespmem:s4+$0x140D0] =	vst v0  }
0x6c: {  	[tilespmem:s4+$0x140E0] =	vst v0  }
0x6d: {  	[spmem:s9] =	stream.linear.scatter [tilespmem:s26], [sflag:$0x3], $0x4000, $0x38;
	[tilespmem:$0x1C100] =	vst v63  }
0x6e: {  	_ =	swait.ge [sflag:s28], $0x4000  }
0x6f: {  	[sflag:s28] =	ssyncset.done $0x0  }
0x70: {  	[sflag:s28] =	ssyncadd.s32 $0xFFFFC000  }
0x71: {  	[spmem:s10] =	stream.linear.scatter [tilespmem:s26], [sflag:$0x3], $0x4000, $0x38;
	[tilespmem:$0x1C100] =	vst v63  }
0x72: {  	_ =	swait.ge [sflag:s28], $0x4000  }
0x73: {  	[sflag:s28] =	ssyncset.done $0x0  }
0x74: {  	[sflag:s28] =	ssyncadd.s32 $0xFFFFC000  }
0x75: {  	[spmem:s11] =	stream.linear.scatter [tilespmem:s26], [sflag:$0x3], $0x4000, $0x38;
	[tilespmem:$0x1C100] =	vst v63  }
0x76: {  	_ =	swait.ge [sflag:s28], $0x4000  }
0x77: {  	[sflag:s28] =	ssyncset.done $0x0  }
0x78: {  	[sflag:s28] =	ssyncadd.s32 $0xFFFFC000  }
0x79: {  	[spmem:s12] =	stream.linear.scatter [tilespmem:s26], [sflag:$0x3], $0x4000, $0x38;
	[tilespmem:$0x1C100] =	vst v63  }
0x7a: {  	_ =	swait.ge [sflag:s28], $0x4000  }
0x7b: {  	[sflag:s28] =	ssyncset.done $0x0  }
0x7c: {  	[sflag:s28] =	ssyncadd.s32 $0xFFFFC000  }
0x7d: {  	[spmem:s13] =	stream.linear.scatter [tilespmem:s26], [sflag:$0x3], $0x4000, $0x38;
	[tilespmem:$0x1C100] =	vst v63  }
0x7e: {  	_ =	swait.ge [sflag:s28], $0x4000  }
0x7f: {  	[sflag:s28] =	ssyncset.done $0x0  }
0x80: {  	[sflag:s28] =	ssyncadd.s32 $0xFFFFC000  }
0x81: {  	[bflag:$0x0] =	sbarrier.arrive $0xFFFF  }
.Ltmp3:
0x82: {  	s16 =	rddreg [dreg:$0x8];
	(pc) =	sbr.rel @p0 .LBB2_7-.Ltmp3, $4  }
0x83: {  	[tilespmem:s29], [sflag:$0x3] =	stream.linear.gather [hbm4b:s16+s3], $0x80, $0x38;
	[tilespmem:$0x1C100] =	vst v63  }
0x84: {  	_ =	swait.ge [sflag:s28], $0x80  }
0x85: {  	[sflag:s28] =	ssyncset.done $0x0  }
0x86: {  	s4 =	simm.s32 $0x0;
	[sflag:s28] =	ssyncadd.s32 $0xFFFFFF80  }
0x87: {  	[tilespmem:s26], [sflag:$0x1] =	stream.linear.gather [hbm4b:s21+s4], $0x4000, $0x38;
	[tilespmem:$0x1C100] =	vst v63  }
0x88: {  	s14 =	sadd.s32 $0xFFFFFFF0, s25  }
0x89: {  	[tilespmem:s30], [sflag:$0x3] =	stream.linear.gather [hbm4b:s14+s3], $0x80, $0x38;
	[tilespmem:$0x1C100] =	vst v63  }
0x8a: {  	_ =	swait.ge [sflag:s28], $0x80  }
0x8b: {  	s16 =	sadd.s32 $0x0, s21;
	[sflag:s28] =	ssyncset.done $0x0  }
0x8c: {  	s5 =	sadd.s32 $0x800, s16;
	[sflag:s28] =	ssyncadd.s32 $0xFFFFFF80  }
0x8d: {  	[tilespmem:s31], [sflag:$0x2] =	stream.linear.gather [hbm4b:s5+s3], $0x4000, $0x38;
	[tilespmem:$0x1C100] =	vst v63  }
0x8e: {  	_ =	swait.ge [sflag:s0], $0x4000  }
0x8f: {  	[sflag:s0] =	ssyncset.done $0x0  }
0x90: {  	[sflag:s0] =	ssyncadd.s32 $0xFFFFC000  }
0x91: {  	[spmem:s2] =	stream.indirect.scatter.add.f32 [tilespmem:s26], [sflag:$0x3], $0x80, s29, s1, $0xb8;
	[tilespmem:$0x1C100] =	vst v63  }
0x92: {  	_ =	swait.ge [sflag:s28], $0x4000  }
0x93: {  	[sflag:s28] =	ssyncset.done $0x0  }
0x94: {  	[sflag:s28] =	ssyncadd.s32 $0xFFFFC000  }
0x95: {  	[tilespmem:s29], [sflag:$0x3] =	stream.linear.gather [hbm4b:s25+s3], $0x80, $0x38;
	[tilespmem:$0x1C100] =	vst v63  }
0x96: {  	_ =	swait.ge [sflag:s28], $0x80  }
0x97: {  	[sflag:s28] =	ssyncset.done $0x0  }
0x98: {  	s4 =	sadd.s32 $0x1000, s16;
	[sflag:s28] =	ssyncadd.s32 $0xFFFFFF80  }
0x99: {  	[tilespmem:s26], [sflag:$0x1] =	stream.linear.gather [hbm4b:s4+s3], $0x4000, $0x38;
	[tilespmem:$0x1C100] =	vst v63  }
0x9a: {  	_ =	swait.ge [sflag:s7], $0x4000  }
0x9b: {  	[sflag:s7] =	ssyncset.done $0x0  }
0x9c: {  	[sflag:s7] =	ssyncadd.s32 $0xFFFFC000  }
0x9d: {  	[spmem:s2] =	stream.indirect.scatter.add.f32 [tilespmem:s31], [sflag:$0x3], $0x80, s30, s1, $0xb8;
	[tilespmem:$0x1C100] =	vst v63  }
0x9e: {  	s6 =	simm.s32 $0x1000;
	_ =	swait.ge [sflag:s28], $0x4000  }
0x9f: {  	s5 =	sadd.s32 $0x20, s25;
	s4 =	simm.s32 $0x2000;
	[sflag:s28] =	ssyncset.done $0x0  }
.LBB2_5:
0xa0: {  	p1 =	seq.s32 s4, $0x50000;
	s14 =	sadd.s32 $0xFFFFFFF0, s5;
	[sflag:s28] =	ssyncadd.s32 $0xFFFFC000  }
0xa1: {  	[tilespmem:s30], [sflag:$0x3] =	stream.linear.gather [hbm4b:s14+s3], $0x80, $0x38;
	[tilespmem:$0x1C100] =	vst v63  }
0xa2: {  	s14 =	smov.u32 s4;
	s4 =	sadd.s32 $0x1000, s4;
	_ =	swait.ge [sflag:s28], $0x80  }
0xa3: {  	s16 =	sadd.s32 s6, s21;
	s6 =	smov.u32 s14;
	[sflag:s28] =	ssyncset.done $0x0  }
0xa4: {  	s14 =	sadd.s32 $0x800, s16;
	[sflag:s28] =	ssyncadd.s32 $0xFFFFFF80  }
0xa5: {  	[tilespmem:s31], [sflag:$0x2] =	stream.linear.gather [hbm4b:s14+s3], $0x4000, $0x38;
	[tilespmem:$0x1C100] =	vst v63  }
0xa6: {  	_ =	swait.ge [sflag:s0], $0x4000  }
0xa7: {  	[sflag:s0] =	ssyncset.done $0x0  }
0xa8: {  	[sflag:s0] =	ssyncadd.s32 $0xFFFFC000  }
0xa9: {  	[spmem:s2] =	stream.indirect.scatter.add.f32 [tilespmem:s26], [sflag:$0x3], $0x80, s29, s1, $0xb8;
	[tilespmem:$0x1C100] =	vst v63  }
0xaa: {  	_ =	swait.ge [sflag:s28], $0x4000  }
0xab: {  	[sflag:s28] =	ssyncset.done $0x0  }
0xac: {  	[sflag:s28] =	ssyncadd.s32 $0xFFFFC000  }
0xad: {  	[tilespmem:s29], [sflag:$0x3] =	stream.linear.gather [hbm4b:s5+s3], $0x80, $0x38;
	[tilespmem:$0x1C100] =	vst v63  }
0xae: {  	_ =	swait.ge [sflag:s28], $0x80  }
0xaf: {  	[sflag:s28] =	ssyncset.done $0x0  }
0xb0: {  	s14 =	sadd.s32 $0x1000, s16;
	[sflag:s28] =	ssyncadd.s32 $0xFFFFFF80  }
0xb1: {  	[tilespmem:s26], [sflag:$0x1] =	stream.linear.gather [hbm4b:s14+s3], $0x4000, $0x38;
	[tilespmem:$0x1C100] =	vst v63  }
0xb2: {  	_ =	swait.ge [sflag:s7], $0x4000  }
.Ltmp4:
0xb3: {  	[sflag:s7] =	ssyncset.done $0x0;
	(pc) =	sbr.rel @!p1 .LBB2_5-.Ltmp4, $4  }
0xb4: {  	[sflag:s7] =	ssyncadd.s32 $0xFFFFC000  }
0xb5: {  	[spmem:s2] =	stream.indirect.scatter.add.f32 [tilespmem:s31], [sflag:$0x3], $0x80, s30, s1, $0xb8;
	[tilespmem:$0x1C100] =	vst v63  }
0xb6: {  	_ =	swait.ge [sflag:s28], $0x4000  }
0xb7: {  	s5 =	sadd.s32 $0x20, s5;
	[sflag:s28] =	ssyncset.done $0x0  }
0xb8: {  	s4 =	sadd.s32 $0xFFFFFFF0, s5;
	[sflag:s28] =	ssyncadd.s32 $0xFFFFC000  }
0xb9: {  	[tilespmem:s30], [sflag:$0x3] =	stream.linear.gather [hbm4b:s4+s3], $0x80, $0x38;
	[tilespmem:$0x1C100] =	vst v63  }
0xba: {  	_ =	swait.ge [sflag:s28], $0x80  }
0xbb: {  	s16 =	sadd.s32 s6, s21;
	[sflag:s28] =	ssyncset.done $0x0  }
0xbc: {  	s6 =	sadd.s32 $0x800, s16;
	[sflag:s28] =	ssyncadd.s32 $0xFFFFFF80  }
0xbd: {  	[tilespmem:s31], [sflag:$0x2] =	stream.linear.gather [hbm4b:s6+s3], $0x4000, $0x38;
	[tilespmem:$0x1C100] =	vst v63  }
0xbe: {  	_ =	swait.ge [sflag:s0], $0x4000  }
0xbf: {  	[sflag:s0] =	ssyncset.done $0x0  }
0xc0: {  	[sflag:s0] =	ssyncadd.s32 $0xFFFFC000  }
0xc1: {  	[spmem:s2] =	stream.indirect.scatter.add.f32 [tilespmem:s26], [sflag:$0x3], $0x80, s29, s1, $0xb8;
	[tilespmem:$0x1C100] =	vst v63  }
0xc2: {  	_ =	swait.ge [sflag:s28], $0x4000  }
0xc3: {  	[sflag:s28] =	ssyncset.done $0x0  }
0xc4: {  	[sflag:s28] =	ssyncadd.s32 $0xFFFFC000  }
0xc5: {  	[tilespmem:s29], [sflag:$0x3] =	stream.linear.gather [hbm4b:s5+s3], $0x80, $0x38;
	[tilespmem:$0x1C100] =	vst v63  }
0xc6: {  	_ =	swait.ge [sflag:s28], $0x80  }
0xc7: {  	[sflag:s28] =	ssyncset.done $0x0  }
0xc8: {  	s4 =	sadd.s32 $0x1000, s16;
	[sflag:s28] =	ssyncadd.s32 $0xFFFFFF80  }
0xc9: {  	[tilespmem:s26], [sflag:$0x1] =	stream.linear.gather [hbm4b:s4+s3], $0x4000, $0x38;
	[tilespmem:$0x1C100] =	vst v63  }
0xca: {  	_ =	swait.ge [sflag:s7], $0x4000  }
0xcb: {  	[sflag:s7] =	ssyncset.done $0x0  }
.Ltmp5:
0xcc: {  	[sflag:s7] =	ssyncadd.s32 $0xFFFFC000;
	(pc) =	sbr.rel .LBB2_10-.Ltmp5, $4  }
0xcd: {  	[spmem:s2] =	stream.indirect.scatter.add.f32 [tilespmem:s31], [sflag:$0x3], $0x80, s30, s1, $0xb8;
	[tilespmem:$0x1C100] =	vst v63  }
0xce: {  	_ =	swait.ge [sflag:s28], $0x4000  }
0xcf: {  	[sflag:s28] =	ssyncset.done $0x0;
	s5 =	rddreg [dreg:$0x4]  }
0xd0: {  	s4 =	rddreg [dreg:$0x6];
	[sflag:s28] =	ssyncadd.s32 $0xFFFFC000  }
.LBB2_7:
0xd1: {  	[tilespmem:s26], [sflag:$0x1] =	stream.linear.gather [hbm4b:s15+s4], $0x4000, $0x38;
	[tilespmem:$0x1C100] =	vst v63  }
0xd2: {  	s14 =	sadd.s32 $0xFFFFFFF0, s25  }
0xd3: {  	[tilespmem:s30], [sflag:$0x3] =	stream.linear.gather [hbm4b:s14+s3], $0x80, $0x38;
	[tilespmem:$0x1C100] =	vst v63  }
0xd4: {  	_ =	swait.ge [sflag:s28], $0x80  }
0xd5: {  	s16 =	sadd.s32 $0x0, s15;
	[sflag:s28] =	ssyncset.done $0x0  }
0xd6: {  	s5 =	sadd.s32 $0x800, s16;
	[sflag:s28] =	ssyncadd.s32 $0xFFFFFF80  }
0xd7: {  	[tilespmem:s31], [sflag:$0x2] =	stream.linear.gather [hbm4b:s5+s3], $0x4000, $0x38;
	[tilespmem:$0x1C100] =	vst v63  }
0xd8: {  	_ =	swait.ge [sflag:s0], $0x4000  }
0xd9: {  	[sflag:s0] =	ssyncset.done $0x0  }
0xda: {  	[sflag:s0] =	ssyncadd.s32 $0xFFFFC000  }
0xdb: {  	[spmem:s2] =	stream.indirect.scatter.add.f32 [tilespmem:s26], [sflag:$0x3], $0x80, s29, s1, $0xb8;
	[tilespmem:$0x1C100] =	vst v63  }
0xdc: {  	_ =	swait.ge [sflag:s28], $0x4000  }
0xdd: {  	[sflag:s28] =	ssyncset.done $0x0  }
0xde: {  	[sflag:s28] =	ssyncadd.s32 $0xFFFFC000  }
0xdf: {  	[tilespmem:s29], [sflag:$0x3] =	stream.linear.gather [hbm4b:s25+s3], $0x80, $0x38;
	[tilespmem:$0x1C100] =	vst v63  }
0xe0: {  	_ =	swait.ge [sflag:s28], $0x80  }
0xe1: {  	[sflag:s28] =	ssyncset.done $0x0  }
0xe2: {  	s4 =	sadd.s32 $0x1000, s16;
	[sflag:s28] =	ssyncadd.s32 $0xFFFFFF80  }
0xe3: {  	[tilespmem:s26], [sflag:$0x1] =	stream.linear.gather [hbm4b:s4+s3], $0x4000, $0x38;
	[tilespmem:$0x1C100] =	vst v63  }
0xe4: {  	_ =	swait.ge [sflag:s7], $0x4000  }
0xe5: {  	[sflag:s7] =	ssyncset.done $0x0  }
0xe6: {  	[sflag:s7] =	ssyncadd.s32 $0xFFFFC000  }
0xe7: {  	[spmem:s2] =	stream.indirect.scatter.add.f32 [tilespmem:s31], [sflag:$0x3], $0x80, s30, s1, $0xb8;
	[tilespmem:$0x1C100] =	vst v63  }
0xe8: {  	s6 =	simm.s32 $0x1000;
	_ =	swait.ge [sflag:s28], $0x4000  }
0xe9: {  	s5 =	sadd.s32 $0x20, s25;
	s4 =	simm.s32 $0x2000;
	[sflag:s28] =	ssyncset.done $0x0  }
.LBB2_8:
0xea: {  	p1 =	sne.s32 s4, $0x50000;
	s14 =	sadd.s32 $0xFFFFFFF0, s5;
	[sflag:s28] =	ssyncadd.s32 $0xFFFFC000  }
0xeb: {  	[tilespmem:s30], [sflag:$0x3] =	stream.linear.gather [hbm4b:s14+s3], $0x80, $0x38;
	[tilespmem:$0x1C100] =	vst v63  }
0xec: {  	s14 =	smov.u32 s4;
	s4 =	sadd.s32 $0x1000, s4;
	_ =	swait.ge [sflag:s28], $0x80  }
0xed: {  	s16 =	sadd.s32 s6, s15;
	s6 =	smov.u32 s14;
	[sflag:s28] =	ssyncset.done $0x0  }
0xee: {  	s14 =	sadd.s32 $0x800, s16;
	[sflag:s28] =	ssyncadd.s32 $0xFFFFFF80  }
0xef: {  	[tilespmem:s31], [sflag:$0x2] =	stream.linear.gather [hbm4b:s14+s3], $0x4000, $0x38;
	[tilespmem:$0x1C100] =	vst v63  }
0xf0: {  	_ =	swait.ge [sflag:s0], $0x4000  }
0xf1: {  	[sflag:s0] =	ssyncset.done $0x0  }
0xf2: {  	[sflag:s0] =	ssyncadd.s32 $0xFFFFC000  }
0xf3: {  	[spmem:s2] =	stream.indirect.scatter.add.f32 [tilespmem:s26], [sflag:$0x3], $0x80, s29, s1, $0xb8;
	[tilespmem:$0x1C100] =	vst v63  }
0xf4: {  	_ =	swait.ge [sflag:s28], $0x4000  }
0xf5: {  	[sflag:s28] =	ssyncset.done $0x0  }
0xf6: {  	[sflag:s28] =	ssyncadd.s32 $0xFFFFC000  }
0xf7: {  	[tilespmem:s29], [sflag:$0x3] =	stream.linear.gather [hbm4b:s5+s3], $0x80, $0x38;
	[tilespmem:$0x1C100] =	vst v63  }
0xf8: {  	_ =	swait.ge [sflag:s28], $0x80  }
0xf9: {  	[sflag:s28] =	ssyncset.done $0x0  }
0xfa: {  	s14 =	sadd.s32 $0x1000, s16;
	[sflag:s28] =	ssyncadd.s32 $0xFFFFFF80  }
0xfb: {  	[tilespmem:s26], [sflag:$0x1] =	stream.linear.gather [hbm4b:s14+s3], $0x4000, $0x38;
	[tilespmem:$0x1C100] =	vst v63  }
0xfc: {  	_ =	swait.ge [sflag:s7], $0x4000  }
.Ltmp6:
0xfd: {  	[sflag:s7] =	ssyncset.done $0x0;
	(pc) =	sbr.rel @p1 .LBB2_8-.Ltmp6, $4  }
0xfe: {  	[sflag:s7] =	ssyncadd.s32 $0xFFFFC000  }
0xff: {  	[spmem:s2] =	stream.indirect.scatter.add.f32 [tilespmem:s31], [sflag:$0x3], $0x80, s30, s1, $0xb8;
	[tilespmem:$0x1C100] =	vst v63  }
0x100: {  	_ =	swait.ge [sflag:s28], $0x4000  }
0x101: {  	s5 =	sadd.s32 $0x20, s5;
	[sflag:s28] =	ssyncset.done $0x0  }
.Ltmp7:
0x102: {  	_ = 	snop;
	(pc) =	sbr.rel .LBB2_9-.Ltmp7, $1  }
0x103: {  	_ =	sdelay $0x3  }
.LBB2_11:
0x104: {  	_ =	sfence.sel $0x180000  }
0x105: {  	[bflag:$0x0] =	sbarrier.arrive $0xFFFF  }
0x106: {  	_ =	strace $0x9000004A  }
0x107: {  	s0 =	stileid.u32;
	[bflag:$0x2] =	sbarrier.arrive $0xFFFF  }
0x108: {  	p0 =	sne.s32 s0, $0x0;
	s0 =	rddreg [dreg:$0x3]  }
0x109: {  	s0 =	sadd.s32 @!p0 $0x100000, s0  }
0x10a: {  	[sflag:s0] =	ssyncadd.tile.s32 @!p0 $0x1;
	_ =	shalt  }
.Lfunc_end2:
_tile_overlayer_lowered:
.L_overlay_start_2:
0x10b: {  	(tag) =	ssettag $0x2  }
0x10c: {  	s0 =	rddreg [dreg:$0x0];
	s2 =	stileid.u32  }
0x10d: {  	s1 =	rddreg [dreg:$0x1];
	p0 =	sne.s32 s2, $0x0  }
0x10e: {  	s3 =	rddreg [dreg:$0x2];
	[bflag:$0x3] =	sbarrier.arrive $0xFFFF;
	s2 =	simm.s32 @!p0 $0x1C03  }
0x10f: {  	[timem:s3], [sflag:s2] =	dma.local @!p0 [hbm:s0], s1  }
0x110: {  	s0 =	simm.s32 @!p0 $0x3  }
0x111: {  	_ =	swait.ge @!p0 [sflag:s0], s1  }
0x112: {  	s1 =	ssub.s32 @!p0 $0x0, s1;
	[sflag:s0] =	ssyncset.done @!p0 $0x0  }
0x113: {  	[sflag:s0] =	ssyncadd.s32 @!p0 s1  }
0x114: {  	[bflag:$0x3] =	sbarrier.arrive $0xFFFF  }
0x115: {  	_ =	shalt  }

// kernel: kernel.7.cloned.1.call-start
scs
__scs_entry_jumppad:
0x0: {  	(pc) =	sbr.rel $0x88, $3  }
0x1: {  	(tag) =	ssettag $0x0;
	lr =	simm.s32 $0x1  }
0x2: {  	[smem:$0x3F8F] =	sst lr;
	_ =	strace $0xD0000000  }
0x3: {  	_ = 	snop  }
0x4: {  	_ = 	snop  }
0x5: {  	_ = 	snop  }
0x6: {  	_ = 	snop  }
0x7: {  	_ = 	snop  }
__scs_overlays_trampoline_lowered:
0x8: {  	[smem:$0x3F9E] =	sst s0  }
0x9: {  	[smem:$0x3F9F] =	sst s1  }
0xa: {  	[smem:$0x3FA0] =	sst s2  }
0xb: {  	[smem:$0x3FA1] =	sst s3  }
0xc: {  	[smem:$0x3FA2] =	sst s4  }
0xd: {  	[smem:$0x3FA3] =	sst s5  }
0xe: {  	[smem:$0x3FA4] =	sst s6  }
0xf: {  	[smem:$0x3FA5] =	sst s7  }
0x10: {  	[smem:$0x3FA6] =	sst s8  }
0x11: {  	[smem:$0x3FA7] =	sst s9;
	s0 =	simm.s32 @!p0 $0x0  }
0x12: {  	s1 =	sld [smem:$0x3F8D];
	s0 =	simm.s32 @p0 $0x1  }
0x13: {  	[smem:$0x3FA8] =	sst s0;
	s0 =	simm.s32 @!p1 $0x0  }
0x14: {  	s2 =	sld [smem:$0x3F8C];
	s0 =	simm.s32 @p1 $0x1  }
0x15: {  	[smem:$0x3FA9] =	sst s0;
	s0 =	simm.s32 @!p2 $0x0  }
0x16: {  	s3 =	sld [smem:$0x3FDB];
	s0 =	simm.s32 @p2 $0x1  }
0x17: {  	s4 =	simm.s32 $0x1BF5;
	[smem:$0x3FAB] =	sst s0  }
0x18: {  	s0 =	sld [smem:$0x3F8E];
	_ =	swait.ge [sflag:s4], $0x0  }
0x19: {  	s7 =	sld [smem:$0x3F8F]  }
0x1a: {  	s8 =	sadd.s32 $0xFFFFE003, lr  }
0x1b: {  	s9 =	sadd.s32 $0xFFFFFEF7, lr;
	s5 =	simm.s32 $0xFFFFFFFF;
	p2 =	slt.u32 s8, $0xFFFFF086  }
0x1c: {  	p1 =	slt.u32 s9, $0xF7A;
	s5 =	simm.s32 @!p2 $0x0  }
0x1d: {  	s5 =	simm.s32 @p1 $0x1;
	p0 =	seq.s32 s7, s2  }
0x1e: {  	s7 =	smul.u32 @!p0 $0xF7A, s2;
	p2 =	seq.s32 @!p0 s5, $0x0  }
0x1f: {  	s9 =	smul.u32 $0xF7A, s1;
	s8 =	simm.s32 @!p0 $0x1BF5;
	p2 =	por !p2, p0  }
0x20: {  	[sflag:s8] =	ssyncset.s32 @!p0 $0xFFFFF086;
	s6 =	sadd.s32 @!p0 s3, s7;
	s7 =	simm.s32 @!p0 $0x108  }
0x21: {  	s3 =	sadd.s32 s3, s9;
	s6 =	sadd.s32 @!p0 $0x88, s6;
	s7 =	simm.s32 @p2 $0x1082  }
0x22: {  	[simem:s7], [sflag:s8] =	dma.local @!p0 [hbm:s6], $0xF7A  }
0x23: {  	s9 =	sor.u32 $0xD0000000, s2;
	s6 =	simm.s32 $0x108;
	_ =	swait.ge @!p0 [sflag:s8], $0x0  }
0x24: {  	s3 =	sadd.s32 $0x88, s3;
	s6 =	simm.s32 @!p1 $0x1082;
	[sflag:s4] =	ssyncset.s32 $0xFFFFF086  }
0x25: {  	[simem:s6], [sflag:s4] =	dma.local [hbm:s3], $0xF7A  }
0x26: {  	[smem:$0x3F8F] =	sst s1;
	(tag) =	ssettag s2;
	_ =	strace s9  }
0x27: {  	s1 =	sld [smem:$0x3F9F]  }
0x28: {  	s2 =	sld [smem:$0x3FA0]  }
0x29: {  	s4 =	sld [smem:$0x3FA2]  }
0x2a: {  	p0 =	seq.s32 s5, $0x0;
	s5 =	sld [smem:$0x3FA3]  }
0x2b: {  	s6 =	sld [smem:$0x3FA4]  }
0x2c: {  	s7 =	sld [smem:$0x3FA5]  }
0x2d: {  	s3 =	simm.s32 $0x108;
	s8 =	sld [smem:$0x3FA6]  }
0x2e: {  	s3 =	simm.s32 @!p0 $0x1082;
	s9 =	sld [smem:$0x3FA7]  }
0x2f: {  	lr =	sadd.s32 s0, s3;
	s0 =	sld [smem:$0x3F9E]  }
0x30: {  	s3 =	sld [smem:$0x3FA1]  }
0x31: {  	[smem:$0x3FAA] =	sst s10  }
0x32: {  	s10 =	sld [smem:$0x3FA8];
	_ =	sdelay $0x3  }
0x33: {  	p0 =	seq.s32 s10, $0x1;
	s10 =	sld [smem:$0x3FAA];
	_ =	sdelay $0x3  }
0x34: {  	[smem:$0x3FAA] =	sst s10  }
0x35: {  	s10 =	sld [smem:$0x3FA9];
	_ =	sdelay $0x3  }
0x36: {  	p1 =	seq.s32 s10, $0x1;
	s10 =	sld [smem:$0x3FAA];
	_ =	sdelay $0x3  }
0x37: {  	[smem:$0x3FAA] =	sst s10  }
0x38: {  	s10 =	sld [smem:$0x3FAB]  }
0x39: {  	_ = 	snop;
	(pc) =	sbr.ind lr, $3  }
0x3a: {  	_ = 	snop  }
0x3b: {  	_ = 	snop  }
0x3c: {  	p2 =	seq.s32 s10, $0x1;
	s10 =	sld [smem:$0x3FAA]  }
0x3d: {  	_ =	shalt  }
0x3e: {  	_ =	shalt  }
0x3f: {  	_ =	shalt  }
0x40: {  	_ =	shalt  }
0x41: {  	_ =	shalt  }
0x42: {  	_ =	shalt  }
0x43: {  	_ =	shalt  }
0x44: {  	_ =	shalt  }
0x45: {  	_ =	shalt  }
0x46: {  	_ =	shalt  }
0x47: {  	_ =	shalt  }
0x48: {  	_ =	shalt  }
0x49: {  	_ =	shalt  }
0x4a: {  	_ =	shalt  }
0x4b: {  	_ =	shalt  }
0x4c: {  	_ =	shalt  }
0x4d: {  	_ =	shalt  }
0x4e: {  	_ =	shalt  }
0x4f: {  	_ =	shalt  }
0x50: {  	_ =	shalt  }
0x51: {  	_ =	shalt  }
0x52: {  	_ =	shalt  }
0x53: {  	_ =	shalt  }
0x54: {  	_ =	shalt  }
0x55: {  	_ =	shalt  }
0x56: {  	_ =	shalt  }
0x57: {  	_ =	shalt  }
0x58: {  	_ =	shalt  }
0x59: {  	_ =	shalt  }
0x5a: {  	_ =	shalt  }
0x5b: {  	_ =	shalt  }
0x5c: {  	_ =	shalt  }
0x5d: {  	_ =	shalt  }
0x5e: {  	_ =	shalt  }
0x5f: {  	_ =	shalt  }
0x60: {  	_ =	shalt  }
0x61: {  	_ =	shalt  }
0x62: {  	_ =	shalt  }
0x63: {  	_ =	shalt  }
0x64: {  	_ =	shalt  }
0x65: {  	_ =	shalt  }
0x66: {  	_ =	shalt  }
0x67: {  	_ =	shalt  }
0x68: {  	_ =	shalt  }
0x69: {  	_ =	shalt  }
0x6a: {  	_ =	shalt  }
0x6b: {  	_ =	shalt  }
0x6c: {  	_ =	shalt  }
0x6d: {  	_ =	shalt  }
0x6e: {  	_ =	shalt  }
0x6f: {  	_ =	shalt  }
0x70: {  	_ =	shalt  }
0x71: {  	_ =	shalt  }
0x72: {  	_ =	shalt  }
0x73: {  	_ =	shalt  }
0x74: {  	_ =	shalt  }
0x75: {  	_ =	shalt  }
0x76: {  	_ =	shalt  }
0x77: {  	_ =	shalt  }
0x78: {  	_ =	shalt  }
0x79: {  	_ =	shalt  }
0x7a: {  	_ =	shalt  }
0x7b: {  	_ =	shalt  }
0x7c: {  	_ =	shalt  }
0x7d: {  	_ =	shalt  }
0x7e: {  	_ =	shalt  }
0x7f: {  	_ =	shalt  }
0x80: {  	_ =	shalt  }
0x81: {  	_ =	shalt  }
0x82: {  	_ =	shalt  }
0x83: {  	_ =	shalt  }
0x84: {  	_ =	shalt  }
0x85: {  	_ =	shalt  }
0x86: {  	_ =	shalt  }
0x87: {  	_ =	shalt  }
.Lfunc_end0:
.L_simem_size_0:
called_computation_lowered:
.L_overlay_start_0:
0x88: {  	s2 =	sld [smem:$0x3FD9]  }
0x89: {  	s3 =	sld [smem:$0x3FFE];
	_ =	sdelay $0x1  }
0x8a: {  	s1 =	srdreg.scid  }
0x8b: {  	s0 =	sand.u32 $0x1, s1  }
0x8c: {  	s17 =	sshll.u32 s0, $0xA;
	s2 =	sadd.s32 s3, s2  }
0x8d: {  	s2 =	sadd.s32 s2, s17  }
0x8e: {  	[smem:$0x3FB6] =	sst s2  }
0x8f: {  	_ = 	snop  }
0x90: {  	s2 =	sld [smem:$0x3FD0];
	(tm) =	ssettm $0x1  }
0x91: {  	s18 =	sld [smem:$0x3FFB];
	_ =	sdelay $0x3  }
0x92: {  	_ =	strace s18  }
0x93: {  	s3 =	sld [smem:$0x3FFC];
	_ =	sdelay $0x3  }
0x94: {  	_ =	strace s3  }
0x95: {  	s3 =	sld [smem:$0x3FFD];
	_ =	sdelay $0x3  }
0x96: {  	_ =	strace s3  }
0x97: {  	_ =	strace $0x8FFFFFFF  }
0x98: {  	s19 =	sld [smem:$0x3FDB];
	_ =	sdelay $0x1  }
0x99: {  	s4 =	simm.s32 $_scs_section_size  }
0x9a: {  	s5 =	simm.s32 $_size__tile_overlayer_lowered;
	s6 =	simm.s32 $_tile_overlayer_lowered  }
0x9b: {  	s22 =	simm.s32 $0x1BFF;
	s21 =	sshll.u32 s6, $0x1;
	s3 =	sadd.s32 s4, s19  }
0x9c: {  	s7 =	simm.s32 $0x0;
	s20 =	sshll.u32 s5, $0x1;
	s5 =	sadd.s32 s21, s3  }
0x9d: {  	[timem:s7], [sflag:s22] =	dma.local [hbm:s5], s20  }
0x9e: {  	_ =	swait.ge [sflag:s22], s20  }
0x9f: {  	s4 =	ssub.s32 $0x0, s20;
	[sflag:s22] =	ssyncset.done $0x0  }
0xa0: {  	[sflag:s22] =	ssyncadd.s32 s4;
	_ =	sdelay $0x1  }
0xa1: {  	s23 =	simm.s32 $0x1B8B  }
0xa2: {  	_ =	swait.ge [sflag:s23], $0x1  }
0xa3: {  	[sflag:s23] =	ssyncset.done $0x0  }
0xa4: {  	s25 =	simm.s32 $0x1B8E;
	s24 =	sld [smem:$0x3FFE];
	[sflag:s23] =	ssyncadd.s32 $0xFFFFFFFF  }
0xa5: {  	s26 =	simm.s32 $execute0_lowered;
	[smem:$0x3FD2] =	sst s25  }
0xa6: {  	s5 =	sshll.u32 s26, $0x1;
	_ =	strace $0x80000046;
	[dreg:$0x1] =	wrdreg $0xFFFFFFFF  }
0xa7: {  	s28 =	simm.s32 $_size_execute0_lowered;
	s3 =	sadd.s32 s3, s5;
	[dreg:$0x0] =	wrdreg $0x0  }
0xa8: {  	s5 =	sshll.u32 s28, $0x1;
	[dreg:$0x2] =	wrdreg s3  }
0xa9: {  	[dreg:$0x3] =	wrdreg s5  }
0xaa: {  	[dreg:$0x4] =	wrdreg $0xC0  }
0xab: {  	_ =	task [dreg:s7], $0x5FFFF  }
0xac: {  	[dreg:$0x1] =	wrdreg $0xFFFFFFFF  }
0xad: {  	[dreg:$0x0] =	wrdreg $0x60  }
0xae: {  	[dreg:$0x2] =	wrdreg s24  }
0xaf: {  	[dreg:$0x3] =	wrdreg s2  }
0xb0: {  	[dreg:$0x4] =	wrdreg $0x9  }
0xb1: {  	_ =	task.clear_ibuf [dreg:s7], $0x5FFFF;
	_ =	strace $0x90000046  }
0xb2: {  	s29 =	simm.s32 $0x9;
	_ =	strace $0x80000048  }
0xb3: {  	_ =	swait.ge [sflag:s29], $0x1  }
0xb4: {  	[sflag:s29] =	ssyncadd.s32 $0xFFFFFFFF  }
0xb5: {  	_ =	strace $0x90000048  }
0xb6: {  	_ =	sfence  }
0xb7: {  	s30 =	sld [smem:$0x0];
	_ =	sdelay $0x2  }
0xb8: {  	s31 =	sshll.u32 s1, $0xD;
	s1 =	sshrl.u32 s1, $0x2  }
0xb9: {  	s3 =	sand.u32 $0x4000, s31;
	s1 =	sadd.s32 s1, s30  }
0xba: {  	s0 =	sor.u32 s3, s0;
	s1 =	sshll.u32 s1, $0x11  }
0xbb: {  	s0 =	sor.u32 s1, s0  }
0xbc: {  	s0 =	sadd.s32 $0x8F2B, s0  }
0xbd: {  	[sflag:s0] =	ssyncadd.remote.s32 $0x1  }
0xbe: {  	_ =	sfence.sel $0xFFFF  }
0xbf: {  	[dreg:$0x0] =	wrdreg $0xFFFFFFFF;
	(pc) =	sbr.abs _section_cstart, $3  }
0xc0: {  	[dreg:$0x1] =	wrdreg $0xFFFFFFFF  }
0xc1: {  	_ =	task.clear_ibuf [dreg:s7], $0x2FFFF;
	_ =	strace $0x9FFFFFFF  }
0xc2: {  	(tm) =	ssettm $0x7FFFFFFF  }
0xc3: {  	_ =	shalt  }
tec
execute0_lowered:
.L_overlay_start_1:
0x0: {  	(tag) =	ssettag $0x1  }
0x1: {  	s0 =	rddreg [dreg:$0x0]  }
0x2: {  	s4 =	rddreg [dreg:$0x1];
	s1 =	simm.s32 $0x0  }
0x3: {  	s7 =	srdreg.scid;
	s14 =	stileid.u32;
	s28 =	simm.s32 $0x2  }
0x4: {  	s29 =	simm.s32 $0x4;
	s30 =	simm.s32 $0x0;
	[smem:$0x7FF] =	sst s1  }
0x5: {  	s6 =	sadd.s32 $0x2BE00, s0;
	s2 =	sadd.s32 $0x3E00, s0;
	s3 =	sadd.s32 $0x36200, s0  }
0x6: {  	s5 =	sadd.s32 $0x5E200, s0;
	s8 =	sadd.s32 $0x86200, s0;
	s12 =	smul.u32 $0x3200, s14  }
0x7: {  	s7 =	sand.u32 $0x1, s7;
	s9 =	sadd.s32 $0x5A6200, s0;
	s13 =	smul.u32 $0x32000, s14  }
0x8: {  	s0 =	sadd.s32 $0xAC6200, s0;
	s18 =	smul.u32 $0x640, s14;
	s20 =	sshll.u32 s14, $0x11  }
0x9: {  	_ =	strace $0x80000047;
	s10 =	ssub.s32 $0x2, s7;
	p0 =	seq.s32 s7, $0x1  }
0xa: {  	s7 =	sshll.u32 s14, $0xA;
	s23 =	sadd.s32 s20, s9;
	s11 =	sshrl.u32 s10, $0x1  }
0xb: {  	s25 =	sshrl.u32 s12, $0x3;
	s26 =	sadd.s32 $0x6400, s7;
	s16 =	sadd.s32 s13, s0  }
0xc: {  	s17 =	sadd.s32 s13, s9;
	s19 =	sadd.s32 s13, s8;
	s21 =	sadd.s32 s18, s6  }
0xd: {  	s0 =	sadd.s32 s20, s0;
	s22 =	sadd.s32 s18, s4;
	[dreg:$0x7] =	wrdreg s23  }
0xe: {  	s18 =	simm.s32 $0x4100;
	s23 =	simm.s32 $0x10200;
	[dreg:$0x3] =	wrdreg s16  }
0xf: {  	s10 =	ssub.s32 s10, s11;
	s15 =	sadd.s32 s4, s25;
	[dreg:$0x4] =	wrdreg s17  }
0x10: {  	s11 =	sadd.s32 s6, s25;
	s31 =	sadd.s32 s4, s26;
	[dreg:$0x5] =	wrdreg s19  }
0x11: {  	[dreg:$0x6] =	wrdreg s0;
	s24 =	sadd.s32 $0x20, s21;
	s25 =	sadd.s32 $0x20, s22  }
0x12: {  	s4 =	sadd.s32 s7, s4;
	s16 =	simm.s32 $0x80;
	[dreg:$0x9] =	wrdreg s15  }
0x13: {  	s17 =	simm.s32 $0x100;
	s19 =	simm.s32 $0x8100;
	[dreg:$0xa] =	wrdreg s11  }
0x14: {  	s21 =	simm.s32 $0xC180;
	s22 =	simm.s32 $0xC200;
	[dreg:$0xb] =	wrdreg s31  }
0x15: {  	s15 =	sadd.s32 s6, s26;
	s10 =	smax.u32 s10, $0x1;
	[dreg:$0xe] =	wrdreg s24  }
.Ltmp0:
0x16: {  	[dreg:$0xf] =	wrdreg s25;
	s26 =	sadd.s32 s20, s8;
	(pc) =	sbr.rel .LBB2_1-.Ltmp0, $4  }
0x17: {  	s6 =	sadd.s32 s7, s6;
	s14 =	sadd.s32 $0x6410, s4;
	[dreg:$0xc] =	wrdreg s15  }
0x18: {  	s20 =	simm.s32 $0xC100;
	s24 =	simm.s32 $0x14200;
	[dreg:$0xd] =	wrdreg s10  }
0x19: {  	s25 =	simm.s32 $0x1;
	[dreg:$0x8] =	wrdreg s26;
	s31 =	sadd.s32 $0x6410, s6  }
0x1a: {  	s15 =	simm.s32 $0x5;
	s26 =	simm.s32 $0x3;
	[dreg:$0x10] =	wrdreg s31  }
.LBB2_7:
0x1b: {  	s6 =	simm.s32 @!p1 $0x4  }
0x1c: {  	[hbm4b:s8+s1] =	stream.linear.scatter [tilespmem:s24], [sflag:$0x4], $0x4000, $0x38;
	[tilespmem:$0x18200] =	vst v63  }
0x1d: {  	_ =	swait.ge @!p1 [sflag:s6], $0x4000  }
0x1e: {  	[sflag:s6] =	ssyncset.done @!p1 $0x0  }
0x1f: {  	[sflag:s6] =	ssyncadd.s32 @!p1 $0xFFFFC000  }
0x20: {  	_ =	swait.ge @!p1 [sflag:s6], $0x4000  }
0x21: {  	[sflag:s6] =	ssyncset.done @!p1 $0x0  }
0x22: {  	[sflag:s6] =	ssyncadd.s32 @!p1 $0xFFFFC000  }
0x23: {  	_ =	swait.ge @!p1 [sflag:s6], $0x4000  }
0x24: {  	[sflag:s6] =	ssyncset.done @!p1 $0x0  }
0x25: {  	[sflag:s6] =	ssyncadd.s32 @!p1 $0xFFFFC000  }
0x26: {  	[tilespmem:s20], [sflag:$0x5] =	stream.linear.gather [hbm4b:s4+s1], $0x80, $0x38;
	[tilespmem:$0x18200] =	vst v63  }
0x27: {  	_ =	swait.ge [sflag:s15], $0x80  }
0x28: {  	[sflag:s15] =	ssyncset.done $0x0  }
0x29: {  	[sflag:s15] =	ssyncadd.s32 $0xFFFFFF80  }
0x2a: {  	[tilespmem:s21], [sflag:$0x5] =	stream.linear.gather [hbm4b:s31+s1], $0x80, $0x38;
	[tilespmem:$0x18200] =	vst v63  }
0x2b: {  	_ =	swait.ge [sflag:s15], $0x80  }
0x2c: {  	[sflag:s15] =	ssyncset.done $0x0  }
0x2d: {  	[sflag:s15] =	ssyncadd.s32 $0xFFFFFF80  }
0x2e: {  	[tilespmem:s22], [sflag:$0x2] =	stream.indirect.gather [hbm4b:s2+s16], $0x80, s20, s16, $0xb8;
	[tilespmem:$0x18200] =	vst v63  }
0x2f: {  	_ = 	snop  }
0x30: {  	[tilespmem:s23], [sflag:$0x2] =	stream.indirect.gather [hbm4b:s3+s16], $0x80, s21, s16, $0xb8;
	[tilespmem:$0x18200] =	vst v63  }
0x31: {  	_ = 	snop  }
0x32: {  	[tilespmem:s24], [sflag:$0x2] =	stream.indirect.gather [hbm4b:s5+s16], $0x80, s21, s16, $0xb8;
	[tilespmem:$0x18200] =	vst v63  }
0x33: {  	_ =	swait.ge [sflag:s25], $0x4000  }
0x34: {  	[sflag:s25] =	ssyncset.done $0x0  }
0x35: {  	[sflag:s25] =	ssyncadd.s32 $0xFFFFC000  }
0x36: {  	_ =	swait.ge [sflag:s25], $0x4000  }
0x37: {  	[sflag:s25] =	ssyncset.done $0x0  }
0x38: {  	[sflag:s25] =	ssyncadd.s32 $0xFFFFC000  }
0x39: {  	_ =	swait.ge [sflag:s25], $0x4000  }
0x3a: {  	s12 =	rddreg [dreg:$0x8]  }
0x3b: {  	s7 =	rddreg [dreg:$0x7]  }
0x3c: {  	[sflag:s25] =	ssyncset.done $0x0;
	s9 =	rddreg [dreg:$0x6];
	s6 =	sadd.s32 s0, s12  }
0x3d: {  	[sflag:s25] =	ssyncadd.s32 $0xFFFFC000;
	s7 =	sadd.s32 s0, s7;
	s13 =	sadd.s32 $0x320000, s6  }
0x3e: {  	[hbm4b:s13+s1] =	stream.linear.scatter [tilespmem:s17], [sflag:$0x3], $0x4000, $0x38;
	[tilespmem:$0x18200] =	vst v63  }
0x3f: {  	s9 =	sadd.s32 s0, s9;
	s10 =	sadd.s32 $0x320000, s7  }
0x40: {  	[hbm4b:s10+s1] =	stream.linear.scatter [tilespmem:s18], [sflag:$0x3], $0x4000, $0x38;
	[tilespmem:$0x18200] =	vst v63  }
0x41: {  	s11 =	sadd.s32 $0x320000, s9  }
0x42: {  	[hbm4b:s11+s1] =	stream.linear.scatter [tilespmem:s19], [sflag:$0x3], $0x4000, $0x38;
	[tilespmem:$0x18200] =	vst v63  }
0x43: {  	_ =	swait.ge [sflag:s26], $0x4000  }
0x44: {  	[sflag:s26] =	ssyncset.done $0x0  }
0x45: {  	[sflag:s26] =	ssyncadd.s32 $0xFFFFC000  }
0x46: {  	_ =	swait.ge [sflag:s26], $0x4000  }
0x47: {  	[sflag:s26] =	ssyncset.done $0x0  }
0x48: {  	[sflag:s26] =	ssyncadd.s32 $0xFFFFC000  }
0x49: {  	p1 =	seq.s32 s0, $0x1F000;
	_ =	swait.ge [sflag:s26], $0x4000  }
0x4a: {  	s8 =	simm.s32 @!p1 $0x5;
	[sflag:s26] =	ssyncset.done $0x0  }
0x4b: {  	s0 =	sadd.s32 @!p1 $0x10, s4;
	s4 =	simm.s32 @!p1 $0x0;
	[sflag:s26] =	ssyncadd.s32 $0xFFFFC000  }
0x4c: {  	[tilespmem:s4], [sflag:$0x5] =	stream.linear.gather @!p1 [hbm4b:s0+s4], $0x80, $0x38;
	[tilespmem:$0x18200] =	vst v63  }
0x4d: {  	_ =	swait.ge @!p1 [sflag:s8], $0x80  }
0x4e: {  	[sflag:s8] =	ssyncset.done @!p1 $0x0  }
0x4f: {  	s10 =	simm.s32 @!p1 $0x80;
	s0 =	sadd.s32 @!p1 $0x10, s31;
	[sflag:s8] =	ssyncadd.s32 @!p1 $0xFFFFFF80  }
0x50: {  	[tilespmem:s10], [sflag:$0x5] =	stream.linear.gather @!p1 [hbm4b:s0+s4], $0x80, $0x38;
	[tilespmem:$0x18200] =	vst v63  }
0x51: {  	_ =	swait.ge @!p1 [sflag:s8], $0x80  }
0x52: {  	[sflag:s8] =	ssyncset.done @!p1 $0x0  }
0x53: {  	s0 =	simm.s32 @!p1 $0x100;
	[sflag:s8] =	ssyncadd.s32 @!p1 $0xFFFFFF80  }
0x54: {  	[tilespmem:s0], [sflag:$0x1] =	stream.indirect.gather @!p1 [hbm4b:s2+s10], $0x80, s4, s10, $0xb8;
	[tilespmem:$0x18200] =	vst v63  }
0x55: {  	s0 =	simm.s32 @!p1 $0x4100  }
0x56: {  	[tilespmem:s0], [sflag:$0x1] =	stream.indirect.gather @!p1 [hbm4b:s3+s10], $0x80, s10, s10, $0xb8;
	[tilespmem:$0x18200] =	vst v63  }
0x57: {  	s0 =	simm.s32 @!p1 $0x8100  }
0x58: {  	[tilespmem:s0], [sflag:$0x1] =	stream.indirect.gather @!p1 [hbm4b:s5+s10], $0x80, s10, s10, $0xb8;
	[tilespmem:$0x18200] =	vst v63  }
0x59: {  	_ =	swait.ge [sflag:s28], $0x4000  }
0x5a: {  	[sflag:s28] =	ssyncset.done $0x0  }
0x5b: {  	[sflag:s28] =	ssyncadd.s32 $0xFFFFC000  }
0x5c: {  	_ =	swait.ge [sflag:s28], $0x4000  }
0x5d: {  	[sflag:s28] =	ssyncset.done $0x0  }
0x5e: {  	[sflag:s28] =	ssyncadd.s32 $0xFFFFC000  }
0x5f: {  	_ =	swait.ge [sflag:s28], $0x4000  }
0x60: {  	[sflag:s28] =	ssyncset.done $0x0  }
0x61: {  	s12 =	sadd.s32 $0x320800, s6;
	[sflag:s28] =	ssyncadd.s32 $0xFFFFC000  }
0x62: {  	[hbm4b:s12+s1] =	stream.linear.scatter [tilespmem:s22], [sflag:$0x4], $0x4000, $0x38;
	[tilespmem:$0x18200] =	vst v63  }
0x63: {  	s13 =	sadd.s32 $0x320800, s7  }
0x64: {  	[hbm4b:s13+s1] =	stream.linear.scatter [tilespmem:s23], [sflag:$0x4], $0x4000, $0x38;
	[tilespmem:$0x18200] =	vst v63  }
0x65: {  	s31 =	sadd.s32 $0x320800, s9  }
0x66: {  	[hbm4b:s31+s1] =	stream.linear.scatter [tilespmem:s24], [sflag:$0x4], $0x4000, $0x38;
	[tilespmem:$0x18200] =	vst v63  }
.LBB2_8:
0x67: {  	_ =	swait.ge [sflag:s29], $0x4000  }
0x68: {  	[sflag:s29] =	ssyncset.done $0x0  }
0x69: {  	[sflag:s29] =	ssyncadd.s32 $0xFFFFC000  }
0x6a: {  	_ =	swait.ge [sflag:s29], $0x4000  }
0x6b: {  	[sflag:s29] =	ssyncset.done $0x0  }
0x6c: {  	[sflag:s29] =	ssyncadd.s32 $0xFFFFC000  }
0x6d: {  	_ =	swait.ge [sflag:s29], $0x4000  }
0x6e: {  	s30 =	sadd.s32 $0x1, s30;
	s0 =	rddreg [dreg:$0xd]  }
0x6f: {  	p1 =	sne.s32 s30, s0  }
.Ltmp1:
0x70: {  	_ = 	snop;
	(pc) =	sbr.rel @!p1 .LBB2_9-.Ltmp1, $3  }
0x71: {  	_ =	sdelay $0x1  }
0x72: {  	[sflag:s29] =	ssyncset.done $0x0  }
0x73: {  	[sflag:s29] =	ssyncadd.s32 $0xFFFFC000  }
.LBB2_1:
.Ltmp2:
0x74: {  	(pc) =	sbr.rel @!p0 .LBB2_2-.Ltmp2, $2  }
0x75: {  	_ =	sdelay $0x2  }
0x76: {  	s0 =	simm.s32 $0x0  }
0x77: {  	s4 =	rddreg [dreg:$0xb]  }
0x78: {  	[tilespmem:s0], [sflag:$0x5] =	stream.linear.gather [hbm4b:s4+s0], $0x80, $0x38;
	[tilespmem:$0x18200] =	vst v63  }
0x79: {  	_ =	swait.ge [sflag:s15], $0x80  }
0x7a: {  	[sflag:s15] =	ssyncset.done $0x0  }
0x7b: {  	s7 =	rddreg [dreg:$0xc];
	[sflag:s15] =	ssyncadd.s32 $0xFFFFFF80  }
0x7c: {  	[tilespmem:s16], [sflag:$0x5] =	stream.linear.gather [hbm4b:s7+s0], $0x80, $0x38;
	[tilespmem:$0x18200] =	vst v63  }
0x7d: {  	_ =	swait.ge [sflag:s15], $0x80  }
0x7e: {  	[sflag:s15] =	ssyncset.done $0x0  }
0x7f: {  	p1 =	por $0x1, $0x1;
	[sflag:s15] =	ssyncadd.s32 $0xFFFFFF80  }
0x80: {  	[tilespmem:s17], [sflag:$0x1] =	stream.indirect.gather [hbm4b:s2+s16], $0x80, s0, s16, $0xb8;
	[tilespmem:$0x18200] =	vst v63  }
0x81: {  	p1 =	por p1, p1  }
0x82: {  	[tilespmem:s18], [sflag:$0x1] =	stream.indirect.gather [hbm4b:s3+s16], $0x80, s16, s16, $0xb8;
	[tilespmem:$0x18200] =	vst v63  }
0x83: {  	s0 =	simm.s32 @!p1 $0x4  }
0x84: {  	[tilespmem:s19], [sflag:$0x1] =	stream.indirect.gather [hbm4b:s5+s16], $0x80, s16, s16, $0xb8;
	[tilespmem:$0x18200] =	vst v63  }
0x85: {  	_ =	swait.ge @!p1 [sflag:s0], $0x4000  }
0x86: {  	[sflag:s0] =	ssyncset.done @!p1 $0x0  }
0x87: {  	[sflag:s0] =	ssyncadd.s32 @!p1 $0xFFFFC000  }
0x88: {  	_ =	swait.ge @!p1 [sflag:s0], $0x4000  }
0x89: {  	[sflag:s0] =	ssyncset.done @!p1 $0x0  }
0x8a: {  	[sflag:s0] =	ssyncadd.s32 @!p1 $0xFFFFC000  }
0x8b: {  	_ =	swait.ge @!p1 [sflag:s0], $0x4000  }
0x8c: {  	[sflag:s0] =	ssyncset.done @!p1 $0x0  }
0x8d: {  	[sflag:s0] =	ssyncadd.s32 @!p1 $0xFFFFC000  }
0x8e: {  	[tilespmem:s20], [sflag:$0x5] =	stream.linear.gather [hbm4b:s14+s1], $0x80, $0x38;
	[tilespmem:$0x18200] =	vst v63  }
0x8f: {  	_ =	swait.ge [sflag:s15], $0x80  }
0x90: {  	[sflag:s15] =	ssyncset.done $0x0  }
0x91: {  	s11 =	rddreg [dreg:$0x10];
	[sflag:s15] =	ssyncadd.s32 $0xFFFFFF80  }
0x92: {  	[tilespmem:s21], [sflag:$0x5] =	stream.linear.gather [hbm4b:s11+s1], $0x80, $0x38;
	[tilespmem:$0x18200] =	vst v63  }
0x93: {  	_ =	swait.ge [sflag:s15], $0x80  }
0x94: {  	[sflag:s15] =	ssyncset.done $0x0  }
0x95: {  	[sflag:s15] =	ssyncadd.s32 $0xFFFFFF80  }
0x96: {  	[tilespmem:s22], [sflag:$0x2] =	stream.indirect.gather [hbm4b:s2+s16], $0x80, s20, s16, $0xb8;
	[tilespmem:$0x18200] =	vst v63  }
0x97: {  	_ = 	snop  }
0x98: {  	[tilespmem:s23], [sflag:$0x2] =	stream.indirect.gather [hbm4b:s3+s16], $0x80, s21, s16, $0xb8;
	[tilespmem:$0x18200] =	vst v63  }
0x99: {  	_ = 	snop  }
0x9a: {  	[tilespmem:s24], [sflag:$0x2] =	stream.indirect.gather [hbm4b:s5+s16], $0x80, s21, s16, $0xb8;
	[tilespmem:$0x18200] =	vst v63  }
0x9b: {  	_ =	swait.ge [sflag:s25], $0x4000  }
0x9c: {  	[sflag:s25] =	ssyncset.done $0x0  }
0x9d: {  	[sflag:s25] =	ssyncadd.s32 $0xFFFFC000  }
0x9e: {  	_ =	swait.ge [sflag:s25], $0x4000  }
0x9f: {  	[sflag:s25] =	ssyncset.done $0x0  }
0xa0: {  	[sflag:s25] =	ssyncadd.s32 $0xFFFFC000  }
0xa1: {  	_ =	swait.ge [sflag:s25], $0x4000  }
0xa2: {  	s8 =	rddreg [dreg:$0x8]  }
0xa3: {  	s9 =	rddreg [dreg:$0x7]  }
0xa4: {  	[sflag:s25] =	ssyncset.done $0x0;
	s7 =	rddreg [dreg:$0x6];
	s0 =	sadd.s32 $0x0, s8  }
0xa5: {  	[sflag:s25] =	ssyncadd.s32 $0xFFFFC000;
	s4 =	sadd.s32 $0x0, s9;
	s6 =	sadd.s32 $0x320000, s0  }
0xa6: {  	[hbm4b:s6+s1] =	stream.linear.scatter [tilespmem:s17], [sflag:$0x3], $0x4000, $0x38;
	[tilespmem:$0x18200] =	vst v63  }
0xa7: {  	s7 =	sadd.s32 $0x0, s7;
	s10 =	sadd.s32 $0x320000, s4  }
0xa8: {  	[hbm4b:s10+s1] =	stream.linear.scatter [tilespmem:s18], [sflag:$0x3], $0x4000, $0x38;
	[tilespmem:$0x18200] =	vst v63  }
0xa9: {  	s12 =	sadd.s32 $0x320000, s7  }
0xaa: {  	[hbm4b:s12+s1] =	stream.linear.scatter [tilespmem:s19], [sflag:$0x3], $0x4000, $0x38;
	[tilespmem:$0x18200] =	vst v63  }
0xab: {  	_ =	swait.ge [sflag:s26], $0x4000  }
0xac: {  	[sflag:s26] =	ssyncset.done $0x0  }
0xad: {  	[sflag:s26] =	ssyncadd.s32 $0xFFFFC000  }
0xae: {  	_ =	swait.ge [sflag:s26], $0x4000  }
0xaf: {  	[sflag:s26] =	ssyncset.done $0x0  }
0xb0: {  	[sflag:s26] =	ssyncadd.s32 $0xFFFFC000  }
0xb1: {  	p1 =	por $0x0, $0x0;
	_ =	swait.ge [sflag:s26], $0x4000  }
0xb2: {  	s8 =	simm.s32 @!p1 $0x0;
	[sflag:s26] =	ssyncset.done $0x0  }
0xb3: {  	s9 =	simm.s32 @!p1 $0x5;
	s6 =	sadd.s32 @!p1 $0x10, s14;
	[sflag:s26] =	ssyncadd.s32 $0xFFFFC000  }
0xb4: {  	[tilespmem:s8], [sflag:$0x5] =	stream.linear.gather @!p1 [hbm4b:s6+s8], $0x80, $0x38;
	[tilespmem:$0x18200] =	vst v63  }
0xb5: {  	_ =	swait.ge @!p1 [sflag:s9], $0x80  }
0xb6: {  	[sflag:s9] =	ssyncset.done @!p1 $0x0  }
0xb7: {  	s10 =	simm.s32 @!p1 $0x80;
	s6 =	sadd.s32 @!p1 $0x10, s11;
	[sflag:s9] =	ssyncadd.s32 @!p1 $0xFFFFFF80  }
0xb8: {  	[tilespmem:s10], [sflag:$0x5] =	stream.linear.gather @!p1 [hbm4b:s6+s8], $0x80, $0x38;
	[tilespmem:$0x18200] =	vst v63  }
0xb9: {  	_ =	swait.ge @!p1 [sflag:s9], $0x80  }
0xba: {  	[sflag:s9] =	ssyncset.done @!p1 $0x0  }
0xbb: {  	s6 =	simm.s32 @!p1 $0x100;
	[sflag:s9] =	ssyncadd.s32 @!p1 $0xFFFFFF80  }
0xbc: {  	[tilespmem:s6], [sflag:$0x1] =	stream.indirect.gather @!p1 [hbm4b:s2+s10], $0x80, s8, s10, $0xb8;
	[tilespmem:$0x18200] =	vst v63  }
0xbd: {  	s6 =	simm.s32 @!p1 $0x4100  }
0xbe: {  	[tilespmem:s6], [sflag:$0x1] =	stream.indirect.gather @!p1 [hbm4b:s3+s10], $0x80, s10, s10, $0xb8;
	[tilespmem:$0x18200] =	vst v63  }
0xbf: {  	s6 =	simm.s32 @!p1 $0x8100  }
0xc0: {  	[tilespmem:s6], [sflag:$0x1] =	stream.indirect.gather @!p1 [hbm4b:s5+s10], $0x80, s10, s10, $0xb8;
	[tilespmem:$0x18200] =	vst v63  }
0xc1: {  	_ =	swait.ge [sflag:s28], $0x4000  }
0xc2: {  	[sflag:s28] =	ssyncset.done $0x0  }
0xc3: {  	[sflag:s28] =	ssyncadd.s32 $0xFFFFC000  }
0xc4: {  	_ =	swait.ge [sflag:s28], $0x4000  }
0xc5: {  	[sflag:s28] =	ssyncset.done $0x0  }
0xc6: {  	[sflag:s28] =	ssyncadd.s32 $0xFFFFC000  }
0xc7: {  	p6 =	por $0x0, $0x0;
	s31 =	sadd.s32 $0x20, s11;
	_ =	swait.ge [sflag:s28], $0x4000  }
0xc8: {  	s0 =	sadd.s32 $0x320800, s0;
	s13 =	sadd.s32 $0x320800, s4;
	[sflag:s28] =	ssyncset.done $0x0  }
0xc9: {  	s4 =	sadd.s32 $0x20, s14;
	s8 =	sadd.s32 $0x320800, s7;
	[sflag:s28] =	ssyncadd.s32 $0xFFFFC000  }
0xca: {  	[hbm4b:s0+s1] =	stream.linear.scatter [tilespmem:s22], [sflag:$0x4], $0x4000, $0x38;
	[tilespmem:$0x18200] =	vst v63  }
0xcb: {  	s6 =	simm.s32 $0x2000;
	p1 =	por p6, p6;
	s0 =	simm.s32 $0x1000  }
0xcc: {  	[hbm4b:s13+s1] =	stream.linear.scatter [tilespmem:s23], [sflag:$0x4], $0x4000, $0x38;
	[tilespmem:$0x18200] =	vst v63  }
.LBB2_6:
0xcd: {  	s9 =	simm.s32 @!p1 $0x4  }
0xce: {  	[hbm4b:s8+s1] =	stream.linear.scatter [tilespmem:s24], [sflag:$0x4], $0x4000, $0x38;
	[tilespmem:$0x18200] =	vst v63  }
0xcf: {  	_ =	swait.ge @!p1 [sflag:s9], $0x4000  }
0xd0: {  	[sflag:s9] =	ssyncset.done @!p1 $0x0  }
0xd1: {  	[sflag:s9] =	ssyncadd.s32 @!p1 $0xFFFFC000  }
0xd2: {  	_ =	swait.ge @!p1 [sflag:s9], $0x4000  }
0xd3: {  	[sflag:s9] =	ssyncset.done @!p1 $0x0  }
0xd4: {  	[sflag:s9] =	ssyncadd.s32 @!p1 $0xFFFFC000  }
0xd5: {  	_ =	swait.ge @!p1 [sflag:s9], $0x4000  }
0xd6: {  	[sflag:s9] =	ssyncset.done @!p1 $0x0  }
0xd7: {  	[sflag:s9] =	ssyncadd.s32 @!p1 $0xFFFFC000  }
0xd8: {  	[tilespmem:s20], [sflag:$0x5] =	stream.linear.gather [hbm4b:s4+s1], $0x80, $0x38;
	[tilespmem:$0x18200] =	vst v63  }
0xd9: {  	_ =	swait.ge [sflag:s15], $0x80  }
0xda: {  	[sflag:s15] =	ssyncset.done $0x0  }
0xdb: {  	[sflag:s15] =	ssyncadd.s32 $0xFFFFFF80  }
0xdc: {  	[tilespmem:s21], [sflag:$0x5] =	stream.linear.gather [hbm4b:s31+s1], $0x80, $0x38;
	[tilespmem:$0x18200] =	vst v63  }
0xdd: {  	_ =	swait.ge [sflag:s15], $0x80  }
0xde: {  	[sflag:s15] =	ssyncset.done $0x0  }
0xdf: {  	[sflag:s15] =	ssyncadd.s32 $0xFFFFFF80  }
0xe0: {  	[tilespmem:s22], [sflag:$0x2] =	stream.indirect.gather [hbm4b:s2+s16], $0x80, s20, s16, $0xb8;
	[tilespmem:$0x18200] =	vst v63  }
0xe1: {  	_ = 	snop  }
0xe2: {  	[tilespmem:s23], [sflag:$0x2] =	stream.indirect.gather [hbm4b:s3+s16], $0x80, s21, s16, $0xb8;
	[tilespmem:$0x18200] =	vst v63  }
0xe3: {  	_ = 	snop  }
0xe4: {  	[tilespmem:s24], [sflag:$0x2] =	stream.indirect.gather [hbm4b:s5+s16], $0x80, s21, s16, $0xb8;
	[tilespmem:$0x18200] =	vst v63  }
0xe5: {  	_ =	swait.ge [sflag:s25], $0x4000  }
0xe6: {  	[sflag:s25] =	ssyncset.done $0x0  }
0xe7: {  	[sflag:s25] =	ssyncadd.s32 $0xFFFFC000  }
0xe8: {  	_ =	swait.ge [sflag:s25], $0x4000  }
0xe9: {  	[sflag:s25] =	ssyncset.done $0x0  }
0xea: {  	[sflag:s25] =	ssyncadd.s32 $0xFFFFC000  }
0xeb: {  	_ =	swait.ge [sflag:s25], $0x4000  }
0xec: {  	s10 =	rddreg [dreg:$0x8]  }
0xed: {  	[sflag:s25] =	ssyncset.done $0x0;
	s8 =	sadd.s32 s0, s10  }
0xee: {  	s11 =	rddreg [dreg:$0x7];
	[sflag:s25] =	ssyncadd.s32 $0xFFFFC000;
	s10 =	sadd.s32 $0x320000, s8  }
0xef: {  	[hbm4b:s10+s1] =	stream.linear.scatter [tilespmem:s17], [sflag:$0x3], $0x4000, $0x38;
	[tilespmem:$0x18200] =	vst v63  }
0xf0: {  	s12 =	rddreg [dreg:$0x6];
	s10 =	sadd.s32 s0, s11  }
0xf1: {  	s9 =	sadd.s32 s0, s12;
	s13 =	sadd.s32 $0x320000, s10  }
0xf2: {  	[hbm4b:s13+s1] =	stream.linear.scatter [tilespmem:s18], [sflag:$0x3], $0x4000, $0x38;
	[tilespmem:$0x18200] =	vst v63  }
0xf3: {  	s12 =	sadd.s32 $0x320000, s9  }
0xf4: {  	[hbm4b:s12+s1] =	stream.linear.scatter [tilespmem:s19], [sflag:$0x3], $0x4000, $0x38;
	[tilespmem:$0x18200] =	vst v63  }
0xf5: {  	_ =	swait.ge [sflag:s26], $0x4000  }
0xf6: {  	[sflag:s26] =	ssyncset.done $0x0  }
0xf7: {  	[sflag:s26] =	ssyncadd.s32 $0xFFFFC000  }
0xf8: {  	_ =	swait.ge [sflag:s26], $0x4000  }
0xf9: {  	[sflag:s26] =	ssyncset.done $0x0  }
0xfa: {  	p3 =	seq.s32 s6, $0x0;
	s7 =	smov.u32 s6;
	[sflag:s26] =	ssyncadd.s32 $0xFFFFC000  }
0xfb: {  	p1 =	por p3, p3;
	p3 =	seq.s32 s0, $0x1F000;
	_ =	swait.ge [sflag:s26], $0x4000  }
0xfc: {  	s0 =	smov.u32 s7;
	s7 =	sadd.s32 @!p3 $0x10, s4;
	[sflag:s26] =	ssyncset.done $0x0  }
0xfd: {  	s13 =	simm.s32 @!p3 $0x5;
	s12 =	simm.s32 @!p3 $0x0;
	[sflag:s26] =	ssyncadd.s32 $0xFFFFC000  }
0xfe: {  	[tilespmem:s12], [sflag:$0x5] =	stream.linear.gather @!p3 [hbm4b:s7+s12], $0x80, $0x38;
	[tilespmem:$0x18200] =	vst v63  }
0xff: {  	_ =	swait.ge @!p3 [sflag:s13], $0x80  }
0x100: {  	[sflag:s13] =	ssyncset.done @!p3 $0x0  }
0x101: {  	s11 =	simm.s32 @!p3 $0x80;
	s7 =	sadd.s32 @!p3 $0x10, s31;
	[sflag:s13] =	ssyncadd.s32 @!p3 $0xFFFFFF80  }
0x102: {  	[tilespmem:s11], [sflag:$0x5] =	stream.linear.gather @!p3 [hbm4b:s7+s12], $0x80, $0x38;
	[tilespmem:$0x18200] =	vst v63  }
0x103: {  	_ =	swait.ge @!p3 [sflag:s13], $0x80  }
0x104: {  	[sflag:s13] =	ssyncset.done @!p3 $0x0  }
0x105: {  	s7 =	simm.s32 @!p3 $0x100;
	[sflag:s13] =	ssyncadd.s32 @!p3 $0xFFFFFF80  }
0x106: {  	[tilespmem:s7], [sflag:$0x1] =	stream.indirect.gather @!p3 [hbm4b:s2+s11], $0x80, s12, s11, $0xb8;
	[tilespmem:$0x18200] =	vst v63  }
0x107: {  	s13 =	simm.s32 @!p3 $0x4100  }
0x108: {  	[tilespmem:s13], [sflag:$0x1] =	stream.indirect.gather @!p3 [hbm4b:s3+s11], $0x80, s11, s11, $0xb8;
	[tilespmem:$0x18200] =	vst v63  }
0x109: {  	s7 =	simm.s32 @!p3 $0x8100  }
0x10a: {  	[tilespmem:s7], [sflag:$0x1] =	stream.indirect.gather @!p3 [hbm4b:s5+s11], $0x80, s11, s11, $0xb8;
	[tilespmem:$0x18200] =	vst v63  }
0x10b: {  	_ =	swait.ge [sflag:s28], $0x4000  }
0x10c: {  	[sflag:s28] =	ssyncset.done $0x0  }
0x10d: {  	[sflag:s28] =	ssyncadd.s32 $0xFFFFC000  }
0x10e: {  	_ =	swait.ge [sflag:s28], $0x4000  }
0x10f: {  	[sflag:s28] =	ssyncset.done $0x0  }
0x110: {  	s6 =	sadd.s32 $0x1000, s6;
	[sflag:s28] =	ssyncadd.s32 $0xFFFFC000  }
0x111: {  	p2 =	sne.s32 s6, $0x20000;
	_ =	swait.ge [sflag:s28], $0x4000  }
.Ltmp3:
0x112: {  	[sflag:s28] =	ssyncset.done $0x0;
	(pc) =	sbr.rel @p2 .LBB2_6-.Ltmp3, $4  }
0x113: {  	s4 =	sadd.s32 $0x20, s4;
	s13 =	sadd.s32 $0x320800, s8;
	[sflag:s28] =	ssyncadd.s32 $0xFFFFC000  }
0x114: {  	[hbm4b:s13+s1] =	stream.linear.scatter [tilespmem:s22], [sflag:$0x4], $0x4000, $0x38;
	[tilespmem:$0x18200] =	vst v63  }
0x115: {  	s10 =	sadd.s32 $0x320800, s10;
	s31 =	sadd.s32 $0x20, s31;
	s8 =	sadd.s32 $0x320800, s9  }
0x116: {  	[hbm4b:s10+s1] =	stream.linear.scatter [tilespmem:s23], [sflag:$0x4], $0x4000, $0x38;
	[tilespmem:$0x18200] =	vst v63  }
.Ltmp4:
0x117: {  	_ = 	snop;
	(pc) =	sbr.rel .LBB2_7-.Ltmp4, $1  }
0x118: {  	_ =	sdelay $0x3  }
.LBB2_2:
0x119: {  	s4 =	rddreg [dreg:$0x9]  }
0x11a: {  	[tilespmem:s0], [sflag:$0x5] =	stream.linear.gather [hbm4b:s4+s0], $0x80, $0x38;
	[tilespmem:$0x18200] =	vst v63  }
0x11b: {  	_ =	swait.ge [sflag:s15], $0x80  }
0x11c: {  	[sflag:s15] =	ssyncset.done $0x0  }
0x11d: {  	s7 =	rddreg [dreg:$0xa];
	[sflag:s15] =	ssyncadd.s32 $0xFFFFFF80  }
0x11e: {  	[tilespmem:s16], [sflag:$0x5] =	stream.linear.gather [hbm4b:s7+s0], $0x80, $0x38;
	[tilespmem:$0x18200] =	vst v63  }
0x11f: {  	_ =	swait.ge [sflag:s15], $0x80  }
0x120: {  	[sflag:s15] =	ssyncset.done $0x0  }
0x121: {  	[sflag:s15] =	ssyncadd.s32 $0xFFFFFF80  }
0x122: {  	[tilespmem:s17], [sflag:$0x1] =	stream.indirect.gather [hbm4b:s2+s16], $0x80, s0, s16, $0xb8;
	[tilespmem:$0x18200] =	vst v63  }
0x123: {  	p1 =	por $0x1, $0x1  }
0x124: {  	[tilespmem:s18], [sflag:$0x1] =	stream.indirect.gather [hbm4b:s3+s16], $0x80, s16, s16, $0xb8;
	[tilespmem:$0x18200] =	vst v63  }
0x125: {  	s0 =	simm.s32 @!p1 $0x4  }
0x126: {  	[tilespmem:s19], [sflag:$0x1] =	stream.indirect.gather [hbm4b:s5+s16], $0x80, s16, s16, $0xb8;
	[tilespmem:$0x18200] =	vst v63  }
0x127: {  	_ =	swait.ge @!p1 [sflag:s0], $0x4000  }
0x128: {  	[sflag:s0] =	ssyncset.done @!p1 $0x0  }
0x129: {  	[sflag:s0] =	ssyncadd.s32 @!p1 $0xFFFFC000  }
0x12a: {  	_ =	swait.ge @!p1 [sflag:s0], $0x4000  }
0x12b: {  	[sflag:s0] =	ssyncset.done @!p1 $0x0  }
0x12c: {  	[sflag:s0] =	ssyncadd.s32 @!p1 $0xFFFFC000  }
0x12d: {  	_ =	swait.ge @!p1 [sflag:s0], $0x4000  }
0x12e: {  	[sflag:s0] =	ssyncset.done @!p1 $0x0;
	s10 =	rddreg [dreg:$0xf]  }
0x12f: {  	[sflag:s0] =	ssyncadd.s32 @!p1 $0xFFFFC000;
	s8 =	sadd.s32 $0xFFFFFFF0, s10  }
0x130: {  	[tilespmem:s20], [sflag:$0x5] =	stream.linear.gather [hbm4b:s8+s1], $0x80, $0x38;
	[tilespmem:$0x18200] =	vst v63  }
0x131: {  	_ =	swait.ge [sflag:s15], $0x80  }
0x132: {  	[sflag:s15] =	ssyncset.done $0x0;
	s31 =	rddreg [dreg:$0xe]  }
0x133: {  	[sflag:s15] =	ssyncadd.s32 $0xFFFFFF80;
	s9 =	sadd.s32 $0xFFFFFFF0, s31  }
0x134: {  	[tilespmem:s21], [sflag:$0x5] =	stream.linear.gather [hbm4b:s9+s1], $0x80, $0x38;
	[tilespmem:$0x18200] =	vst v63  }
0x135: {  	_ =	swait.ge [sflag:s15], $0x80  }
0x136: {  	[sflag:s15] =	ssyncset.done $0x0  }
0x137: {  	[sflag:s15] =	ssyncadd.s32 $0xFFFFFF80  }
0x138: {  	[tilespmem:s22], [sflag:$0x2] =	stream.indirect.gather [hbm4b:s2+s16], $0x80, s20, s16, $0xb8;
	[tilespmem:$0x18200] =	vst v63  }
0x139: {  	_ = 	snop  }
0x13a: {  	[tilespmem:s23], [sflag:$0x2] =	stream.indirect.gather [hbm4b:s3+s16], $0x80, s21, s16, $0xb8;
	[tilespmem:$0x18200] =	vst v63  }
0x13b: {  	_ = 	snop  }
0x13c: {  	[tilespmem:s24], [sflag:$0x2] =	stream.indirect.gather [hbm4b:s5+s16], $0x80, s21, s16, $0xb8;
	[tilespmem:$0x18200] =	vst v63  }
0x13d: {  	_ =	swait.ge [sflag:s25], $0x4000  }
0x13e: {  	[sflag:s25] =	ssyncset.done $0x0  }
0x13f: {  	[sflag:s25] =	ssyncadd.s32 $0xFFFFC000  }
0x140: {  	_ =	swait.ge [sflag:s25], $0x4000  }
0x141: {  	[sflag:s25] =	ssyncset.done $0x0  }
0x142: {  	[sflag:s25] =	ssyncadd.s32 $0xFFFFC000  }
0x143: {  	_ =	swait.ge [sflag:s25], $0x4000  }
0x144: {  	s11 =	rddreg [dreg:$0x5];
	[sflag:s25] =	ssyncset.done $0x0  }
0x145: {  	s12 =	rddreg [dreg:$0x4];
	[sflag:s25] =	ssyncadd.s32 $0xFFFFC000;
	s0 =	sadd.s32 $0x0, s11  }
0x146: {  	[hbm4b:s0+s1] =	stream.linear.scatter [tilespmem:s17], [sflag:$0x3], $0x4000, $0x38;
	[tilespmem:$0x18200] =	vst v63  }
0x147: {  	s6 =	rddreg [dreg:$0x3];
	s4 =	sadd.s32 $0x0, s12  }
0x148: {  	[hbm4b:s4+s1] =	stream.linear.scatter [tilespmem:s18], [sflag:$0x3], $0x4000, $0x38;
	[tilespmem:$0x18200] =	vst v63  }
0x149: {  	s7 =	sadd.s32 $0x0, s6  }
0x14a: {  	[hbm4b:s7+s1] =	stream.linear.scatter [tilespmem:s19], [sflag:$0x3], $0x4000, $0x38;
	[tilespmem:$0x18200] =	vst v63  }
0x14b: {  	_ =	swait.ge [sflag:s26], $0x4000  }
0x14c: {  	[sflag:s26] =	ssyncset.done $0x0  }
0x14d: {  	[sflag:s26] =	ssyncadd.s32 $0xFFFFC000  }
0x14e: {  	_ =	swait.ge [sflag:s26], $0x4000  }
0x14f: {  	[sflag:s26] =	ssyncset.done $0x0  }
0x150: {  	[sflag:s26] =	ssyncadd.s32 $0xFFFFC000  }
0x151: {  	_ =	swait.ge [sflag:s26], $0x4000  }
0x152: {  	p1 =	por $0x0, $0x0;
	[sflag:s26] =	ssyncset.done $0x0  }
0x153: {  	s8 =	simm.s32 @!p1 $0x5;
	s6 =	simm.s32 @!p1 $0x0;
	[sflag:s26] =	ssyncadd.s32 $0xFFFFC000  }
0x154: {  	[tilespmem:s6], [sflag:$0x5] =	stream.linear.gather @!p1 [hbm4b:s10+s6], $0x80, $0x38;
	[tilespmem:$0x18200] =	vst v63  }
0x155: {  	_ =	swait.ge @!p1 [sflag:s8], $0x80  }
0x156: {  	[sflag:s8] =	ssyncset.done @!p1 $0x0  }
0x157: {  	s9 =	simm.s32 @!p1 $0x80;
	[sflag:s8] =	ssyncadd.s32 @!p1 $0xFFFFFF80  }
0x158: {  	[tilespmem:s9], [sflag:$0x5] =	stream.linear.gather @!p1 [hbm4b:s31+s6], $0x80, $0x38;
	[tilespmem:$0x18200] =	vst v63  }
0x159: {  	_ =	swait.ge @!p1 [sflag:s8], $0x80  }
0x15a: {  	[sflag:s8] =	ssyncset.done @!p1 $0x0  }
0x15b: {  	[sflag:s8] =	ssyncadd.s32 @!p1 $0xFFFFFF80;
	s8 =	simm.s32 @!p1 $0x100  }
0x15c: {  	[tilespmem:s8], [sflag:$0x1] =	stream.indirect.gather @!p1 [hbm4b:s2+s9], $0x80, s6, s9, $0xb8;
	[tilespmem:$0x18200] =	vst v63  }
0x15d: {  	s6 =	simm.s32 @!p1 $0x4100  }
0x15e: {  	[tilespmem:s6], [sflag:$0x1] =	stream.indirect.gather @!p1 [hbm4b:s3+s9], $0x80, s9, s9, $0xb8;
	[tilespmem:$0x18200] =	vst v63  }
0x15f: {  	s6 =	simm.s32 @!p1 $0x8100  }
0x160: {  	[tilespmem:s6], [sflag:$0x1] =	stream.indirect.gather @!p1 [hbm4b:s5+s9], $0x80, s9, s9, $0xb8;
	[tilespmem:$0x18200] =	vst v63  }
0x161: {  	_ =	swait.ge [sflag:s28], $0x4000  }
0x162: {  	[sflag:s28] =	ssyncset.done $0x0  }
0x163: {  	[sflag:s28] =	ssyncadd.s32 $0xFFFFC000  }
0x164: {  	_ =	swait.ge [sflag:s28], $0x4000  }
0x165: {  	[sflag:s28] =	ssyncset.done $0x0  }
0x166: {  	[sflag:s28] =	ssyncadd.s32 $0xFFFFC000  }
0x167: {  	_ =	swait.ge [sflag:s28], $0x4000  }
0x168: {  	p2 =	por $0x0, $0x0;
	s0 =	sadd.s32 $0x800, s0;
	[sflag:s28] =	ssyncset.done $0x0  }
0x169: {  	s13 =	sadd.s32 $0x800, s4;
	s4 =	simm.s32 $0x1000;
	[sflag:s28] =	ssyncadd.s32 $0xFFFFC000  }
0x16a: {  	[hbm4b:s0+s1] =	stream.linear.scatter [tilespmem:s22], [sflag:$0x4], $0x4000, $0x38;
	[tilespmem:$0x18200] =	vst v63  }
0x16b: {  	s8 =	sadd.s32 $0x800, s7;
	s6 =	simm.s32 $0x2000;
	s0 =	sadd.s32 $0x20, s10  }
0x16c: {  	[hbm4b:s13+s1] =	stream.linear.scatter [tilespmem:s23], [sflag:$0x4], $0x4000, $0x38;
	[tilespmem:$0x18200] =	vst v63  }
.LBB2_3:
0x16d: {  	s9 =	simm.s32 @!p2 $0x4  }
0x16e: {  	[hbm4b:s8+s1] =	stream.linear.scatter [tilespmem:s24], [sflag:$0x4], $0x4000, $0x38;
	[tilespmem:$0x18200] =	vst v63  }
0x16f: {  	_ =	swait.ge @!p2 [sflag:s9], $0x4000  }
0x170: {  	[sflag:s9] =	ssyncset.done @!p2 $0x0  }
0x171: {  	[sflag:s9] =	ssyncadd.s32 @!p2 $0xFFFFC000  }
0x172: {  	_ =	swait.ge @!p2 [sflag:s9], $0x4000  }
0x173: {  	[sflag:s9] =	ssyncset.done @!p2 $0x0  }
0x174: {  	[sflag:s9] =	ssyncadd.s32 @!p2 $0xFFFFC000  }
0x175: {  	_ =	swait.ge @!p2 [sflag:s9], $0x4000  }
0x176: {  	[sflag:s9] =	ssyncset.done @!p2 $0x0  }
0x177: {  	s11 =	sadd.s32 $0xFFFFFFF0, s0;
	[sflag:s9] =	ssyncadd.s32 @!p2 $0xFFFFC000  }
0x178: {  	[tilespmem:s20], [sflag:$0x5] =	stream.linear.gather [hbm4b:s11+s1], $0x80, $0x38;
	[tilespmem:$0x18200] =	vst v63  }
0x179: {  	_ =	swait.ge [sflag:s15], $0x80  }
0x17a: {  	s31 =	sadd.s32 $0x20, s31;
	[sflag:s15] =	ssyncset.done $0x0  }
0x17b: {  	s12 =	sadd.s32 $0xFFFFFFF0, s31;
	[sflag:s15] =	ssyncadd.s32 $0xFFFFFF80  }
0x17c: {  	[tilespmem:s21], [sflag:$0x5] =	stream.linear.gather [hbm4b:s12+s1], $0x80, $0x38;
	[tilespmem:$0x18200] =	vst v63  }
0x17d: {  	_ =	swait.ge [sflag:s15], $0x80  }
0x17e: {  	[sflag:s15] =	ssyncset.done $0x0  }
0x17f: {  	[sflag:s15] =	ssyncadd.s32 $0xFFFFFF80  }
0x180: {  	[tilespmem:s22], [sflag:$0x2] =	stream.indirect.gather [hbm4b:s2+s16], $0x80, s20, s16, $0xb8;
	[tilespmem:$0x18200] =	vst v63  }
0x181: {  	_ = 	snop  }
0x182: {  	[tilespmem:s23], [sflag:$0x2] =	stream.indirect.gather [hbm4b:s3+s16], $0x80, s21, s16, $0xb8;
	[tilespmem:$0x18200] =	vst v63  }
0x183: {  	_ = 	snop  }
0x184: {  	[tilespmem:s24], [sflag:$0x2] =	stream.indirect.gather [hbm4b:s5+s16], $0x80, s21, s16, $0xb8;
	[tilespmem:$0x18200] =	vst v63  }
0x185: {  	_ =	swait.ge [sflag:s25], $0x4000  }
0x186: {  	[sflag:s25] =	ssyncset.done $0x0  }
0x187: {  	[sflag:s25] =	ssyncadd.s32 $0xFFFFC000  }
0x188: {  	_ =	swait.ge [sflag:s25], $0x4000  }
0x189: {  	[sflag:s25] =	ssyncset.done $0x0  }
0x18a: {  	[sflag:s25] =	ssyncadd.s32 $0xFFFFC000  }
0x18b: {  	_ =	swait.ge [sflag:s25], $0x4000  }
0x18c: {  	s13 =	rddreg [dreg:$0x5];
	[sflag:s25] =	ssyncset.done $0x0  }
0x18d: {  	s10 =	rddreg [dreg:$0x4];
	[sflag:s25] =	ssyncadd.s32 $0xFFFFC000;
	s8 =	sadd.s32 s4, s13  }
0x18e: {  	[hbm4b:s8+s1] =	stream.linear.scatter [tilespmem:s17], [sflag:$0x3], $0x4000, $0x38;
	[tilespmem:$0x18200] =	vst v63  }
0x18f: {  	s12 =	rddreg [dreg:$0x3];
	s10 =	sadd.s32 s4, s10  }
0x190: {  	[hbm4b:s10+s1] =	stream.linear.scatter [tilespmem:s18], [sflag:$0x3], $0x4000, $0x38;
	[tilespmem:$0x18200] =	vst v63  }
0x191: {  	s11 =	sadd.s32 s4, s12  }
0x192: {  	[hbm4b:s11+s1] =	stream.linear.scatter [tilespmem:s19], [sflag:$0x3], $0x4000, $0x38;
	[tilespmem:$0x18200] =	vst v63  }
0x193: {  	_ =	swait.ge [sflag:s26], $0x4000  }
0x194: {  	[sflag:s26] =	ssyncset.done $0x0  }
0x195: {  	[sflag:s26] =	ssyncadd.s32 $0xFFFFC000  }
0x196: {  	_ =	swait.ge [sflag:s26], $0x4000  }
0x197: {  	[sflag:s26] =	ssyncset.done $0x0  }
0x198: {  	[sflag:s26] =	ssyncadd.s32 $0xFFFFC000  }
0x199: {  	s7 =	smov.u32 s6;
	_ =	swait.ge [sflag:s26], $0x4000  }
0x19a: {  	p2 =	seq.s32 s4, $0x31000;
	s4 =	smov.u32 s7;
	[sflag:s26] =	ssyncset.done $0x0  }
0x19b: {  	s7 =	simm.s32 @!p2 $0x0;
	s12 =	simm.s32 @!p2 $0x5;
	[sflag:s26] =	ssyncadd.s32 $0xFFFFC000  }
0x19c: {  	[tilespmem:s7], [sflag:$0x5] =	stream.linear.gather @!p2 [hbm4b:s0+s7], $0x80, $0x38;
	[tilespmem:$0x18200] =	vst v63  }
0x19d: {  	_ =	swait.ge @!p2 [sflag:s12], $0x80  }
0x19e: {  	[sflag:s12] =	ssyncset.done @!p2 $0x0  }
0x19f: {  	s13 =	simm.s32 @!p2 $0x80;
	[sflag:s12] =	ssyncadd.s32 @!p2 $0xFFFFFF80  }
0x1a0: {  	[tilespmem:s13], [sflag:$0x5] =	stream.linear.gather @!p2 [hbm4b:s31+s7], $0x80, $0x38;
	[tilespmem:$0x18200] =	vst v63  }
0x1a1: {  	_ =	swait.ge @!p2 [sflag:s12], $0x80  }
0x1a2: {  	[sflag:s12] =	ssyncset.done @!p2 $0x0  }
0x1a3: {  	[sflag:s12] =	ssyncadd.s32 @!p2 $0xFFFFFF80;
	s12 =	simm.s32 @!p2 $0x100  }
0x1a4: {  	[tilespmem:s12], [sflag:$0x1] =	stream.indirect.gather @!p2 [hbm4b:s2+s13], $0x80, s7, s13, $0xb8;
	[tilespmem:$0x18200] =	vst v63  }
0x1a5: {  	s7 =	simm.s32 @!p2 $0x4100  }
0x1a6: {  	[tilespmem:s7], [sflag:$0x1] =	stream.indirect.gather @!p2 [hbm4b:s3+s13], $0x80, s13, s13, $0xb8;
	[tilespmem:$0x18200] =	vst v63  }
0x1a7: {  	s7 =	simm.s32 @!p2 $0x8100  }
0x1a8: {  	[tilespmem:s7], [sflag:$0x1] =	stream.indirect.gather @!p2 [hbm4b:s5+s13], $0x80, s13, s13, $0xb8;
	[tilespmem:$0x18200] =	vst v63  }
0x1a9: {  	_ =	swait.ge [sflag:s28], $0x4000  }
0x1aa: {  	[sflag:s28] =	ssyncset.done $0x0  }
0x1ab: {  	[sflag:s28] =	ssyncadd.s32 $0xFFFFC000  }
0x1ac: {  	_ =	swait.ge [sflag:s28], $0x4000  }
0x1ad: {  	[sflag:s28] =	ssyncset.done $0x0  }
0x1ae: {  	s6 =	sadd.s32 $0x1000, s6;
	[sflag:s28] =	ssyncadd.s32 $0xFFFFC000  }
0x1af: {  	p1 =	seq.s32 s6, $0x32000;
	_ =	swait.ge [sflag:s28], $0x4000  }
.Ltmp5:
0x1b0: {  	[sflag:s28] =	ssyncset.done $0x0;
	(pc) =	sbr.rel @!p1 .LBB2_3-.Ltmp5, $4  }
0x1b1: {  	s0 =	sadd.s32 $0x20, s0;
	s12 =	sadd.s32 $0x800, s8;
	[sflag:s28] =	ssyncadd.s32 $0xFFFFC000  }
0x1b2: {  	[hbm4b:s12+s1] =	stream.linear.scatter [tilespmem:s22], [sflag:$0x4], $0x4000, $0x38;
	[tilespmem:$0x18200] =	vst v63  }
0x1b3: {  	s8 =	sadd.s32 $0x800, s11;
	p2 =	seq.s32 s4, $0x0;
	s13 =	sadd.s32 $0x800, s10  }
0x1b4: {  	[hbm4b:s13+s1] =	stream.linear.scatter [tilespmem:s23], [sflag:$0x4], $0x4000, $0x38;
	[tilespmem:$0x18200] =	vst v63  }
0x1b5: {  	s6 =	simm.s32 @!p2 $0x4  }
0x1b6: {  	[hbm4b:s8+s1] =	stream.linear.scatter [tilespmem:s24], [sflag:$0x4], $0x4000, $0x38;
	[tilespmem:$0x18200] =	vst v63  }
0x1b7: {  	_ =	swait.ge @!p2 [sflag:s6], $0x4000  }
0x1b8: {  	[sflag:s6] =	ssyncset.done @!p2 $0x0  }
0x1b9: {  	[sflag:s6] =	ssyncadd.s32 @!p2 $0xFFFFC000  }
0x1ba: {  	_ =	swait.ge @!p2 [sflag:s6], $0x4000  }
0x1bb: {  	[sflag:s6] =	ssyncset.done @!p2 $0x0  }
0x1bc: {  	[sflag:s6] =	ssyncadd.s32 @!p2 $0xFFFFC000  }
0x1bd: {  	_ =	swait.ge @!p2 [sflag:s6], $0x4000  }
0x1be: {  	[sflag:s6] =	ssyncset.done @!p2 $0x0  }
0x1bf: {  	s9 =	sadd.s32 $0xFFFFFFF0, s0;
	[sflag:s6] =	ssyncadd.s32 @!p2 $0xFFFFC000  }
0x1c0: {  	[tilespmem:s20], [sflag:$0x5] =	stream.linear.gather [hbm4b:s9+s1], $0x80, $0x38;
	[tilespmem:$0x18200] =	vst v63  }
0x1c1: {  	_ =	swait.ge [sflag:s15], $0x80  }
0x1c2: {  	s6 =	sadd.s32 $0x20, s31;
	[sflag:s15] =	ssyncset.done $0x0  }
0x1c3: {  	s7 =	sadd.s32 $0xFFFFFFF0, s6;
	[sflag:s15] =	ssyncadd.s32 $0xFFFFFF80  }
0x1c4: {  	[tilespmem:s21], [sflag:$0x5] =	stream.linear.gather [hbm4b:s7+s1], $0x80, $0x38;
	[tilespmem:$0x18200] =	vst v63  }
0x1c5: {  	_ =	swait.ge [sflag:s15], $0x80  }
0x1c6: {  	[sflag:s15] =	ssyncset.done $0x0  }
0x1c7: {  	[sflag:s15] =	ssyncadd.s32 $0xFFFFFF80  }
0x1c8: {  	[tilespmem:s22], [sflag:$0x2] =	stream.indirect.gather [hbm4b:s2+s16], $0x80, s20, s16, $0xb8;
	[tilespmem:$0x18200] =	vst v63  }
0x1c9: {  	_ = 	snop  }
0x1ca: {  	[tilespmem:s23], [sflag:$0x2] =	stream.indirect.gather [hbm4b:s3+s16], $0x80, s21, s16, $0xb8;
	[tilespmem:$0x18200] =	vst v63  }
0x1cb: {  	_ = 	snop  }
0x1cc: {  	[tilespmem:s24], [sflag:$0x2] =	stream.indirect.gather [hbm4b:s5+s16], $0x80, s21, s16, $0xb8;
	[tilespmem:$0x18200] =	vst v63  }
0x1cd: {  	_ =	swait.ge [sflag:s25], $0x4000  }
0x1ce: {  	[sflag:s25] =	ssyncset.done $0x0  }
0x1cf: {  	[sflag:s25] =	ssyncadd.s32 $0xFFFFC000  }
0x1d0: {  	_ =	swait.ge [sflag:s25], $0x4000  }
0x1d1: {  	[sflag:s25] =	ssyncset.done $0x0  }
0x1d2: {  	[sflag:s25] =	ssyncadd.s32 $0xFFFFC000  }
0x1d3: {  	_ =	swait.ge [sflag:s25], $0x4000  }
0x1d4: {  	s10 =	rddreg [dreg:$0x5];
	[sflag:s25] =	ssyncset.done $0x0  }
0x1d5: {  	s11 =	rddreg [dreg:$0x4];
	[sflag:s25] =	ssyncadd.s32 $0xFFFFC000;
	s7 =	sadd.s32 s4, s10  }
0x1d6: {  	[hbm4b:s7+s1] =	stream.linear.scatter [tilespmem:s17], [sflag:$0x3], $0x4000, $0x38;
	[tilespmem:$0x18200] =	vst v63  }
0x1d7: {  	s9 =	rddreg [dreg:$0x3];
	s8 =	sadd.s32 s4, s11  }
0x1d8: {  	[hbm4b:s8+s1] =	stream.linear.scatter [tilespmem:s18], [sflag:$0x3], $0x4000, $0x38;
	[tilespmem:$0x18200] =	vst v63  }
0x1d9: {  	s9 =	sadd.s32 s4, s9  }
0x1da: {  	[hbm4b:s9+s1] =	stream.linear.scatter [tilespmem:s19], [sflag:$0x3], $0x4000, $0x38;
	[tilespmem:$0x18200] =	vst v63  }
0x1db: {  	_ =	swait.ge [sflag:s26], $0x4000  }
0x1dc: {  	[sflag:s26] =	ssyncset.done $0x0  }
0x1dd: {  	[sflag:s26] =	ssyncadd.s32 $0xFFFFC000  }
0x1de: {  	_ =	swait.ge [sflag:s26], $0x4000  }
0x1df: {  	[sflag:s26] =	ssyncset.done $0x0  }
0x1e0: {  	[sflag:s26] =	ssyncadd.s32 $0xFFFFC000  }
0x1e1: {  	_ =	swait.ge [sflag:s26], $0x4000  }
0x1e2: {  	p1 =	seq.s32 s4, $0x31000;
	[sflag:s26] =	ssyncset.done $0x0  }
0x1e3: {  	s4 =	simm.s32 @!p1 $0x0;
	s10 =	simm.s32 @!p1 $0x5;
	[sflag:s26] =	ssyncadd.s32 $0xFFFFC000  }
0x1e4: {  	[tilespmem:s4], [sflag:$0x5] =	stream.linear.gather @!p1 [hbm4b:s0+s4], $0x80, $0x38;
	[tilespmem:$0x18200] =	vst v63  }
0x1e5: {  	_ =	swait.ge @!p1 [sflag:s10], $0x80  }
0x1e6: {  	[sflag:s10] =	ssyncset.done @!p1 $0x0  }
0x1e7: {  	s0 =	simm.s32 @!p1 $0x80;
	[sflag:s10] =	ssyncadd.s32 @!p1 $0xFFFFFF80  }
0x1e8: {  	[tilespmem:s0], [sflag:$0x5] =	stream.linear.gather @!p1 [hbm4b:s6+s4], $0x80, $0x38;
	[tilespmem:$0x18200] =	vst v63  }
0x1e9: {  	_ =	swait.ge @!p1 [sflag:s10], $0x80  }
0x1ea: {  	[sflag:s10] =	ssyncset.done @!p1 $0x0  }
0x1eb: {  	s6 =	simm.s32 @!p1 $0x100;
	[sflag:s10] =	ssyncadd.s32 @!p1 $0xFFFFFF80  }
0x1ec: {  	[tilespmem:s6], [sflag:$0x1] =	stream.indirect.gather @!p1 [hbm4b:s2+s0], $0x80, s4, s0, $0xb8;
	[tilespmem:$0x18200] =	vst v63  }
0x1ed: {  	s4 =	simm.s32 @!p1 $0x4100  }
0x1ee: {  	[tilespmem:s4], [sflag:$0x1] =	stream.indirect.gather @!p1 [hbm4b:s3+s0], $0x80, s0, s0, $0xb8;
	[tilespmem:$0x18200] =	vst v63  }
0x1ef: {  	s4 =	simm.s32 @!p1 $0x8100  }
0x1f0: {  	[tilespmem:s4], [sflag:$0x1] =	stream.indirect.gather @!p1 [hbm4b:s5+s0], $0x80, s0, s0, $0xb8;
	[tilespmem:$0x18200] =	vst v63  }
0x1f1: {  	_ =	swait.ge [sflag:s28], $0x4000  }
0x1f2: {  	[sflag:s28] =	ssyncset.done $0x0  }
0x1f3: {  	[sflag:s28] =	ssyncadd.s32 $0xFFFFC000  }
0x1f4: {  	_ =	swait.ge [sflag:s28], $0x4000  }
0x1f5: {  	[sflag:s28] =	ssyncset.done $0x0  }
0x1f6: {  	[sflag:s28] =	ssyncadd.s32 $0xFFFFC000  }
0x1f7: {  	_ =	swait.ge [sflag:s28], $0x4000  }
0x1f8: {  	[sflag:s28] =	ssyncset.done $0x0  }
0x1f9: {  	s12 =	sadd.s32 $0x800, s7;
	[sflag:s28] =	ssyncadd.s32 $0xFFFFC000  }
0x1fa: {  	[hbm4b:s12+s1] =	stream.linear.scatter [tilespmem:s22], [sflag:$0x4], $0x4000, $0x38;
	[tilespmem:$0x18200] =	vst v63  }
.Ltmp6:
0x1fb: {  	_ = 	snop;
	(pc) =	sbr.rel .LBB2_8-.Ltmp6, $4  }
0x1fc: {  	s13 =	sadd.s32 $0x800, s8  }
0x1fd: {  	[hbm4b:s13+s1] =	stream.linear.scatter [tilespmem:s23], [sflag:$0x4], $0x4000, $0x38;
	[tilespmem:$0x18200] =	vst v63  }
0x1fe: {  	s31 =	sadd.s32 $0x800, s9  }
0x1ff: {  	[hbm4b:s31+s1] =	stream.linear.scatter [tilespmem:s24], [sflag:$0x4], $0x4000, $0x38;
	[tilespmem:$0x18200] =	vst v63  }
.LBB2_9:
0x200: {  	_ =	sfence.sel $0x180000  }
0x201: {  	[bflag:$0x0] =	sbarrier.arrive $0xFFFF  }
0x202: {  	_ =	strace $0x90000047  }
0x203: {  	s0 =	stileid.u32;
	[bflag:$0x2] =	sbarrier.arrive $0xFFFF  }
0x204: {  	p0 =	sne.s32 s0, $0x0;
	s0 =	rddreg [dreg:$0x2]  }
0x205: {  	s0 =	sadd.s32 @!p0 $0x100000, s0  }
0x206: {  	[sflag:s0] =	ssyncadd.tile.s32 @!p0 $0x1;
	_ =	shalt  }
.Lfunc_end2:
_tile_overlayer_lowered:
.L_overlay_start_2:
0x207: {  	(tag) =	ssettag $0x2  }
0x208: {  	s0 =	rddreg [dreg:$0x0];
	s2 =	stileid.u32  }
0x209: {  	s1 =	rddreg [dreg:$0x1];
	p0 =	sne.s32 s2, $0x0  }
0x20a: {  	s3 =	rddreg [dreg:$0x2];
	[bflag:$0x3] =	sbarrier.arrive $0xFFFF;
	s2 =	simm.s32 @!p0 $0x1C05  }
0x20b: {  	[timem:s3], [sflag:s2] =	dma.local @!p0 [hbm:s0], s1  }
0x20c: {  	s0 =	simm.s32 @!p0 $0x5  }
0x20d: {  	_ =	swait.ge @!p0 [sflag:s0], s1  }
0x20e: {  	s1 =	ssub.s32 @!p0 $0x0, s1;
	[sflag:s0] =	ssyncset.done @!p0 $0x0  }
0x20f: {  	[sflag:s0] =	ssyncadd.s32 @!p0 s1  }
0x210: {  	[bflag:$0x3] =	sbarrier.arrive $0xFFFF  }
0x211: {  	_ =	shalt  }

</sc_bundles>
